<compile_context>
chip_gen: v7x
topology: tpu7x:2x2x1
jax: 0.10.2.dev20260603
libtpu: 0.0.44.dev20260713+nightly
codegen_flags: <defaults>
</compile_context>

<pallas_src>
import functools

import jax
import jax.numpy as jnp
from jax import lax
from jax.experimental import pallas as pl
from jax.experimental.pallas import tpu as pltpu
from jax.experimental.pallas import tpu_sc as plsc

B = 4096
F = 26
VOCAB = 100000
D = 32

NC = 2
NS = 16
L = 16
G = D // 8
FPC = F // NC
NGRP = FPC * G
BPT = B // NS
CH = 128
VMAIN = 99968
VOCABP = VMAIN + 128

_mesh = plsc.VectorSubcoreMesh(core_axis_name="c", subcore_axis_name="s")


@functools.partial(
    pl.kernel,
    mesh=_mesh,
    out_type=jax.ShapeDtypeStruct((F * D, B), jnp.float32),
    scratch_types=[
        pltpu.VMEM_SHARED((8 * VOCABP,), jnp.float32),
        pltpu.VMEM_SHARED((8 * VOCABP,), jnp.float32),
        pltpu.VMEM((8, BPT), jnp.int32),
        pltpu.VMEM((8, BPT), jnp.int32),
        pltpu.VMEM((8, BPT), jnp.float32),
        pltpu.SemaphoreType.DMA,
        pltpu.SemaphoreType.DMA,
    ],
    compiler_params=pltpu.CompilerParams(use_tc_tiling_on_sc=True),
)
def _emb(xt_hbm, tab_hbm, tail_hbm, out_hbm, sp0, sp1, xblk_v, idx_v, plane_v,
         sem_s, sem_g):
    cid = lax.axis_index("c")
    sid = lax.axis_index("s")
    fbase = cid * FPC
    bcol = pl.multiple_of(sid * BPT, 128)

    def stage(fq, gq, sp):
        for sl in range(8):
            pltpu.async_copy(
                tab_hbm.at[fq, gq, sl, pl.ds(0, VMAIN)],
                sp.at[pl.ds(sl * VOCABP, VMAIN)],
                sem_s,
            )
            pltpu.async_copy(
                tail_hbm.at[fq, gq, sl],
                sp.at[pl.ds(sl * VOCABP + VMAIN, 128)],
                sem_s,
            )

    def stage_wait(sp):
        for sl in range(8):
            pltpu.make_async_copy(
                tab_hbm.at[0, 0, sl, pl.ds(0, VMAIN)],
                sp.at[pl.ds(sl * VOCABP, VMAIN)],
                sem_s,
            ).wait()
            pltpu.make_async_copy(
                tail_hbm.at[0, 0, sl],
                sp.at[pl.ds(sl * VOCABP + VMAIN, 128)],
                sem_s,
            ).wait()

    @pl.when(sid == 0)
    def _():
        stage(fbase, 0, sp0)

    @pl.loop(0, NGRP, step=2)
    def _grp(gi):
        for h, sp in ((0, sp0), (1, sp1)):
            gq = gi + h
            f = fbase + gq // G
            g = gq % G

            @pl.when(sid == 0)
            def _():
                stage_wait(sp)

            plsc.subcore_barrier()

            @pl.when(jnp.logical_and(sid == 0, gq + 1 < NGRP))
            def _():
                nxt = gq + 1
                stage(fbase + nxt // G, nxt % G, sp1 if h == 0 else sp0)

            @pl.when(g == 0)
            def _():
                frow8 = pl.multiple_of((f // 8) * 8, 8)
                pltpu.sync_copy(
                    xt_hbm.at[pl.ds(frow8, 8), pl.ds(bcol, BPT)], xblk_v
                )

            fr = f % 8

            @pl.loop(0, BPT // L)
            def _add(c):
                s = pl.ds(c * L, L)
                v16 = xblk_v[fr, s]
                for sl in range(8):
                    idx_v[sl, s] = v16 + (sl * VOCABP)

            copies = [
                pltpu.async_copy(
                    sp.at[idx_v.at[sl, pl.ds(j * CH, CH)]],
                    plane_v.at[sl, pl.ds(j * CH, CH)],
                    sem_g,
                )
                for sl in range(8)
                for j in range(BPT // CH)
            ]
            for cp in copies:
                cp.wait()

            row0 = pl.multiple_of(f * D + g * 8, 8)
            pltpu.sync_copy(
                plane_v, out_hbm.at[pl.ds(row0, 8), pl.ds(bcol, BPT)]
            )


def kernel(X, tables):
    xt = jnp.pad(X.T, ((0, 32 - F), (0, 0)))
    tab = tables.transpose(0, 2, 1).reshape(F, G, 8, VOCAB)
    tail = jnp.pad(
        tables[:, VMAIN:, :].transpose(0, 2, 1), ((0, 0), (0, 0), (0, 96))
    ).reshape(F, G, 8, 128)
    out = _emb(xt, tab, tail)
    return out.reshape(F, D, B).transpose(2, 0, 1)

# --- scband reference (transcript-rebuilt; emitter-appended) ---
"""Pipeline reference for scband-feature-embedding-81776177315907 (READ-ONLY COPY).

The authoritative reference and input builder live on the scoring server;
editing this copy changes nothing except your own understanding.
"""

import jax, jax.numpy as jnp
import numpy as np

B = 4096
F = 26
VOCAB = 100000
D = 32


def setup_inputs(seed: int = 0) -> dict:
    key = jax.random.key(seed)
    k1, k2 = jax.random.split(key)
    # batch of categorical indices, one column per sparse field
    X = jax.random.randint(k1, (B, F), 0, VOCAB, dtype=jnp.int32)
    # one embedding table per field, initialized like nn.init.normal_(std=1e-4)
    tables = jax.random.normal(k2, (F, VOCAB, D), dtype=jnp.float32) * 1e-4
    return {"X": X, "tables": tables}


def reference(X, tables):
    # FeatureEmbeddingDict.forward: per-field embedding lookup table_f[X[:, f]]
    # FeatureEmbedding.forward with flatten_emb=False: stack along field dim -> [B, F, D]
    def lookup(table_f, idx_f):
        return jnp.take(table_f, idx_f, axis=0)  # [B, D]
    feature_emb = jax.vmap(lookup, in_axes=(0, 1), out_axes=1)(tables, X)  # [B, F, D]
    return feature_emb

if __name__ == "__main__":
    import jax
    _d = setup_inputs()
    print(jax.jit(kernel)(*tuple(_d.values())))

</pallas_src>

<mosaic_0001>
#map = affine_map<(d0, d1) -> (0, 0)>
#map1 = affine_map<(d0, d1) -> (0, 0, 0, 0)>
module attributes {stable_mosaic.version = 14 : i64} {
  func.func @_emb(%arg0: i32, %arg1: i32, %arg2: memref<32x4096xi32, #tpu.memory_space<hbm>>, %arg3: memref<26x4x8x100000xf32, #tpu.memory_space<hbm>>, %arg4: memref<26x4x8x128xf32, #tpu.memory_space<hbm>>, %arg5: memref<832x4096xf32, #tpu.memory_space<hbm>>, %arg6: memref<800768xf32, #tpu.memory_space<vmem_shared>>, %arg7: memref<800768xf32, #tpu.memory_space<vmem_shared>>, %arg8: memref<8x256xi32, #tpu.memory_space<vmem>>, %arg9: memref<8x256xi32, #tpu.memory_space<vmem>>, %arg10: memref<8x256xf32, #tpu.memory_space<vmem>>, %arg11: memref<!tpu.dma_semaphore, #tpu.memory_space<semaphore_mem>>, %arg12: memref<!tpu.dma_semaphore, #tpu.memory_space<semaphore_mem>>) attributes {dimension_semantics = [#tpu.dimension_semantics<core_parallel>, #tpu.dimension_semantics<subcore_parallel>], iteration_bounds = array<i64: 2, 16>, scalar_prefetch = 0 : i64, scratch_operands = 7 : i64, tpu.core_type = #tpu.core_type<sc_vector_subcore>, window_params = [{transform_indices = #map}, {transform_indices = #map1}, {transform_indices = #map1}, {transform_indices = #map}]} {
    %mul3A = arith.constant 13 : i32
    %mul3A_0 = arith.muli %arg0, %mul3A : i32
    %mul3A_1 = arith.constant 256 : i32
    %mul3A_2 = arith.muli %arg1, %mul3A_1 : i32
    %multiple_of3A = tpu.assume_multiple %mul3A_2, 128 : i32
    %eq3A = arith.constant 0 : i32
    %eq3A_3 = arith.cmpi eq, %arg1, %eq3A : i32
    %convert_element_type3A = arith.extui %eq3A_3 : i1 to i32
    %cond3A = arith.constant 0 : i32
    %cond3A_4 = arith.cmpi ne, %convert_element_type3A, %cond3A : i32
    scf.if %cond3A_4 {
      %dma_start3A = arith.constant 0 : i32
      %dma_start3A_9 = arith.constant 0 : i32
      %dma_start3A_10 = arith.constant 0 : i32
      %dma_start3A_11 = tpu.memref_slice %arg6[%dma_start3A_10] : memref<800768xf32, #tpu.memory_space<vmem_shared>> -> memref<99968xf32, #tpu.memory_space<vmem_shared>>
      %dma_start3A_12 = arith.constant 0 : i32
      %dma_start3A_13 = tpu.memref_slice %arg3[%mul3A_0, %dma_start3A, %dma_start3A_9, %dma_start3A_12] : memref<26x4x8x100000xf32, #tpu.memory_space<hbm>> -> memref<1x1x1x99968xf32, #tpu.memory_space<hbm>>
      %dma_start3A_14 = tpu.memref_squeeze %dma_start3A_13 : memref<1x1x1x99968xf32, #tpu.memory_space<hbm>> -> memref<99968xf32, #tpu.memory_space<hbm>>
      tpu.enqueue_dma source(%dma_start3A_14 : memref<99968xf32, #tpu.memory_space<hbm>>) target(%dma_start3A_11 : memref<99968xf32, #tpu.memory_space<vmem_shared>>) target_semaphore(%arg11 : memref<!tpu.dma_semaphore, #tpu.memory_space<semaphore_mem>>)
      %dma_start3A_15 = arith.constant 0 : i32
      %dma_start3A_16 = arith.constant 0 : i32
      %dma_start3A_17 = arith.constant 99968 : i32
      %dma_start3A_18 = tpu.memref_slice %arg6[%dma_start3A_17] : memref<800768xf32, #tpu.memory_space<vmem_shared>> -> memref<128xf32, #tpu.memory_space<vmem_shared>>
      %dma_start3A_19 = arith.constant 0 : i32
      %dma_start3A_20 = tpu.memref_slice %arg4[%mul3A_0, %dma_start3A_15, %dma_start3A_16, %dma_start3A_19] : memref<26x4x8x128xf32, #tpu.memory_space<hbm>> -> memref<1x1x1x128xf32, #tpu.memory_space<hbm>>
      %dma_start3A_21 = tpu.memref_squeeze %dma_start3A_20 : memref<1x1x1x128xf32, #tpu.memory_space<hbm>> -> memref<128xf32, #tpu.memory_space<hbm>>
      tpu.enqueue_dma source(%dma_start3A_21 : memref<128xf32, #tpu.memory_space<hbm>>) target(%dma_start3A_18 : memref<128xf32, #tpu.memory_space<vmem_shared>>) target_semaphore(%arg11 : memref<!tpu.dma_semaphore, #tpu.memory_space<semaphore_mem>>)
      %dma_start3A_22 = arith.constant 0 : i32
      %dma_start3A_23 = arith.constant 1 : i32
      %dma_start3A_24 = arith.constant 100096 : i32
      %dma_start3A_25 = tpu.memref_slice %arg6[%dma_start3A_24] : memref<800768xf32, #tpu.memory_space<vmem_shared>> -> memref<99968xf32, #tpu.memory_space<vmem_shared>>
      %dma_start3A_26 = arith.constant 0 : i32
      %dma_start3A_27 = tpu.memref_slice %arg3[%mul3A_0, %dma_start3A_22, %dma_start3A_23, %dma_start3A_26] : memref<26x4x8x100000xf32, #tpu.memory_space<hbm>> -> memref<1x1x1x99968xf32, #tpu.memory_space<hbm>>
      %dma_start3A_28 = tpu.memref_squeeze %dma_start3A_27 : memref<1x1x1x99968xf32, #tpu.memory_space<hbm>> -> memref<99968xf32, #tpu.memory_space<hbm>>
      tpu.enqueue_dma source(%dma_start3A_28 : memref<99968xf32, #tpu.memory_space<hbm>>) target(%dma_start3A_25 : memref<99968xf32, #tpu.memory_space<vmem_shared>>) target_semaphore(%arg11 : memref<!tpu.dma_semaphore, #tpu.memory_space<semaphore_mem>>)
      %dma_start3A_29 = arith.constant 0 : i32
      %dma_start3A_30 = arith.constant 1 : i32
      %dma_start3A_31 = arith.constant 200064 : i32
      %dma_start3A_32 = tpu.memref_slice %arg6[%dma_start3A_31] : memref<800768xf32, #tpu.memory_space<vmem_shared>> -> memref<128xf32, #tpu.memory_space<vmem_shared>>
      %dma_start3A_33 = arith.constant 0 : i32
      %dma_start3A_34 = tpu.memref_slice %arg4[%mul3A_0, %dma_start3A_29, %dma_start3A_30, %dma_start3A_33] : memref<26x4x8x128xf32, #tpu.memory_space<hbm>> -> memref<1x1x1x128xf32, #tpu.memory_space<hbm>>
      %dma_start3A_35 = tpu.memref_squeeze %dma_start3A_34 : memref<1x1x1x128xf32, #tpu.memory_space<hbm>> -> memref<128xf32, #tpu.memory_space<hbm>>
      tpu.enqueue_dma source(%dma_start3A_35 : memref<128xf32, #tpu.memory_space<hbm>>) target(%dma_start3A_32 : memref<128xf32, #tpu.memory_space<vmem_shared>>) target_semaphore(%arg11 : memref<!tpu.dma_semaphore, #tpu.memory_space<semaphore_mem>>)
      %dma_start3A_36 = arith.constant 0 : i32
      %dma_start3A_37 = arith.constant 2 : i32
      %dma_start3A_38 = arith.constant 200192 : i32
      %dma_start3A_39 = tpu.memref_slice %arg6[%dma_start3A_38] : memref<800768xf32, #tpu.memory_space<vmem_shared>> -> memref<99968xf32, #tpu.memory_space<vmem_shared>>
      %dma_start3A_40 = arith.constant 0 : i32
      %dma_start3A_41 = tpu.memref_slice %arg3[%mul3A_0, %dma_start3A_36, %dma_start3A_37, %dma_start3A_40] : memref<26x4x8x100000xf32, #tpu.memory_space<hbm>> -> memref<1x1x1x99968xf32, #tpu.memory_space<hbm>>
      %dma_start3A_42 = tpu.memref_squeeze %dma_start3A_41 : memref<1x1x1x99968xf32, #tpu.memory_space<hbm>> -> memref<99968xf32, #tpu.memory_space<hbm>>
      tpu.enqueue_dma source(%dma_start3A_42 : memref<99968xf32, #tpu.memory_space<hbm>>) target(%dma_start3A_39 : memref<99968xf32, #tpu.memory_space<vmem_shared>>) target_semaphore(%arg11 : memref<!tpu.dma_semaphore, #tpu.memory_space<semaphore_mem>>)
      %dma_start3A_43 = arith.constant 0 : i32
      %dma_start3A_44 = arith.constant 2 : i32
      %dma_start3A_45 = arith.constant 300160 : i32
      %dma_start3A_46 = tpu.memref_slice %arg6[%dma_start3A_45] : memref<800768xf32, #tpu.memory_space<vmem_shared>> -> memref<128xf32, #tpu.memory_space<vmem_shared>>
      %dma_start3A_47 = arith.constant 0 : i32
      %dma_start3A_48 = tpu.memref_slice %arg4[%mul3A_0, %dma_start3A_43, %dma_start3A_44, %dma_start3A_47] : memref<26x4x8x128xf32, #tpu.memory_space<hbm>> -> memref<1x1x1x128xf32, #tpu.memory_space<hbm>>
      %dma_start3A_49 = tpu.memref_squeeze %dma_start3A_48 : memref<1x1x1x128xf32, #tpu.memory_space<hbm>> -> memref<128xf32, #tpu.memory_space<hbm>>
      tpu.enqueue_dma source(%dma_start3A_49 : memref<128xf32, #tpu.memory_space<hbm>>) target(%dma_start3A_46 : memref<128xf32, #tpu.memory_space<vmem_shared>>) target_semaphore(%arg11 : memref<!tpu.dma_semaphore, #tpu.memory_space<semaphore_mem>>)
      %dma_start3A_50 = arith.constant 0 : i32
      %dma_start3A_51 = arith.constant 3 : i32
      %dma_start3A_52 = arith.constant 300288 : i32
      %dma_start3A_53 = tpu.memref_slice %arg6[%dma_start3A_52] : memref<800768xf32, #tpu.memory_space<vmem_shared>> -> memref<99968xf32, #tpu.memory_space<vmem_shared>>
      %dma_start3A_54 = arith.constant 0 : i32
      %dma_start3A_55 = tpu.memref_slice %arg3[%mul3A_0, %dma_start3A_50, %dma_start3A_51, %dma_start3A_54] : memref<26x4x8x100000xf32, #tpu.memory_space<hbm>> -> memref<1x1x1x99968xf32, #tpu.memory_space<hbm>>
      %dma_start3A_56 = tpu.memref_squeeze %dma_start3A_55 : memref<1x1x1x99968xf32, #tpu.memory_space<hbm>> -> memref<99968xf32, #tpu.memory_space<hbm>>
      tpu.enqueue_dma source(%dma_start3A_56 : memref<99968xf32, #tpu.memory_space<hbm>>) target(%dma_start3A_53 : memref<99968xf32, #tpu.memory_space<vmem_shared>>) target_semaphore(%arg11 : memref<!tpu.dma_semaphore, #tpu.memory_space<semaphore_mem>>)
      %dma_start3A_57 = arith.constant 0 : i32
      %dma_start3A_58 = arith.constant 3 : i32
      %dma_start3A_59 = arith.constant 400256 : i32
      %dma_start3A_60 = tpu.memref_slice %arg6[%dma_start3A_59] : memref<800768xf32, #tpu.memory_space<vmem_shared>> -> memref<128xf32, #tpu.memory_space<vmem_shared>>
      %dma_start3A_61 = arith.constant 0 : i32
      %dma_start3A_62 = tpu.memref_slice %arg4[%mul3A_0, %dma_start3A_57, %dma_start3A_58, %dma_start3A_61] : memref<26x4x8x128xf32, #tpu.memory_space<hbm>> -> memref<1x1x1x128xf32, #tpu.memory_space<hbm>>
      %dma_start3A_63 = tpu.memref_squeeze %dma_start3A_62 : memref<1x1x1x128xf32, #tpu.memory_space<hbm>> -> memref<128xf32, #tpu.memory_space<hbm>>
      tpu.enqueue_dma source(%dma_start3A_63 : memref<128xf32, #tpu.memory_space<hbm>>) target(%dma_start3A_60 : memref<128xf32, #tpu.memory_space<vmem_shared>>) target_semaphore(%arg11 : memref<!tpu.dma_semaphore, #tpu.memory_space<semaphore_mem>>)
      %dma_start3A_64 = arith.constant 0 : i32
      %dma_start3A_65 = arith.constant 4 : i32
      %dma_start3A_66 = arith.constant 400384 : i32
      %dma_start3A_67 = tpu.memref_slice %arg6[%dma_start3A_66] : memref<800768xf32, #tpu.memory_space<vmem_shared>> -> memref<99968xf32, #tpu.memory_space<vmem_shared>>
      %dma_start3A_68 = arith.constant 0 : i32
      %dma_start3A_69 = tpu.memref_slice %arg3[%mul3A_0, %dma_start3A_64, %dma_start3A_65, %dma_start3A_68] : memref<26x4x8x100000xf32, #tpu.memory_space<hbm>> -> memref<1x1x1x99968xf32, #tpu.memory_space<hbm>>
      %dma_start3A_70 = tpu.memref_squeeze %dma_start3A_69 : memref<1x1x1x99968xf32, #tpu.memory_space<hbm>> -> memref<99968xf32, #tpu.memory_space<hbm>>
      tpu.enqueue_dma source(%dma_start3A_70 : memref<99968xf32, #tpu.memory_space<hbm>>) target(%dma_start3A_67 : memref<99968xf32, #tpu.memory_space<vmem_shared>>) target_semaphore(%arg11 : memref<!tpu.dma_semaphore, #tpu.memory_space<semaphore_mem>>)
      %dma_start3A_71 = arith.constant 0 : i32
      %dma_start3A_72 = arith.constant 4 : i32
      %dma_start3A_73 = arith.constant 500352 : i32
      %dma_start3A_74 = tpu.memref_slice %arg6[%dma_start3A_73] : memref<800768xf32, #tpu.memory_space<vmem_shared>> -> memref<128xf32, #tpu.memory_space<vmem_shared>>
      %dma_start3A_75 = arith.constant 0 : i32
      %dma_start3A_76 = tpu.memref_slice %arg4[%mul3A_0, %dma_start3A_71, %dma_start3A_72, %dma_start3A_75] : memref<26x4x8x128xf32, #tpu.memory_space<hbm>> -> memref<1x1x1x128xf32, #tpu.memory_space<hbm>>
      %dma_start3A_77 = tpu.memref_squeeze %dma_start3A_76 : memref<1x1x1x128xf32, #tpu.memory_space<hbm>> -> memref<128xf32, #tpu.memory_space<hbm>>
      tpu.enqueue_dma source(%dma_start3A_77 : memref<128xf32, #tpu.memory_space<hbm>>) target(%dma_start3A_74 : memref<128xf32, #tpu.memory_space<vmem_shared>>) target_semaphore(%arg11 : memref<!tpu.dma_semaphore, #tpu.memory_space<semaphore_mem>>)
      %dma_start3A_78 = arith.constant 0 : i32
      %dma_start3A_79 = arith.constant 5 : i32
      %dma_start3A_80 = arith.constant 500480 : i32
      %dma_start3A_81 = tpu.memref_slice %arg6[%dma_start3A_80] : memref<800768xf32, #tpu.memory_space<vmem_shared>> -> memref<99968xf32, #tpu.memory_space<vmem_shared>>
      %dma_start3A_82 = arith.constant 0 : i32
      %dma_start3A_83 = tpu.memref_slice %arg3[%mul3A_0, %dma_start3A_78, %dma_start3A_79, %dma_start3A_82] : memref<26x4x8x100000xf32, #tpu.memory_space<hbm>> -> memref<1x1x1x99968xf32, #tpu.memory_space<hbm>>
      %dma_start3A_84 = tpu.memref_squeeze %dma_start3A_83 : memref<1x1x1x99968xf32, #tpu.memory_space<hbm>> -> memref<99968xf32, #tpu.memory_space<hbm>>
      tpu.enqueue_dma source(%dma_start3A_84 : memref<99968xf32, #tpu.memory_space<hbm>>) target(%dma_start3A_81 : memref<99968xf32, #tpu.memory_space<vmem_shared>>) target_semaphore(%arg11 : memref<!tpu.dma_semaphore, #tpu.memory_space<semaphore_mem>>)
      %dma_start3A_85 = arith.constant 0 : i32
      %dma_start3A_86 = arith.constant 5 : i32
      %dma_start3A_87 = arith.constant 600448 : i32
      %dma_start3A_88 = tpu.memref_slice %arg6[%dma_start3A_87] : memref<800768xf32, #tpu.memory_space<vmem_shared>> -> memref<128xf32, #tpu.memory_space<vmem_shared>>
      %dma_start3A_89 = arith.constant 0 : i32
      %dma_start3A_90 = tpu.memref_slice %arg4[%mul3A_0, %dma_start3A_85, %dma_start3A_86, %dma_start3A_89] : memref<26x4x8x128xf32, #tpu.memory_space<hbm>> -> memref<1x1x1x128xf32, #tpu.memory_space<hbm>>
      %dma_start3A_91 = tpu.memref_squeeze %dma_start3A_90 : memref<1x1x1x128xf32, #tpu.memory_space<hbm>> -> memref<128xf32, #tpu.memory_space<hbm>>
      tpu.enqueue_dma source(%dma_start3A_91 : memref<128xf32, #tpu.memory_space<hbm>>) target(%dma_start3A_88 : memref<128xf32, #tpu.memory_space<vmem_shared>>) target_semaphore(%arg11 : memref<!tpu.dma_semaphore, #tpu.memory_space<semaphore_mem>>)
      %dma_start3A_92 = arith.constant 0 : i32
      %dma_start3A_93 = arith.constant 6 : i32
      %dma_start3A_94 = arith.constant 600576 : i32
      %dma_start3A_95 = tpu.memref_slice %arg6[%dma_start3A_94] : memref<800768xf32, #tpu.memory_space<vmem_shared>> -> memref<99968xf32, #tpu.memory_space<vmem_shared>>
      %dma_start3A_96 = arith.constant 0 : i32
      %dma_start3A_97 = tpu.memref_slice %arg3[%mul3A_0, %dma_start3A_92, %dma_start3A_93, %dma_start3A_96] : memref<26x4x8x100000xf32, #tpu.memory_space<hbm>> -> memref<1x1x1x99968xf32, #tpu.memory_space<hbm>>
      %dma_start3A_98 = tpu.memref_squeeze %dma_start3A_97 : memref<1x1x1x99968xf32, #tpu.memory_space<hbm>> -> memref<99968xf32, #tpu.memory_space<hbm>>
      tpu.enqueue_dma source(%dma_start3A_98 : memref<99968xf32, #tpu.memory_space<hbm>>) target(%dma_start3A_95 : memref<99968xf32, #tpu.memory_space<vmem_shared>>) target_semaphore(%arg11 : memref<!tpu.dma_semaphore, #tpu.memory_space<semaphore_mem>>)
      %dma_start3A_99 = arith.constant 0 : i32
      %dma_start3A_100 = arith.constant 6 : i32
      %dma_start3A_101 = arith.constant 700544 : i32
      %dma_start3A_102 = tpu.memref_slice %arg6[%dma_start3A_101] : memref<800768xf32, #tpu.memory_space<vmem_shared>> -> memref<128xf32, #tpu.memory_space<vmem_shared>>
      %dma_start3A_103 = arith.constant 0 : i32
      %dma_start3A_104 = tpu.memref_slice %arg4[%mul3A_0, %dma_start3A_99, %dma_start3A_100, %dma_start3A_103] : memref<26x4x8x128xf32, #tpu.memory_space<hbm>> -> memref<1x1x1x128xf32, #tpu.memory_space<hbm>>
      %dma_start3A_105 = tpu.memref_squeeze %dma_start3A_104 : memref<1x1x1x128xf32, #tpu.memory_space<hbm>> -> memref<128xf32, #tpu.memory_space<hbm>>
      tpu.enqueue_dma source(%dma_start3A_105 : memref<128xf32, #tpu.memory_space<hbm>>) target(%dma_start3A_102 : memref<128xf32, #tpu.memory_space<vmem_shared>>) target_semaphore(%arg11 : memref<!tpu.dma_semaphore, #tpu.memory_space<semaphore_mem>>)
      %dma_start3A_106 = arith.constant 0 : i32
      %dma_start3A_107 = arith.constant 7 : i32
      %dma_start3A_108 = arith.constant 700672 : i32
      %dma_start3A_109 = tpu.memref_slice %arg6[%dma_start3A_108] : memref<800768xf32, #tpu.memory_space<vmem_shared>> -> memref<99968xf32, #tpu.memory_space<vmem_shared>>
      %dma_start3A_110 = arith.constant 0 : i32
      %dma_start3A_111 = tpu.memref_slice %arg3[%mul3A_0, %dma_start3A_106, %dma_start3A_107, %dma_start3A_110] : memref<26x4x8x100000xf32, #tpu.memory_space<hbm>> -> memref<1x1x1x99968xf32, #tpu.memory_space<hbm>>
      %dma_start3A_112 = tpu.memref_squeeze %dma_start3A_111 : memref<1x1x1x99968xf32, #tpu.memory_space<hbm>> -> memref<99968xf32, #tpu.memory_space<hbm>>
      tpu.enqueue_dma source(%dma_start3A_112 : memref<99968xf32, #tpu.memory_space<hbm>>) target(%dma_start3A_109 : memref<99968xf32, #tpu.memory_space<vmem_shared>>) target_semaphore(%arg11 : memref<!tpu.dma_semaphore, #tpu.memory_space<semaphore_mem>>)
      %dma_start3A_113 = arith.constant 0 : i32
      %dma_start3A_114 = arith.constant 7 : i32
      %dma_start3A_115 = arith.constant 800640 : i32
      %dma_start3A_116 = tpu.memref_slice %arg6[%dma_start3A_115] : memref<800768xf32, #tpu.memory_space<vmem_shared>> -> memref<128xf32, #tpu.memory_space<vmem_shared>>
      %dma_start3A_117 = arith.constant 0 : i32
      %dma_start3A_118 = tpu.memref_slice %arg4[%mul3A_0, %dma_start3A_113, %dma_start3A_114, %dma_start3A_117] : memref<26x4x8x128xf32, #tpu.memory_space<hbm>> -> memref<1x1x1x128xf32, #tpu.memory_space<hbm>>
      %dma_start3A_119 = tpu.memref_squeeze %dma_start3A_118 : memref<1x1x1x128xf32, #tpu.memory_space<hbm>> -> memref<128xf32, #tpu.memory_space<hbm>>
      tpu.enqueue_dma source(%dma_start3A_119 : memref<128xf32, #tpu.memory_space<hbm>>) target(%dma_start3A_116 : memref<128xf32, #tpu.memory_space<vmem_shared>>) target_semaphore(%arg11 : memref<!tpu.dma_semaphore, #tpu.memory_space<semaphore_mem>>)
    } else {
    }
    %scan3A = arith.constant 0 : i32
    %scan3A_5 = arith.constant 26 : i32
    %scan3A_6 = arith.addi %scan3A, %scan3A_5 : i32
    %scan3A_7 = arith.constant 1 : i32
    scf.for %scan3A_9 = %scan3A to %scan3A_6 step %scan3A_7  : i32 {
      %mul3A_10 = arith.constant 2 : i32
      %mul3A_11 = arith.muli %scan3A_9, %mul3A_10 : i32
      %add3A = arith.constant 0 : i32
      %add3A_12 = arith.addi %add3A, %mul3A_11 : i32
      %add3A_13 = arith.constant 0 : i32
      %add3A_14 = arith.addi %add3A_12, %add3A_13 : i32
      %jit3A = arith.constant 4 : i32
      %div3A = arith.divsi %add3A_14, %jit3A : i32
      %sign3A = arith.constant 0 : i32
      %sign3A_15 = arith.cmpi sgt, %add3A_14, %sign3A : i32
      %sign3A_16 = arith.extui %sign3A_15 : i1 to i32
      %sign3A_17 = arith.constant 0 : i32
      %sign3A_18 = arith.cmpi slt, %add3A_14, %sign3A_17 : i32
      %sign3A_19 = arith.extui %sign3A_18 : i1 to i32
      %sign3A_20 = arith.subi %sign3A_16, %sign3A_19 : i32
      %sign3A_21 = arith.constant 0 : i32
      %sign3A_22 = arith.cmpi sgt, %jit3A, %sign3A_21 : i32
      %sign3A_23 = arith.extui %sign3A_22 : i1 to i32
      %sign3A_24 = arith.constant 0 : i32
      %sign3A_25 = arith.cmpi slt, %jit3A, %sign3A_24 : i32
      %sign3A_26 = arith.extui %sign3A_25 : i1 to i32
      %sign3A_27 = arith.subi %sign3A_23, %sign3A_26 : i32
      %ne3A = arith.cmpi ne, %sign3A_20, %sign3A_27 : i32
      %rem3A = arith.remsi %add3A_14, %jit3A : i32
      %ne3A_28 = arith.constant 0 : i32
      %ne3A_29 = arith.cmpi ne, %rem3A, %ne3A_28 : i32
      %and3A = arith.andi %ne3A, %ne3A_29 : i1
      %sub3A = arith.constant 1 : i32
      %sub3A_30 = arith.subi %div3A, %sub3A : i32
      %select_n3A = arith.select %and3A, %sub3A_30, %div3A : i32
      %add3A_31 = arith.addi %mul3A_0, %select_n3A : i32
      %jit3A_32 = arith.constant 4 : i32
      %eq3A_33 = arith.constant 0 : i32
      %eq3A_34 = arith.cmpi eq, %jit3A_32, %eq3A_33 : i32
      %jit3A_35 = arith.constant 1 : i32
      %select_n3A_36 = arith.select %eq3A_34, %jit3A_35, %jit3A_32 : i32
      %rem3A_37 = arith.remsi %add3A_14, %select_n3A_36 : i32
      %ne3A_38 = arith.constant 0 : i32
      %ne3A_39 = arith.cmpi ne, %rem3A_37, %ne3A_38 : i32
      %lt3A = arith.constant 0 : i32
      %lt3A_40 = arith.cmpi slt, %rem3A_37, %lt3A : i32
      %lt3A_41 = arith.constant 0 : i32
      %lt3A_42 = arith.cmpi slt, %select_n3A_36, %lt3A_41 : i32
      %ne3A_43 = arith.xori %lt3A_40, %lt3A_42 : i1
      %and3A_44 = arith.andi %ne3A_43, %ne3A_39 : i1
      %add3A_45 = arith.addi %rem3A_37, %select_n3A_36 : i32
      %select_n3A_46 = arith.select %and3A_44, %add3A_45, %rem3A_37 : i32
      %eq3A_47 = arith.constant 0 : i32
      %eq3A_48 = arith.cmpi eq, %arg1, %eq3A_47 : i32
      %convert_element_type3A_49 = arith.extui %eq3A_48 : i1 to i32
      %cond3A_50 = arith.constant 0 : i32
      %cond3A_51 = arith.cmpi ne, %convert_element_type3A_49, %cond3A_50 : i32
      scf.if %cond3A_51 {
        %dma_wait3A_823 = arith.constant 0 : i32
        %dma_wait3A_824 = arith.constant 0 : i32
        %dma_wait3A_825 = arith.constant 0 : i32
        %dma_wait3A_826 = arith.constant 0 : i32
        %dma_wait3A_827 = tpu.memref_slice %arg6[%dma_wait3A_826] : memref<800768xf32, #tpu.memory_space<vmem_shared>> -> memref<99968xf32, #tpu.memory_space<vmem_shared>>
        %dma_wait3A_828 = arith.constant 0 : i32
        %dma_wait3A_829 = tpu.memref_slice %arg3[%dma_wait3A_823, %dma_wait3A_824, %dma_wait3A_825, %dma_wait3A_828] : memref<26x4x8x100000xf32, #tpu.memory_space<hbm>> -> memref<1x1x1x99968xf32, #tpu.memory_space<hbm>>
        %dma_wait3A_830 = tpu.memref_squeeze %dma_wait3A_829 : memref<1x1x1x99968xf32, #tpu.memory_space<hbm>> -> memref<99968xf32, #tpu.memory_space<hbm>>
        tpu.wait_dma2 semaphore(%arg11 : memref<!tpu.dma_semaphore, #tpu.memory_space<semaphore_mem>>) src(%dma_wait3A_830 : memref<99968xf32, #tpu.memory_space<hbm>>) dst(%dma_wait3A_827 : memref<99968xf32, #tpu.memory_space<vmem_shared>>)
        %dma_wait3A_831 = arith.constant 0 : i32
        %dma_wait3A_832 = arith.constant 0 : i32
        %dma_wait3A_833 = arith.constant 0 : i32
        %dma_wait3A_834 = arith.constant 99968 : i32
        %dma_wait3A_835 = tpu.memref_slice %arg6[%dma_wait3A_834] : memref<800768xf32, #tpu.memory_space<vmem_shared>> -> memref<128xf32, #tpu.memory_space<vmem_shared>>
        %dma_wait3A_836 = arith.constant 0 : i32
        %dma_wait3A_837 = tpu.memref_slice %arg4[%dma_wait3A_831, %dma_wait3A_832, %dma_wait3A_833, %dma_wait3A_836] : memref<26x4x8x128xf32, #tpu.memory_space<hbm>> -> memref<1x1x1x128xf32, #tpu.memory_space<hbm>>
        %dma_wait3A_838 = tpu.memref_squeeze %dma_wait3A_837 : memref<1x1x1x128xf32, #tpu.memory_space<hbm>> -> memref<128xf32, #tpu.memory_space<hbm>>
        tpu.wait_dma2 semaphore(%arg11 : memref<!tpu.dma_semaphore, #tpu.memory_space<semaphore_mem>>) src(%dma_wait3A_838 : memref<128xf32, #tpu.memory_space<hbm>>) dst(%dma_wait3A_835 : memref<128xf32, #tpu.memory_space<vmem_shared>>)
        %dma_wait3A_839 = arith.constant 0 : i32
        %dma_wait3A_840 = arith.constant 0 : i32
        %dma_wait3A_841 = arith.constant 1 : i32
        %dma_wait3A_842 = arith.constant 100096 : i32
        %dma_wait3A_843 = tpu.memref_slice %arg6[%dma_wait3A_842] : memref<800768xf32, #tpu.memory_space<vmem_shared>> -> memref<99968xf32, #tpu.memory_space<vmem_shared>>
        %dma_wait3A_844 = arith.constant 0 : i32
        %dma_wait3A_845 = tpu.memref_slice %arg3[%dma_wait3A_839, %dma_wait3A_840, %dma_wait3A_841, %dma_wait3A_844] : memref<26x4x8x100000xf32, #tpu.memory_space<hbm>> -> memref<1x1x1x99968xf32, #tpu.memory_space<hbm>>
        %dma_wait3A_846 = tpu.memref_squeeze %dma_wait3A_845 : memref<1x1x1x99968xf32, #tpu.memory_space<hbm>> -> memref<99968xf32, #tpu.memory_space<hbm>>
        tpu.wait_dma2 semaphore(%arg11 : memref<!tpu.dma_semaphore, #tpu.memory_space<semaphore_mem>>) src(%dma_wait3A_846 : memref<99968xf32, #tpu.memory_space<hbm>>) dst(%dma_wait3A_843 : memref<99968xf32, #tpu.memory_space<vmem_shared>>)
        %dma_wait3A_847 = arith.constant 0 : i32
        %dma_wait3A_848 = arith.constant 0 : i32
        %dma_wait3A_849 = arith.constant 1 : i32
        %dma_wait3A_850 = arith.constant 200064 : i32
        %dma_wait3A_851 = tpu.memref_slice %arg6[%dma_wait3A_850] : memref<800768xf32, #tpu.memory_space<vmem_shared>> -> memref<128xf32, #tpu.memory_space<vmem_shared>>
        %dma_wait3A_852 = arith.constant 0 : i32
        %dma_wait3A_853 = tpu.memref_slice %arg4[%dma_wait3A_847, %dma_wait3A_848, %dma_wait3A_849, %dma_wait3A_852] : memref<26x4x8x128xf32, #tpu.memory_space<hbm>> -> memref<1x1x1x128xf32, #tpu.memory_space<hbm>>
        %dma_wait3A_854 = tpu.memref_squeeze %dma_wait3A_853 : memref<1x1x1x128xf32, #tpu.memory_space<hbm>> -> memref<128xf32, #tpu.memory_space<hbm>>
        tpu.wait_dma2 semaphore(%arg11 : memref<!tpu.dma_semaphore, #tpu.memory_space<semaphore_mem>>) src(%dma_wait3A_854 : memref<128xf32, #tpu.memory_space<hbm>>) dst(%dma_wait3A_851 : memref<128xf32, #tpu.memory_space<vmem_shared>>)
        %dma_wait3A_855 = arith.constant 0 : i32
        %dma_wait3A_856 = arith.constant 0 : i32
        %dma_wait3A_857 = arith.constant 2 : i32
        %dma_wait3A_858 = arith.constant 200192 : i32
        %dma_wait3A_859 = tpu.memref_slice %arg6[%dma_wait3A_858] : memref<800768xf32, #tpu.memory_space<vmem_shared>> -> memref<99968xf32, #tpu.memory_space<vmem_shared>>
        %dma_wait3A_860 = arith.constant 0 : i32
        %dma_wait3A_861 = tpu.memref_slice %arg3[%dma_wait3A_855, %dma_wait3A_856, %dma_wait3A_857, %dma_wait3A_860] : memref<26x4x8x100000xf32, #tpu.memory_space<hbm>> -> memref<1x1x1x99968xf32, #tpu.memory_space<hbm>>
        %dma_wait3A_862 = tpu.memref_squeeze %dma_wait3A_861 : memref<1x1x1x99968xf32, #tpu.memory_space<hbm>> -> memref<99968xf32, #tpu.memory_space<hbm>>
        tpu.wait_dma2 semaphore(%arg11 : memref<!tpu.dma_semaphore, #tpu.memory_space<semaphore_mem>>) src(%dma_wait3A_862 : memref<99968xf32, #tpu.memory_space<hbm>>) dst(%dma_wait3A_859 : memref<99968xf32, #tpu.memory_space<vmem_shared>>)
        %dma_wait3A_863 = arith.constant 0 : i32
        %dma_wait3A_864 = arith.constant 0 : i32
        %dma_wait3A_865 = arith.constant 2 : i32
        %dma_wait3A_866 = arith.constant 300160 : i32
        %dma_wait3A_867 = tpu.memref_slice %arg6[%dma_wait3A_866] : memref<800768xf32, #tpu.memory_space<vmem_shared>> -> memref<128xf32, #tpu.memory_space<vmem_shared>>
        %dma_wait3A_868 = arith.constant 0 : i32
        %dma_wait3A_869 = tpu.memref_slice %arg4[%dma_wait3A_863, %dma_wait3A_864, %dma_wait3A_865, %dma_wait3A_868] : memref<26x4x8x128xf32, #tpu.memory_space<hbm>> -> memref<1x1x1x128xf32, #tpu.memory_space<hbm>>
        %dma_wait3A_870 = tpu.memref_squeeze %dma_wait3A_869 : memref<1x1x1x128xf32, #tpu.memory_space<hbm>> -> memref<128xf32, #tpu.memory_space<hbm>>
        tpu.wait_dma2 semaphore(%arg11 : memref<!tpu.dma_semaphore, #tpu.memory_space<semaphore_mem>>) src(%dma_wait3A_870 : memref<128xf32, #tpu.memory_space<hbm>>) dst(%dma_wait3A_867 : memref<128xf32, #tpu.memory_space<vmem_shared>>)
        %dma_wait3A_871 = arith.constant 0 : i32
        %dma_wait3A_872 = arith.constant 0 : i32
        %dma_wait3A_873 = arith.constant 3 : i32
        %dma_wait3A_874 = arith.constant 300288 : i32
        %dma_wait3A_875 = tpu.memref_slice %arg6[%dma_wait3A_874] : memref<800768xf32, #tpu.memory_space<vmem_shared>> -> memref<99968xf32, #tpu.memory_space<vmem_shared>>
        %dma_wait3A_876 = arith.constant 0 : i32
        %dma_wait3A_877 = tpu.memref_slice %arg3[%dma_wait3A_871, %dma_wait3A_872, %dma_wait3A_873, %dma_wait3A_876] : memref<26x4x8x100000xf32, #tpu.memory_space<hbm>> -> memref<1x1x1x99968xf32, #tpu.memory_space<hbm>>
        %dma_wait3A_878 = tpu.memref_squeeze %dma_wait3A_877 : memref<1x1x1x99968xf32, #tpu.memory_space<hbm>> -> memref<99968xf32, #tpu.memory_space<hbm>>
        tpu.wait_dma2 semaphore(%arg11 : memref<!tpu.dma_semaphore, #tpu.memory_space<semaphore_mem>>) src(%dma_wait3A_878 : memref<99968xf32, #tpu.memory_space<hbm>>) dst(%dma_wait3A_875 : memref<99968xf32, #tpu.memory_space<vmem_shared>>)
        %dma_wait3A_879 = arith.constant 0 : i32
        %dma_wait3A_880 = arith.constant 0 : i32
        %dma_wait3A_881 = arith.constant 3 : i32
        %dma_wait3A_882 = arith.constant 400256 : i32
        %dma_wait3A_883 = tpu.memref_slice %arg6[%dma_wait3A_882] : memref<800768xf32, #tpu.memory_space<vmem_shared>> -> memref<128xf32, #tpu.memory_space<vmem_shared>>
        %dma_wait3A_884 = arith.constant 0 : i32
        %dma_wait3A_885 = tpu.memref_slice %arg4[%dma_wait3A_879, %dma_wait3A_880, %dma_wait3A_881, %dma_wait3A_884] : memref<26x4x8x128xf32, #tpu.memory_space<hbm>> -> memref<1x1x1x128xf32, #tpu.memory_space<hbm>>
        %dma_wait3A_886 = tpu.memref_squeeze %dma_wait3A_885 : memref<1x1x1x128xf32, #tpu.memory_space<hbm>> -> memref<128xf32, #tpu.memory_space<hbm>>
        tpu.wait_dma2 semaphore(%arg11 : memref<!tpu.dma_semaphore, #tpu.memory_space<semaphore_mem>>) src(%dma_wait3A_886 : memref<128xf32, #tpu.memory_space<hbm>>) dst(%dma_wait3A_883 : memref<128xf32, #tpu.memory_space<vmem_shared>>)
        %dma_wait3A_887 = arith.constant 0 : i32
        %dma_wait3A_888 = arith.constant 0 : i32
        %dma_wait3A_889 = arith.constant 4 : i32
        %dma_wait3A_890 = arith.constant 400384 : i32
        %dma_wait3A_891 = tpu.memref_slice %arg6[%dma_wait3A_890] : memref<800768xf32, #tpu.memory_space<vmem_shared>> -> memref<99968xf32, #tpu.memory_space<vmem_shared>>
        %dma_wait3A_892 = arith.constant 0 : i32
        %dma_wait3A_893 = tpu.memref_slice %arg3[%dma_wait3A_887, %dma_wait3A_888, %dma_wait3A_889, %dma_wait3A_892] : memref<26x4x8x100000xf32, #tpu.memory_space<hbm>> -> memref<1x1x1x99968xf32, #tpu.memory_space<hbm>>
        %dma_wait3A_894 = tpu.memref_squeeze %dma_wait3A_893 : memref<1x1x1x99968xf32, #tpu.memory_space<hbm>> -> memref<99968xf32, #tpu.memory_space<hbm>>
        tpu.wait_dma2 semaphore(%arg11 : memref<!tpu.dma_semaphore, #tpu.memory_space<semaphore_mem>>) src(%dma_wait3A_894 : memref<99968xf32, #tpu.memory_space<hbm>>) dst(%dma_wait3A_891 : memref<99968xf32, #tpu.memory_space<vmem_shared>>)
        %dma_wait3A_895 = arith.constant 0 : i32
        %dma_wait3A_896 = arith.constant 0 : i32
        %dma_wait3A_897 = arith.constant 4 : i32
        %dma_wait3A_898 = arith.constant 500352 : i32
        %dma_wait3A_899 = tpu.memref_slice %arg6[%dma_wait3A_898] : memref<800768xf32, #tpu.memory_space<vmem_shared>> -> memref<128xf32, #tpu.memory_space<vmem_shared>>
        %dma_wait3A_900 = arith.constant 0 : i32
        %dma_wait3A_901 = tpu.memref_slice %arg4[%dma_wait3A_895, %dma_wait3A_896, %dma_wait3A_897, %dma_wait3A_900] : memref<26x4x8x128xf32, #tpu.memory_space<hbm>> -> memref<1x1x1x128xf32, #tpu.memory_space<hbm>>
        %dma_wait3A_902 = tpu.memref_squeeze %dma_wait3A_901 : memref<1x1x1x128xf32, #tpu.memory_space<hbm>> -> memref<128xf32, #tpu.memory_space<hbm>>
        tpu.wait_dma2 semaphore(%arg11 : memref<!tpu.dma_semaphore, #tpu.memory_space<semaphore_mem>>) src(%dma_wait3A_902 : memref<128xf32, #tpu.memory_space<hbm>>) dst(%dma_wait3A_899 : memref<128xf32, #tpu.memory_space<vmem_shared>>)
        %dma_wait3A_903 = arith.constant 0 : i32
        %dma_wait3A_904 = arith.constant 0 : i32
        %dma_wait3A_905 = arith.constant 5 : i32
        %dma_wait3A_906 = arith.constant 500480 : i32
        %dma_wait3A_907 = tpu.memref_slice %arg6[%dma_wait3A_906] : memref<800768xf32, #tpu.memory_space<vmem_shared>> -> memref<99968xf32, #tpu.memory_space<vmem_shared>>
        %dma_wait3A_908 = arith.constant 0 : i32
        %dma_wait3A_909 = tpu.memref_slice %arg3[%dma_wait3A_903, %dma_wait3A_904, %dma_wait3A_905, %dma_wait3A_908] : memref<26x4x8x100000xf32, #tpu.memory_space<hbm>> -> memref<1x1x1x99968xf32, #tpu.memory_space<hbm>>
        %dma_wait3A_910 = tpu.memref_squeeze %dma_wait3A_909 : memref<1x1x1x99968xf32, #tpu.memory_space<hbm>> -> memref<99968xf32, #tpu.memory_space<hbm>>
        tpu.wait_dma2 semaphore(%arg11 : memref<!tpu.dma_semaphore, #tpu.memory_space<semaphore_mem>>) src(%dma_wait3A_910 : memref<99968xf32, #tpu.memory_space<hbm>>) dst(%dma_wait3A_907 : memref<99968xf32, #tpu.memory_space<vmem_shared>>)
        %dma_wait3A_911 = arith.constant 0 : i32
        %dma_wait3A_912 = arith.constant 0 : i32
        %dma_wait3A_913 = arith.constant 5 : i32
        %dma_wait3A_914 = arith.constant 600448 : i32
        %dma_wait3A_915 = tpu.memref_slice %arg6[%dma_wait3A_914] : memref<800768xf32, #tpu.memory_space<vmem_shared>> -> memref<128xf32, #tpu.memory_space<vmem_shared>>
        %dma_wait3A_916 = arith.constant 0 : i32
        %dma_wait3A_917 = tpu.memref_slice %arg4[%dma_wait3A_911, %dma_wait3A_912, %dma_wait3A_913, %dma_wait3A_916] : memref<26x4x8x128xf32, #tpu.memory_space<hbm>> -> memref<1x1x1x128xf32, #tpu.memory_space<hbm>>
        %dma_wait3A_918 = tpu.memref_squeeze %dma_wait3A_917 : memref<1x1x1x128xf32, #tpu.memory_space<hbm>> -> memref<128xf32, #tpu.memory_space<hbm>>
        tpu.wait_dma2 semaphore(%arg11 : memref<!tpu.dma_semaphore, #tpu.memory_space<semaphore_mem>>) src(%dma_wait3A_918 : memref<128xf32, #tpu.memory_space<hbm>>) dst(%dma_wait3A_915 : memref<128xf32, #tpu.memory_space<vmem_shared>>)
        %dma_wait3A_919 = arith.constant 0 : i32
        %dma_wait3A_920 = arith.constant 0 : i32
        %dma_wait3A_921 = arith.constant 6 : i32
        %dma_wait3A_922 = arith.constant 600576 : i32
        %dma_wait3A_923 = tpu.memref_slice %arg6[%dma_wait3A_922] : memref<800768xf32, #tpu.memory_space<vmem_shared>> -> memref<99968xf32, #tpu.memory_space<vmem_shared>>
        %dma_wait3A_924 = arith.constant 0 : i32
        %dma_wait3A_925 = tpu.memref_slice %arg3[%dma_wait3A_919, %dma_wait3A_920, %dma_wait3A_921, %dma_wait3A_924] : memref<26x4x8x100000xf32, #tpu.memory_space<hbm>> -> memref<1x1x1x99968xf32, #tpu.memory_space<hbm>>
        %dma_wait3A_926 = tpu.memref_squeeze %dma_wait3A_925 : memref<1x1x1x99968xf32, #tpu.memory_space<hbm>> -> memref<99968xf32, #tpu.memory_space<hbm>>
        tpu.wait_dma2 semaphore(%arg11 : memref<!tpu.dma_semaphore, #tpu.memory_space<semaphore_mem>>) src(%dma_wait3A_926 : memref<99968xf32, #tpu.memory_space<hbm>>) dst(%dma_wait3A_923 : memref<99968xf32, #tpu.memory_space<vmem_shared>>)
        %dma_wait3A_927 = arith.constant 0 : i32
        %dma_wait3A_928 = arith.constant 0 : i32
        %dma_wait3A_929 = arith.constant 6 : i32
        %dma_wait3A_930 = arith.constant 700544 : i32
        %dma_wait3A_931 = tpu.memref_slice %arg6[%dma_wait3A_930] : memref<800768xf32, #tpu.memory_space<vmem_shared>> -> memref<128xf32, #tpu.memory_space<vmem_shared>>
        %dma_wait3A_932 = arith.constant 0 : i32
        %dma_wait3A_933 = tpu.memref_slice %arg4[%dma_wait3A_927, %dma_wait3A_928, %dma_wait3A_929, %dma_wait3A_932] : memref<26x4x8x128xf32, #tpu.memory_space<hbm>> -> memref<1x1x1x128xf32, #tpu.memory_space<hbm>>
        %dma_wait3A_934 = tpu.memref_squeeze %dma_wait3A_933 : memref<1x1x1x128xf32, #tpu.memory_space<hbm>> -> memref<128xf32, #tpu.memory_space<hbm>>
        tpu.wait_dma2 semaphore(%arg11 : memref<!tpu.dma_semaphore, #tpu.memory_space<semaphore_mem>>) src(%dma_wait3A_934 : memref<128xf32, #tpu.memory_space<hbm>>) dst(%dma_wait3A_931 : memref<128xf32, #tpu.memory_space<vmem_shared>>)
        %dma_wait3A_935 = arith.constant 0 : i32
        %dma_wait3A_936 = arith.constant 0 : i32
        %dma_wait3A_937 = arith.constant 7 : i32
        %dma_wait3A_938 = arith.constant 700672 : i32
        %dma_wait3A_939 = tpu.memref_slice %arg6[%dma_wait3A_938] : memref<800768xf32, #tpu.memory_space<vmem_shared>> -> memref<99968xf32, #tpu.memory_space<vmem_shared>>
        %dma_wait3A_940 = arith.constant 0 : i32
        %dma_wait3A_941 = tpu.memref_slice %arg3[%dma_wait3A_935, %dma_wait3A_936, %dma_wait3A_937, %dma_wait3A_940] : memref<26x4x8x100000xf32, #tpu.memory_space<hbm>> -> memref<1x1x1x99968xf32, #tpu.memory_space<hbm>>
        %dma_wait3A_942 = tpu.memref_squeeze %dma_wait3A_941 : memref<1x1x1x99968xf32, #tpu.memory_space<hbm>> -> memref<99968xf32, #tpu.memory_space<hbm>>
        tpu.wait_dma2 semaphore(%arg11 : memref<!tpu.dma_semaphore, #tpu.memory_space<semaphore_mem>>) src(%dma_wait3A_942 : memref<99968xf32, #tpu.memory_space<hbm>>) dst(%dma_wait3A_939 : memref<99968xf32, #tpu.memory_space<vmem_shared>>)
        %dma_wait3A_943 = arith.constant 0 : i32
        %dma_wait3A_944 = arith.constant 0 : i32
        %dma_wait3A_945 = arith.constant 7 : i32
        %dma_wait3A_946 = arith.constant 800640 : i32
        %dma_wait3A_947 = tpu.memref_slice %arg6[%dma_wait3A_946] : memref<800768xf32, #tpu.memory_space<vmem_shared>> -> memref<128xf32, #tpu.memory_space<vmem_shared>>
        %dma_wait3A_948 = arith.constant 0 : i32
        %dma_wait3A_949 = tpu.memref_slice %arg4[%dma_wait3A_943, %dma_wait3A_944, %dma_wait3A_945, %dma_wait3A_948] : memref<26x4x8x128xf32, #tpu.memory_space<hbm>> -> memref<1x1x1x128xf32, #tpu.memory_space<hbm>>
        %dma_wait3A_950 = tpu.memref_squeeze %dma_wait3A_949 : memref<1x1x1x128xf32, #tpu.memory_space<hbm>> -> memref<128xf32, #tpu.memory_space<hbm>>
        tpu.wait_dma2 semaphore(%arg11 : memref<!tpu.dma_semaphore, #tpu.memory_space<semaphore_mem>>) src(%dma_wait3A_950 : memref<128xf32, #tpu.memory_space<hbm>>) dst(%dma_wait3A_947 : memref<128xf32, #tpu.memory_space<vmem_shared>>)
      } else {
      }
      %barrier3A = arith.constant 0 : index
      tpu.barrier barrier_id(%barrier3A)
      %eq3A_52 = arith.constant 0 : i32
      %eq3A_53 = arith.cmpi eq, %arg1, %eq3A_52 : i32
      %add3A_54 = arith.constant 1 : i32
      %add3A_55 = arith.addi %add3A_14, %add3A_54 : i32
      %lt3A_56 = arith.constant 52 : i32
      %lt3A_57 = arith.cmpi slt, %add3A_55, %lt3A_56 : i32
      %and3A_58 = arith.andi %eq3A_53, %lt3A_57 : i1
      %convert_element_type3A_59 = arith.extui %and3A_58 : i1 to i32
      %cond3A_60 = arith.constant 0 : i32
      %cond3A_61 = arith.cmpi ne, %convert_element_type3A_59, %cond3A_60 : i32
      scf.if %cond3A_61 {
        %add3A_823 = arith.constant 1 : i32
        %add3A_824 = arith.addi %add3A_14, %add3A_823 : i32
        %jit3A_825 = arith.constant 4 : i32
        %div3A_826 = arith.divsi %add3A_824, %jit3A_825 : i32
        %sign3A_827 = arith.constant 0 : i32
        %sign3A_828 = arith.cmpi sgt, %add3A_824, %sign3A_827 : i32
        %sign3A_829 = arith.extui %sign3A_828 : i1 to i32
        %sign3A_830 = arith.constant 0 : i32
        %sign3A_831 = arith.cmpi slt, %add3A_824, %sign3A_830 : i32
        %sign3A_832 = arith.extui %sign3A_831 : i1 to i32
        %sign3A_833 = arith.subi %sign3A_829, %sign3A_832 : i32
        %sign3A_834 = arith.constant 0 : i32
        %sign3A_835 = arith.cmpi sgt, %jit3A_825, %sign3A_834 : i32
        %sign3A_836 = arith.extui %sign3A_835 : i1 to i32
        %sign3A_837 = arith.constant 0 : i32
        %sign3A_838 = arith.cmpi slt, %jit3A_825, %sign3A_837 : i32
        %sign3A_839 = arith.extui %sign3A_838 : i1 to i32
        %sign3A_840 = arith.subi %sign3A_836, %sign3A_839 : i32
        %ne3A_841 = arith.cmpi ne, %sign3A_833, %sign3A_840 : i32
        %rem3A_842 = arith.remsi %add3A_824, %jit3A_825 : i32
        %ne3A_843 = arith.constant 0 : i32
        %ne3A_844 = arith.cmpi ne, %rem3A_842, %ne3A_843 : i32
        %and3A_845 = arith.andi %ne3A_841, %ne3A_844 : i1
        %sub3A_846 = arith.constant 1 : i32
        %sub3A_847 = arith.subi %div3A_826, %sub3A_846 : i32
        %select_n3A_848 = arith.select %and3A_845, %sub3A_847, %div3A_826 : i32
        %add3A_849 = arith.addi %mul3A_0, %select_n3A_848 : i32
        %jit3A_850 = arith.constant 4 : i32
        %eq3A_851 = arith.constant 0 : i32
        %eq3A_852 = arith.cmpi eq, %jit3A_850, %eq3A_851 : i32
        %jit3A_853 = arith.constant 1 : i32
        %select_n3A_854 = arith.select %eq3A_852, %jit3A_853, %jit3A_850 : i32
        %rem3A_855 = arith.remsi %add3A_824, %select_n3A_854 : i32
        %ne3A_856 = arith.constant 0 : i32
        %ne3A_857 = arith.cmpi ne, %rem3A_855, %ne3A_856 : i32
        %lt3A_858 = arith.constant 0 : i32
        %lt3A_859 = arith.cmpi slt, %rem3A_855, %lt3A_858 : i32
        %lt3A_860 = arith.constant 0 : i32
        %lt3A_861 = arith.cmpi slt, %select_n3A_854, %lt3A_860 : i32
        %ne3A_862 = arith.xori %lt3A_859, %lt3A_861 : i1
        %and3A_863 = arith.andi %ne3A_862, %ne3A_857 : i1
        %add3A_864 = arith.addi %rem3A_855, %select_n3A_854 : i32
        %select_n3A_865 = arith.select %and3A_863, %add3A_864, %rem3A_855 : i32
        %dma_start3A_866 = arith.constant 0 : i32
        %dma_start3A_867 = arith.constant 0 : i32
        %dma_start3A_868 = tpu.memref_slice %arg7[%dma_start3A_867] : memref<800768xf32, #tpu.memory_space<vmem_shared>> -> memref<99968xf32, #tpu.memory_space<vmem_shared>>
        %dma_start3A_869 = arith.constant 0 : i32
        %dma_start3A_870 = tpu.memref_slice %arg3[%add3A_849, %select_n3A_865, %dma_start3A_866, %dma_start3A_869] : memref<26x4x8x100000xf32, #tpu.memory_space<hbm>> -> memref<1x1x1x99968xf32, #tpu.memory_space<hbm>>
        %dma_start3A_871 = tpu.memref_squeeze %dma_start3A_870 : memref<1x1x1x99968xf32, #tpu.memory_space<hbm>> -> memref<99968xf32, #tpu.memory_space<hbm>>
        tpu.enqueue_dma source(%dma_start3A_871 : memref<99968xf32, #tpu.memory_space<hbm>>) target(%dma_start3A_868 : memref<99968xf32, #tpu.memory_space<vmem_shared>>) target_semaphore(%arg11 : memref<!tpu.dma_semaphore, #tpu.memory_space<semaphore_mem>>)
        %dma_start3A_872 = arith.constant 0 : i32
        %dma_start3A_873 = arith.constant 99968 : i32
        %dma_start3A_874 = tpu.memref_slice %arg7[%dma_start3A_873] : memref<800768xf32, #tpu.memory_space<vmem_shared>> -> memref<128xf32, #tpu.memory_space<vmem_shared>>
        %dma_start3A_875 = arith.constant 0 : i32
        %dma_start3A_876 = tpu.memref_slice %arg4[%add3A_849, %select_n3A_865, %dma_start3A_872, %dma_start3A_875] : memref<26x4x8x128xf32, #tpu.memory_space<hbm>> -> memref<1x1x1x128xf32, #tpu.memory_space<hbm>>
        %dma_start3A_877 = tpu.memref_squeeze %dma_start3A_876 : memref<1x1x1x128xf32, #tpu.memory_space<hbm>> -> memref<128xf32, #tpu.memory_space<hbm>>
        tpu.enqueue_dma source(%dma_start3A_877 : memref<128xf32, #tpu.memory_space<hbm>>) target(%dma_start3A_874 : memref<128xf32, #tpu.memory_space<vmem_shared>>) target_semaphore(%arg11 : memref<!tpu.dma_semaphore, #tpu.memory_space<semaphore_mem>>)
        %dma_start3A_878 = arith.constant 1 : i32
        %dma_start3A_879 = arith.constant 100096 : i32
        %dma_start3A_880 = tpu.memref_slice %arg7[%dma_start3A_879] : memref<800768xf32, #tpu.memory_space<vmem_shared>> -> memref<99968xf32, #tpu.memory_space<vmem_shared>>
        %dma_start3A_881 = arith.constant 0 : i32
        %dma_start3A_882 = tpu.memref_slice %arg3[%add3A_849, %select_n3A_865, %dma_start3A_878, %dma_start3A_881] : memref<26x4x8x100000xf32, #tpu.memory_space<hbm>> -> memref<1x1x1x99968xf32, #tpu.memory_space<hbm>>
        %dma_start3A_883 = tpu.memref_squeeze %dma_start3A_882 : memref<1x1x1x99968xf32, #tpu.memory_space<hbm>> -> memref<99968xf32, #tpu.memory_space<hbm>>
        tpu.enqueue_dma source(%dma_start3A_883 : memref<99968xf32, #tpu.memory_space<hbm>>) target(%dma_start3A_880 : memref<99968xf32, #tpu.memory_space<vmem_shared>>) target_semaphore(%arg11 : memref<!tpu.dma_semaphore, #tpu.memory_space<semaphore_mem>>)
        %dma_start3A_884 = arith.constant 1 : i32
        %dma_start3A_885 = arith.constant 200064 : i32
        %dma_start3A_886 = tpu.memref_slice %arg7[%dma_start3A_885] : memref<800768xf32, #tpu.memory_space<vmem_shared>> -> memref<128xf32, #tpu.memory_space<vmem_shared>>
        %dma_start3A_887 = arith.constant 0 : i32
        %dma_start3A_888 = tpu.memref_slice %arg4[%add3A_849, %select_n3A_865, %dma_start3A_884, %dma_start3A_887] : memref<26x4x8x128xf32, #tpu.memory_space<hbm>> -> memref<1x1x1x128xf32, #tpu.memory_space<hbm>>
        %dma_start3A_889 = tpu.memref_squeeze %dma_start3A_888 : memref<1x1x1x128xf32, #tpu.memory_space<hbm>> -> memref<128xf32, #tpu.memory_space<hbm>>
        tpu.enqueue_dma source(%dma_start3A_889 : memref<128xf32, #tpu.memory_space<hbm>>) target(%dma_start3A_886 : memref<128xf32, #tpu.memory_space<vmem_shared>>) target_semaphore(%arg11 : memref<!tpu.dma_semaphore, #tpu.memory_space<semaphore_mem>>)
        %dma_start3A_890 = arith.constant 2 : i32
        %dma_start3A_891 = arith.constant 200192 : i32
        %dma_start3A_892 = tpu.memref_slice %arg7[%dma_start3A_891] : memref<800768xf32, #tpu.memory_space<vmem_shared>> -> memref<99968xf32, #tpu.memory_space<vmem_shared>>
        %dma_start3A_893 = arith.constant 0 : i32
        %dma_start3A_894 = tpu.memref_slice %arg3[%add3A_849, %select_n3A_865, %dma_start3A_890, %dma_start3A_893] : memref<26x4x8x100000xf32, #tpu.memory_space<hbm>> -> memref<1x1x1x99968xf32, #tpu.memory_space<hbm>>
        %dma_start3A_895 = tpu.memref_squeeze %dma_start3A_894 : memref<1x1x1x99968xf32, #tpu.memory_space<hbm>> -> memref<99968xf32, #tpu.memory_space<hbm>>
        tpu.enqueue_dma source(%dma_start3A_895 : memref<99968xf32, #tpu.memory_space<hbm>>) target(%dma_start3A_892 : memref<99968xf32, #tpu.memory_space<vmem_shared>>) target_semaphore(%arg11 : memref<!tpu.dma_semaphore, #tpu.memory_space<semaphore_mem>>)
        %dma_start3A_896 = arith.constant 2 : i32
        %dma_start3A_897 = arith.constant 300160 : i32
        %dma_start3A_898 = tpu.memref_slice %arg7[%dma_start3A_897] : memref<800768xf32, #tpu.memory_space<vmem_shared>> -> memref<128xf32, #tpu.memory_space<vmem_shared>>
        %dma_start3A_899 = arith.constant 0 : i32
        %dma_start3A_900 = tpu.memref_slice %arg4[%add3A_849, %select_n3A_865, %dma_start3A_896, %dma_start3A_899] : memref<26x4x8x128xf32, #tpu.memory_space<hbm>> -> memref<1x1x1x128xf32, #tpu.memory_space<hbm>>
        %dma_start3A_901 = tpu.memref_squeeze %dma_start3A_900 : memref<1x1x1x128xf32, #tpu.memory_space<hbm>> -> memref<128xf32, #tpu.memory_space<hbm>>
        tpu.enqueue_dma source(%dma_start3A_901 : memref<128xf32, #tpu.memory_space<hbm>>) target(%dma_start3A_898 : memref<128xf32, #tpu.memory_space<vmem_shared>>) target_semaphore(%arg11 : memref<!tpu.dma_semaphore, #tpu.memory_space<semaphore_mem>>)
        %dma_start3A_902 = arith.constant 3 : i32
        %dma_start3A_903 = arith.constant 300288 : i32
        %dma_start3A_904 = tpu.memref_slice %arg7[%dma_start3A_903] : memref<800768xf32, #tpu.memory_space<vmem_shared>> -> memref<99968xf32, #tpu.memory_space<vmem_shared>>
        %dma_start3A_905 = arith.constant 0 : i32
        %dma_start3A_906 = tpu.memref_slice %arg3[%add3A_849, %select_n3A_865, %dma_start3A_902, %dma_start3A_905] : memref<26x4x8x100000xf32, #tpu.memory_space<hbm>> -> memref<1x1x1x99968xf32, #tpu.memory_space<hbm>>
        %dma_start3A_907 = tpu.memref_squeeze %dma_start3A_906 : memref<1x1x1x99968xf32, #tpu.memory_space<hbm>> -> memref<99968xf32, #tpu.memory_space<hbm>>
        tpu.enqueue_dma source(%dma_start3A_907 : memref<99968xf32, #tpu.memory_space<hbm>>) target(%dma_start3A_904 : memref<99968xf32, #tpu.memory_space<vmem_shared>>) target_semaphore(%arg11 : memref<!tpu.dma_semaphore, #tpu.memory_space<semaphore_mem>>)
        %dma_start3A_908 = arith.constant 3 : i32
        %dma_start3A_909 = arith.constant 400256 : i32
        %dma_start3A_910 = tpu.memref_slice %arg7[%dma_start3A_909] : memref<800768xf32, #tpu.memory_space<vmem_shared>> -> memref<128xf32, #tpu.memory_space<vmem_shared>>
        %dma_start3A_911 = arith.constant 0 : i32
        %dma_start3A_912 = tpu.memref_slice %arg4[%add3A_849, %select_n3A_865, %dma_start3A_908, %dma_start3A_911] : memref<26x4x8x128xf32, #tpu.memory_space<hbm>> -> memref<1x1x1x128xf32, #tpu.memory_space<hbm>>
        %dma_start3A_913 = tpu.memref_squeeze %dma_start3A_912 : memref<1x1x1x128xf32, #tpu.memory_space<hbm>> -> memref<128xf32, #tpu.memory_space<hbm>>
        tpu.enqueue_dma source(%dma_start3A_913 : memref<128xf32, #tpu.memory_space<hbm>>) target(%dma_start3A_910 : memref<128xf32, #tpu.memory_space<vmem_shared>>) target_semaphore(%arg11 : memref<!tpu.dma_semaphore, #tpu.memory_space<semaphore_mem>>)
        %dma_start3A_914 = arith.constant 4 : i32
        %dma_start3A_915 = arith.constant 400384 : i32
        %dma_start3A_916 = tpu.memref_slice %arg7[%dma_start3A_915] : memref<800768xf32, #tpu.memory_space<vmem_shared>> -> memref<99968xf32, #tpu.memory_space<vmem_shared>>
        %dma_start3A_917 = arith.constant 0 : i32
        %dma_start3A_918 = tpu.memref_slice %arg3[%add3A_849, %select_n3A_865, %dma_start3A_914, %dma_start3A_917] : memref<26x4x8x100000xf32, #tpu.memory_space<hbm>> -> memref<1x1x1x99968xf32, #tpu.memory_space<hbm>>
        %dma_start3A_919 = tpu.memref_squeeze %dma_start3A_918 : memref<1x1x1x99968xf32, #tpu.memory_space<hbm>> -> memref<99968xf32, #tpu.memory_space<hbm>>
        tpu.enqueue_dma source(%dma_start3A_919 : memref<99968xf32, #tpu.memory_space<hbm>>) target(%dma_start3A_916 : memref<99968xf32, #tpu.memory_space<vmem_shared>>) target_semaphore(%arg11 : memref<!tpu.dma_semaphore, #tpu.memory_space<semaphore_mem>>)
        %dma_start3A_920 = arith.constant 4 : i32
        %dma_start3A_921 = arith.constant 500352 : i32
        %dma_start3A_922 = tpu.memref_slice %arg7[%dma_start3A_921] : memref<800768xf32, #tpu.memory_space<vmem_shared>> -> memref<128xf32, #tpu.memory_space<vmem_shared>>
        %dma_start3A_923 = arith.constant 0 : i32
        %dma_start3A_924 = tpu.memref_slice %arg4[%add3A_849, %select_n3A_865, %dma_start3A_920, %dma_start3A_923] : memref<26x4x8x128xf32, #tpu.memory_space<hbm>> -> memref<1x1x1x128xf32, #tpu.memory_space<hbm>>
        %dma_start3A_925 = tpu.memref_squeeze %dma_start3A_924 : memref<1x1x1x128xf32, #tpu.memory_space<hbm>> -> memref<128xf32, #tpu.memory_space<hbm>>
        tpu.enqueue_dma source(%dma_start3A_925 : memref<128xf32, #tpu.memory_space<hbm>>) target(%dma_start3A_922 : memref<128xf32, #tpu.memory_space<vmem_shared>>) target_semaphore(%arg11 : memref<!tpu.dma_semaphore, #tpu.memory_space<semaphore_mem>>)
        %dma_start3A_926 = arith.constant 5 : i32
        %dma_start3A_927 = arith.constant 500480 : i32
        %dma_start3A_928 = tpu.memref_slice %arg7[%dma_start3A_927] : memref<800768xf32, #tpu.memory_space<vmem_shared>> -> memref<99968xf32, #tpu.memory_space<vmem_shared>>
        %dma_start3A_929 = arith.constant 0 : i32
        %dma_start3A_930 = tpu.memref_slice %arg3[%add3A_849, %select_n3A_865, %dma_start3A_926, %dma_start3A_929] : memref<26x4x8x100000xf32, #tpu.memory_space<hbm>> -> memref<1x1x1x99968xf32, #tpu.memory_space<hbm>>
        %dma_start3A_931 = tpu.memref_squeeze %dma_start3A_930 : memref<1x1x1x99968xf32, #tpu.memory_space<hbm>> -> memref<99968xf32, #tpu.memory_space<hbm>>
        tpu.enqueue_dma source(%dma_start3A_931 : memref<99968xf32, #tpu.memory_space<hbm>>) target(%dma_start3A_928 : memref<99968xf32, #tpu.memory_space<vmem_shared>>) target_semaphore(%arg11 : memref<!tpu.dma_semaphore, #tpu.memory_space<semaphore_mem>>)
        %dma_start3A_932 = arith.constant 5 : i32
        %dma_start3A_933 = arith.constant 600448 : i32
        %dma_start3A_934 = tpu.memref_slice %arg7[%dma_start3A_933] : memref<800768xf32, #tpu.memory_space<vmem_shared>> -> memref<128xf32, #tpu.memory_space<vmem_shared>>
        %dma_start3A_935 = arith.constant 0 : i32
        %dma_start3A_936 = tpu.memref_slice %arg4[%add3A_849, %select_n3A_865, %dma_start3A_932, %dma_start3A_935] : memref<26x4x8x128xf32, #tpu.memory_space<hbm>> -> memref<1x1x1x128xf32, #tpu.memory_space<hbm>>
        %dma_start3A_937 = tpu.memref_squeeze %dma_start3A_936 : memref<1x1x1x128xf32, #tpu.memory_space<hbm>> -> memref<128xf32, #tpu.memory_space<hbm>>
        tpu.enqueue_dma source(%dma_start3A_937 : memref<128xf32, #tpu.memory_space<hbm>>) target(%dma_start3A_934 : memref<128xf32, #tpu.memory_space<vmem_shared>>) target_semaphore(%arg11 : memref<!tpu.dma_semaphore, #tpu.memory_space<semaphore_mem>>)
        %dma_start3A_938 = arith.constant 6 : i32
        %dma_start3A_939 = arith.constant 600576 : i32
        %dma_start3A_940 = tpu.memref_slice %arg7[%dma_start3A_939] : memref<800768xf32, #tpu.memory_space<vmem_shared>> -> memref<99968xf32, #tpu.memory_space<vmem_shared>>
        %dma_start3A_941 = arith.constant 0 : i32
        %dma_start3A_942 = tpu.memref_slice %arg3[%add3A_849, %select_n3A_865, %dma_start3A_938, %dma_start3A_941] : memref<26x4x8x100000xf32, #tpu.memory_space<hbm>> -> memref<1x1x1x99968xf32, #tpu.memory_space<hbm>>
        %dma_start3A_943 = tpu.memref_squeeze %dma_start3A_942 : memref<1x1x1x99968xf32, #tpu.memory_space<hbm>> -> memref<99968xf32, #tpu.memory_space<hbm>>
        tpu.enqueue_dma source(%dma_start3A_943 : memref<99968xf32, #tpu.memory_space<hbm>>) target(%dma_start3A_940 : memref<99968xf32, #tpu.memory_space<vmem_shared>>) target_semaphore(%arg11 : memref<!tpu.dma_semaphore, #tpu.memory_space<semaphore_mem>>)
        %dma_start3A_944 = arith.constant 6 : i32
        %dma_start3A_945 = arith.constant 700544 : i32
        %dma_start3A_946 = tpu.memref_slice %arg7[%dma_start3A_945] : memref<800768xf32, #tpu.memory_space<vmem_shared>> -> memref<128xf32, #tpu.memory_space<vmem_shared>>
        %dma_start3A_947 = arith.constant 0 : i32
        %dma_start3A_948 = tpu.memref_slice %arg4[%add3A_849, %select_n3A_865, %dma_start3A_944, %dma_start3A_947] : memref<26x4x8x128xf32, #tpu.memory_space<hbm>> -> memref<1x1x1x128xf32, #tpu.memory_space<hbm>>
        %dma_start3A_949 = tpu.memref_squeeze %dma_start3A_948 : memref<1x1x1x128xf32, #tpu.memory_space<hbm>> -> memref<128xf32, #tpu.memory_space<hbm>>
        tpu.enqueue_dma source(%dma_start3A_949 : memref<128xf32, #tpu.memory_space<hbm>>) target(%dma_start3A_946 : memref<128xf32, #tpu.memory_space<vmem_shared>>) target_semaphore(%arg11 : memref<!tpu.dma_semaphore, #tpu.memory_space<semaphore_mem>>)
        %dma_start3A_950 = arith.constant 7 : i32
        %dma_start3A_951 = arith.constant 700672 : i32
        %dma_start3A_952 = tpu.memref_slice %arg7[%dma_start3A_951] : memref<800768xf32, #tpu.memory_space<vmem_shared>> -> memref<99968xf32, #tpu.memory_space<vmem_shared>>
        %dma_start3A_953 = arith.constant 0 : i32
        %dma_start3A_954 = tpu.memref_slice %arg3[%add3A_849, %select_n3A_865, %dma_start3A_950, %dma_start3A_953] : memref<26x4x8x100000xf32, #tpu.memory_space<hbm>> -> memref<1x1x1x99968xf32, #tpu.memory_space<hbm>>
        %dma_start3A_955 = tpu.memref_squeeze %dma_start3A_954 : memref<1x1x1x99968xf32, #tpu.memory_space<hbm>> -> memref<99968xf32, #tpu.memory_space<hbm>>
        tpu.enqueue_dma source(%dma_start3A_955 : memref<99968xf32, #tpu.memory_space<hbm>>) target(%dma_start3A_952 : memref<99968xf32, #tpu.memory_space<vmem_shared>>) target_semaphore(%arg11 : memref<!tpu.dma_semaphore, #tpu.memory_space<semaphore_mem>>)
        %dma_start3A_956 = arith.constant 7 : i32
        %dma_start3A_957 = arith.constant 800640 : i32
        %dma_start3A_958 = tpu.memref_slice %arg7[%dma_start3A_957] : memref<800768xf32, #tpu.memory_space<vmem_shared>> -> memref<128xf32, #tpu.memory_space<vmem_shared>>
        %dma_start3A_959 = arith.constant 0 : i32
        %dma_start3A_960 = tpu.memref_slice %arg4[%add3A_849, %select_n3A_865, %dma_start3A_956, %dma_start3A_959] : memref<26x4x8x128xf32, #tpu.memory_space<hbm>> -> memref<1x1x1x128xf32, #tpu.memory_space<hbm>>
        %dma_start3A_961 = tpu.memref_squeeze %dma_start3A_960 : memref<1x1x1x128xf32, #tpu.memory_space<hbm>> -> memref<128xf32, #tpu.memory_space<hbm>>
        tpu.enqueue_dma source(%dma_start3A_961 : memref<128xf32, #tpu.memory_space<hbm>>) target(%dma_start3A_958 : memref<128xf32, #tpu.memory_space<vmem_shared>>) target_semaphore(%arg11 : memref<!tpu.dma_semaphore, #tpu.memory_space<semaphore_mem>>)
      } else {
      }
      %eq3A_62 = arith.constant 0 : i32
      %eq3A_63 = arith.cmpi eq, %select_n3A_46, %eq3A_62 : i32
      %convert_element_type3A_64 = arith.extui %eq3A_63 : i1 to i32
      %cond3A_65 = arith.constant 0 : i32
      %cond3A_66 = arith.cmpi ne, %convert_element_type3A_64, %cond3A_65 : i32
      scf.if %cond3A_66 {
        %jit3A_823 = arith.constant 8 : i32
        %div3A_824 = arith.divsi %add3A_31, %jit3A_823 : i32
        %sign3A_825 = arith.constant 0 : i32
        %sign3A_826 = arith.cmpi sgt, %add3A_31, %sign3A_825 : i32
        %sign3A_827 = arith.extui %sign3A_826 : i1 to i32
        %sign3A_828 = arith.constant 0 : i32
        %sign3A_829 = arith.cmpi slt, %add3A_31, %sign3A_828 : i32
        %sign3A_830 = arith.extui %sign3A_829 : i1 to i32
        %sign3A_831 = arith.subi %sign3A_827, %sign3A_830 : i32
        %sign3A_832 = arith.constant 0 : i32
        %sign3A_833 = arith.cmpi sgt, %jit3A_823, %sign3A_832 : i32
        %sign3A_834 = arith.extui %sign3A_833 : i1 to i32
        %sign3A_835 = arith.constant 0 : i32
        %sign3A_836 = arith.cmpi slt, %jit3A_823, %sign3A_835 : i32
        %sign3A_837 = arith.extui %sign3A_836 : i1 to i32
        %sign3A_838 = arith.subi %sign3A_834, %sign3A_837 : i32
        %ne3A_839 = arith.cmpi ne, %sign3A_831, %sign3A_838 : i32
        %rem3A_840 = arith.remsi %add3A_31, %jit3A_823 : i32
        %ne3A_841 = arith.constant 0 : i32
        %ne3A_842 = arith.cmpi ne, %rem3A_840, %ne3A_841 : i32
        %and3A_843 = arith.andi %ne3A_839, %ne3A_842 : i1
        %sub3A_844 = arith.constant 1 : i32
        %sub3A_845 = arith.subi %div3A_824, %sub3A_844 : i32
        %select_n3A_846 = arith.select %and3A_843, %sub3A_845, %div3A_824 : i32
        %mul3A_847 = arith.constant 8 : i32
        %mul3A_848 = arith.muli %select_n3A_846, %mul3A_847 : i32
        %multiple_of3A_849 = tpu.assume_multiple %mul3A_848, 8 : i32
        "tpu.region"() ({
          %run_scoped3A = tpu.sem_alloc : memref<!tpu.dma_semaphore, #tpu.memory_space<semaphore_mem>>
          %dma_start3A_850 = tpu.memref_slice %arg2[%multiple_of3A_849, %multiple_of3A] : memref<32x4096xi32, #tpu.memory_space<hbm>> -> memref<8x256xi32, #tpu.memory_space<hbm>>
          %dma_start3A_851 = tpu.memref_slice %arg2[%multiple_of3A_849, %multiple_of3A] : memref<32x4096xi32, #tpu.memory_space<hbm>> -> memref<8x256xi32, #tpu.memory_space<hbm>>
          tpu.enqueue_dma source(%dma_start3A_851 : memref<8x256xi32, #tpu.memory_space<hbm>>) target(%arg8 : memref<8x256xi32, #tpu.memory_space<vmem>>) target_semaphore(%run_scoped3A : memref<!tpu.dma_semaphore, #tpu.memory_space<semaphore_mem>>)
          %dma_wait3A_852 = tpu.memref_slice %arg2[%multiple_of3A_849, %multiple_of3A] : memref<32x4096xi32, #tpu.memory_space<hbm>> -> memref<8x256xi32, #tpu.memory_space<hbm>>
          %dma_wait3A_853 = tpu.memref_slice %arg2[%multiple_of3A_849, %multiple_of3A] : memref<32x4096xi32, #tpu.memory_space<hbm>> -> memref<8x256xi32, #tpu.memory_space<hbm>>
          tpu.wait_dma2 semaphore(%run_scoped3A : memref<!tpu.dma_semaphore, #tpu.memory_space<semaphore_mem>>) src(%dma_wait3A_853 : memref<8x256xi32, #tpu.memory_space<hbm>>) dst(%arg8 : memref<8x256xi32, #tpu.memory_space<vmem>>)
          tpu.yield
        }) : () -> ()
      } else {
      }
      %jit3A_67 = arith.constant 8 : i32
      %eq3A_68 = arith.constant 0 : i32
      %eq3A_69 = arith.cmpi eq, %jit3A_67, %eq3A_68 : i32
      %jit3A_70 = arith.constant 1 : i32
      %select_n3A_71 = arith.select %eq3A_69, %jit3A_70, %jit3A_67 : i32
      %rem3A_72 = arith.remsi %add3A_31, %select_n3A_71 : i32
      %ne3A_73 = arith.constant 0 : i32
      %ne3A_74 = arith.cmpi ne, %rem3A_72, %ne3A_73 : i32
      %lt3A_75 = arith.constant 0 : i32
      %lt3A_76 = arith.cmpi slt, %rem3A_72, %lt3A_75 : i32
      %lt3A_77 = arith.constant 0 : i32
      %lt3A_78 = arith.cmpi slt, %select_n3A_71, %lt3A_77 : i32
      %ne3A_79 = arith.xori %lt3A_76, %lt3A_78 : i1
      %and3A_80 = arith.andi %ne3A_79, %ne3A_74 : i1
      %add3A_81 = arith.addi %rem3A_72, %select_n3A_71 : i32
      %select_n3A_82 = arith.select %and3A_80, %add3A_81, %rem3A_72 : i32
      %scan3A_83 = arith.constant 0 : i32
      %scan3A_84 = arith.constant 16 : i32
      %scan3A_85 = arith.addi %scan3A_83, %scan3A_84 : i32
      %scan3A_86 = arith.constant 1 : i32
      scf.for %scan3A_823 = %scan3A_83 to %scan3A_85 step %scan3A_86  : i32 {
        %mul3A_824 = arith.constant 1 : i32
        %mul3A_825 = arith.muli %scan3A_823, %mul3A_824 : i32
        %add3A_826 = arith.constant 0 : i32
        %add3A_827 = arith.addi %add3A_826, %mul3A_825 : i32
        %mul3A_828 = arith.constant 16 : i32
        %mul3A_829 = arith.muli %add3A_827, %mul3A_828 : i32
        %get3A = arith.index_cast %select_n3A_82 : i32 to index
        %get3A_830 = arith.index_cast %mul3A_829 : i32 to index
        %get3A_831 = tpu.vector_load %arg8[%get3A, %get3A_830] {strides = array<i32>} : memref<8x256xi32, #tpu.memory_space<vmem>>, vector<1x16xi32>,
        %get3A_832 = vector.shape_cast %get3A_831 : vector<1x16xi32> to vector<16xi32>
        %add3A_833 = arith.constant 0 : i32
        %add3A_834 = vector.broadcast %add3A_833 : i32 to vector<16xi32>
        %add3A_835 = arith.addi %get3A_832, %add3A_834 : vector<16xi32>
        %swap3A = arith.constant 0 : i32
        %swap3A_836 = arith.index_cast %swap3A : i32 to index
        %swap3A_837 = arith.index_cast %mul3A_829 : i32 to index
        %swap3A_838 = tpu.vector_load %arg9[%swap3A_836, %swap3A_837] {strides = array<i32>} : memref<8x256xi32, #tpu.memory_space<vmem>>, vector<1x16xi32>,
        %swap3A_839 = vector.shape_cast %swap3A_838 : vector<1x16xi32> to vector<16xi32>
        %swap3A_840 = vector.shape_cast %add3A_835 : vector<16xi32> to vector<1x16xi32>
        tpu.vector_store %arg9[%swap3A_836, %swap3A_837], %swap3A_840 {strides = array<i32>} : memref<8x256xi32, #tpu.memory_space<vmem>>, vector<1x16xi32>,
        %add3A_841 = arith.constant 100096 : i32
        %add3A_842 = vector.broadcast %add3A_841 : i32 to vector<16xi32>
        %add3A_843 = arith.addi %get3A_832, %add3A_842 : vector<16xi32>
        %swap3A_844 = arith.constant 1 : i32
        %swap3A_845 = arith.index_cast %swap3A_844 : i32 to index
        %swap3A_846 = arith.index_cast %mul3A_829 : i32 to index
        %swap3A_847 = tpu.vector_load %arg9[%swap3A_845, %swap3A_846] {strides = array<i32>} : memref<8x256xi32, #tpu.memory_space<vmem>>, vector<1x16xi32>,
        %swap3A_848 = vector.shape_cast %swap3A_847 : vector<1x16xi32> to vector<16xi32>
        %swap3A_849 = vector.shape_cast %add3A_843 : vector<16xi32> to vector<1x16xi32>
        tpu.vector_store %arg9[%swap3A_845, %swap3A_846], %swap3A_849 {strides = array<i32>} : memref<8x256xi32, #tpu.memory_space<vmem>>, vector<1x16xi32>,
        %add3A_850 = arith.constant 200192 : i32
        %add3A_851 = vector.broadcast %add3A_850 : i32 to vector<16xi32>
        %add3A_852 = arith.addi %get3A_832, %add3A_851 : vector<16xi32>
        %swap3A_853 = arith.constant 2 : i32
        %swap3A_854 = arith.index_cast %swap3A_853 : i32 to index
        %swap3A_855 = arith.index_cast %mul3A_829 : i32 to index
        %swap3A_856 = tpu.vector_load %arg9[%swap3A_854, %swap3A_855] {strides = array<i32>} : memref<8x256xi32, #tpu.memory_space<vmem>>, vector<1x16xi32>,
        %swap3A_857 = vector.shape_cast %swap3A_856 : vector<1x16xi32> to vector<16xi32>
        %swap3A_858 = vector.shape_cast %add3A_852 : vector<16xi32> to vector<1x16xi32>
        tpu.vector_store %arg9[%swap3A_854, %swap3A_855], %swap3A_858 {strides = array<i32>} : memref<8x256xi32, #tpu.memory_space<vmem>>, vector<1x16xi32>,
        %add3A_859 = arith.constant 300288 : i32
        %add3A_860 = vector.broadcast %add3A_859 : i32 to vector<16xi32>
        %add3A_861 = arith.addi %get3A_832, %add3A_860 : vector<16xi32>
        %swap3A_862 = arith.constant 3 : i32
        %swap3A_863 = arith.index_cast %swap3A_862 : i32 to index
        %swap3A_864 = arith.index_cast %mul3A_829 : i32 to index
        %swap3A_865 = tpu.vector_load %arg9[%swap3A_863, %swap3A_864] {strides = array<i32>} : memref<8x256xi32, #tpu.memory_space<vmem>>, vector<1x16xi32>,
        %swap3A_866 = vector.shape_cast %swap3A_865 : vector<1x16xi32> to vector<16xi32>
        %swap3A_867 = vector.shape_cast %add3A_861 : vector<16xi32> to vector<1x16xi32>
        tpu.vector_store %arg9[%swap3A_863, %swap3A_864], %swap3A_867 {strides = array<i32>} : memref<8x256xi32, #tpu.memory_space<vmem>>, vector<1x16xi32>,
        %add3A_868 = arith.constant 400384 : i32
        %add3A_869 = vector.broadcast %add3A_868 : i32 to vector<16xi32>
        %add3A_870 = arith.addi %get3A_832, %add3A_869 : vector<16xi32>
        %swap3A_871 = arith.constant 4 : i32
        %swap3A_872 = arith.index_cast %swap3A_871 : i32 to index
        %swap3A_873 = arith.index_cast %mul3A_829 : i32 to index
        %swap3A_874 = tpu.vector_load %arg9[%swap3A_872, %swap3A_873] {strides = array<i32>} : memref<8x256xi32, #tpu.memory_space<vmem>>, vector<1x16xi32>,
        %swap3A_875 = vector.shape_cast %swap3A_874 : vector<1x16xi32> to vector<16xi32>
        %swap3A_876 = vector.shape_cast %add3A_870 : vector<16xi32> to vector<1x16xi32>
        tpu.vector_store %arg9[%swap3A_872, %swap3A_873], %swap3A_876 {strides = array<i32>} : memref<8x256xi32, #tpu.memory_space<vmem>>, vector<1x16xi32>,
        %add3A_877 = arith.constant 500480 : i32
        %add3A_878 = vector.broadcast %add3A_877 : i32 to vector<16xi32>
        %add3A_879 = arith.addi %get3A_832, %add3A_878 : vector<16xi32>
        %swap3A_880 = arith.constant 5 : i32
        %swap3A_881 = arith.index_cast %swap3A_880 : i32 to index
        %swap3A_882 = arith.index_cast %mul3A_829 : i32 to index
        %swap3A_883 = tpu.vector_load %arg9[%swap3A_881, %swap3A_882] {strides = array<i32>} : memref<8x256xi32, #tpu.memory_space<vmem>>, vector<1x16xi32>,
        %swap3A_884 = vector.shape_cast %swap3A_883 : vector<1x16xi32> to vector<16xi32>
        %swap3A_885 = vector.shape_cast %add3A_879 : vector<16xi32> to vector<1x16xi32>
        tpu.vector_store %arg9[%swap3A_881, %swap3A_882], %swap3A_885 {strides = array<i32>} : memref<8x256xi32, #tpu.memory_space<vmem>>, vector<1x16xi32>,
        %add3A_886 = arith.constant 600576 : i32
        %add3A_887 = vector.broadcast %add3A_886 : i32 to vector<16xi32>
        %add3A_888 = arith.addi %get3A_832, %add3A_887 : vector<16xi32>
        %swap3A_889 = arith.constant 6 : i32
        %swap3A_890 = arith.index_cast %swap3A_889 : i32 to index
        %swap3A_891 = arith.index_cast %mul3A_829 : i32 to index
        %swap3A_892 = tpu.vector_load %arg9[%swap3A_890, %swap3A_891] {strides = array<i32>} : memref<8x256xi32, #tpu.memory_space<vmem>>, vector<1x16xi32>,
        %swap3A_893 = vector.shape_cast %swap3A_892 : vector<1x16xi32> to vector<16xi32>
        %swap3A_894 = vector.shape_cast %add3A_888 : vector<16xi32> to vector<1x16xi32>
        tpu.vector_store %arg9[%swap3A_890, %swap3A_891], %swap3A_894 {strides = array<i32>} : memref<8x256xi32, #tpu.memory_space<vmem>>, vector<1x16xi32>,
        %add3A_895 = arith.constant 700672 : i32
        %add3A_896 = vector.broadcast %add3A_895 : i32 to vector<16xi32>
        %add3A_897 = arith.addi %get3A_832, %add3A_896 : vector<16xi32>
        %swap3A_898 = arith.constant 7 : i32
        %swap3A_899 = arith.index_cast %swap3A_898 : i32 to index
        %swap3A_900 = arith.index_cast %mul3A_829 : i32 to index
        %swap3A_901 = tpu.vector_load %arg9[%swap3A_899, %swap3A_900] {strides = array<i32>} : memref<8x256xi32, #tpu.memory_space<vmem>>, vector<1x16xi32>,
        %swap3A_902 = vector.shape_cast %swap3A_901 : vector<1x16xi32> to vector<16xi32>
        %swap3A_903 = vector.shape_cast %add3A_897 : vector<16xi32> to vector<1x16xi32>
        tpu.vector_store %arg9[%swap3A_899, %swap3A_900], %swap3A_903 {strides = array<i32>} : memref<8x256xi32, #tpu.memory_space<vmem>>, vector<1x16xi32>,
      }
      %scan3A_87 = arith.constant 16 : i32
      %dma_start3A = arith.constant 0 : i32
      %dma_start3A_88 = arith.constant 0 : i32
      %dma_start3A_89 = arith.constant 0 : i32
      %dma_start3A_90 = tpu.memref_slice %arg10[%dma_start3A_88, %dma_start3A_89] : memref<8x256xf32, #tpu.memory_space<vmem>> -> memref<1x128xf32, #tpu.memory_space<vmem>>
      %dma_start3A_91 = tpu.memref_squeeze %dma_start3A_90 : memref<1x128xf32, #tpu.memory_space<vmem>> -> memref<128xf32, #tpu.memory_space<vmem>>
      %dma_start3A_92 = arith.constant 0 : i32
      %dma_start3A_93 = tpu.memref_slice %arg9[%dma_start3A, %dma_start3A_92] : memref<8x256xi32, #tpu.memory_space<vmem>> -> memref<1x128xi32, #tpu.memory_space<vmem>>
      %dma_start3A_94 = tpu.memref_squeeze %dma_start3A_93 : memref<1x128xi32, #tpu.memory_space<vmem>> -> memref<128xi32, #tpu.memory_space<vmem>>
      %dma_start3A_95 = arith.constant 0 : i32
      %dma_start3A_96 = tpu.memref_slice %arg6[%dma_start3A_95] : memref<800768xf32, #tpu.memory_space<vmem_shared>> -> memref<800768xf32, #tpu.memory_space<vmem_shared>>
      tpu.enqueue_indirect_dma source(%dma_start3A_96 : memref<800768xf32, #tpu.memory_space<vmem_shared>>) target(%dma_start3A_91 : memref<128xf32, #tpu.memory_space<vmem>>) offsets(%dma_start3A_94 : memref<128xi32, #tpu.memory_space<vmem>>) semaphore(%arg12 : memref<!tpu.dma_semaphore, #tpu.memory_space<semaphore_mem>>)
      %dma_start3A_97 = arith.constant 0 : i32
      %dma_start3A_98 = arith.constant 0 : i32
      %dma_start3A_99 = arith.constant 128 : i32
      %dma_start3A_100 = tpu.memref_slice %arg10[%dma_start3A_98, %dma_start3A_99] : memref<8x256xf32, #tpu.memory_space<vmem>> -> memref<1x128xf32, #tpu.memory_space<vmem>>
      %dma_start3A_101 = tpu.memref_squeeze %dma_start3A_100 : memref<1x128xf32, #tpu.memory_space<vmem>> -> memref<128xf32, #tpu.memory_space<vmem>>
      %dma_start3A_102 = arith.constant 128 : i32
      %dma_start3A_103 = tpu.memref_slice %arg9[%dma_start3A_97, %dma_start3A_102] : memref<8x256xi32, #tpu.memory_space<vmem>> -> memref<1x128xi32, #tpu.memory_space<vmem>>
      %dma_start3A_104 = tpu.memref_squeeze %dma_start3A_103 : memref<1x128xi32, #tpu.memory_space<vmem>> -> memref<128xi32, #tpu.memory_space<vmem>>
      %dma_start3A_105 = arith.constant 0 : i32
      %dma_start3A_106 = tpu.memref_slice %arg6[%dma_start3A_105] : memref<800768xf32, #tpu.memory_space<vmem_shared>> -> memref<800768xf32, #tpu.memory_space<vmem_shared>>
      tpu.enqueue_indirect_dma source(%dma_start3A_106 : memref<800768xf32, #tpu.memory_space<vmem_shared>>) target(%dma_start3A_101 : memref<128xf32, #tpu.memory_space<vmem>>) offsets(%dma_start3A_104 : memref<128xi32, #tpu.memory_space<vmem>>) semaphore(%arg12 : memref<!tpu.dma_semaphore, #tpu.memory_space<semaphore_mem>>)
      %dma_start3A_107 = arith.constant 1 : i32
      %dma_start3A_108 = arith.constant 1 : i32
      %dma_start3A_109 = arith.constant 0 : i32
      %dma_start3A_110 = tpu.memref_slice %arg10[%dma_start3A_108, %dma_start3A_109] : memref<8x256xf32, #tpu.memory_space<vmem>> -> memref<1x128xf32, #tpu.memory_space<vmem>>
      %dma_start3A_111 = tpu.memref_squeeze %dma_start3A_110 : memref<1x128xf32, #tpu.memory_space<vmem>> -> memref<128xf32, #tpu.memory_space<vmem>>
      %dma_start3A_112 = arith.constant 0 : i32
      %dma_start3A_113 = tpu.memref_slice %arg9[%dma_start3A_107, %dma_start3A_112] : memref<8x256xi32, #tpu.memory_space<vmem>> -> memref<1x128xi32, #tpu.memory_space<vmem>>
      %dma_start3A_114 = tpu.memref_squeeze %dma_start3A_113 : memref<1x128xi32, #tpu.memory_space<vmem>> -> memref<128xi32, #tpu.memory_space<vmem>>
      %dma_start3A_115 = arith.constant 0 : i32
      %dma_start3A_116 = tpu.memref_slice %arg6[%dma_start3A_115] : memref<800768xf32, #tpu.memory_space<vmem_shared>> -> memref<800768xf32, #tpu.memory_space<vmem_shared>>
      tpu.enqueue_indirect_dma source(%dma_start3A_116 : memref<800768xf32, #tpu.memory_space<vmem_shared>>) target(%dma_start3A_111 : memref<128xf32, #tpu.memory_space<vmem>>) offsets(%dma_start3A_114 : memref<128xi32, #tpu.memory_space<vmem>>) semaphore(%arg12 : memref<!tpu.dma_semaphore, #tpu.memory_space<semaphore_mem>>)
      %dma_start3A_117 = arith.constant 1 : i32
      %dma_start3A_118 = arith.constant 1 : i32
      %dma_start3A_119 = arith.constant 128 : i32
      %dma_start3A_120 = tpu.memref_slice %arg10[%dma_start3A_118, %dma_start3A_119] : memref<8x256xf32, #tpu.memory_space<vmem>> -> memref<1x128xf32, #tpu.memory_space<vmem>>
      %dma_start3A_121 = tpu.memref_squeeze %dma_start3A_120 : memref<1x128xf32, #tpu.memory_space<vmem>> -> memref<128xf32, #tpu.memory_space<vmem>>
      %dma_start3A_122 = arith.constant 128 : i32
      %dma_start3A_123 = tpu.memref_slice %arg9[%dma_start3A_117, %dma_start3A_122] : memref<8x256xi32, #tpu.memory_space<vmem>> -> memref<1x128xi32, #tpu.memory_space<vmem>>
      %dma_start3A_124 = tpu.memref_squeeze %dma_start3A_123 : memref<1x128xi32, #tpu.memory_space<vmem>> -> memref<128xi32, #tpu.memory_space<vmem>>
      %dma_start3A_125 = arith.constant 0 : i32
      %dma_start3A_126 = tpu.memref_slice %arg6[%dma_start3A_125] : memref<800768xf32, #tpu.memory_space<vmem_shared>> -> memref<800768xf32, #tpu.memory_space<vmem_shared>>
      tpu.enqueue_indirect_dma source(%dma_start3A_126 : memref<800768xf32, #tpu.memory_space<vmem_shared>>) target(%dma_start3A_121 : memref<128xf32, #tpu.memory_space<vmem>>) offsets(%dma_start3A_124 : memref<128xi32, #tpu.memory_space<vmem>>) semaphore(%arg12 : memref<!tpu.dma_semaphore, #tpu.memory_space<semaphore_mem>>)
      %dma_start3A_127 = arith.constant 2 : i32
      %dma_start3A_128 = arith.constant 2 : i32
      %dma_start3A_129 = arith.constant 0 : i32
      %dma_start3A_130 = tpu.memref_slice %arg10[%dma_start3A_128, %dma_start3A_129] : memref<8x256xf32, #tpu.memory_space<vmem>> -> memref<1x128xf32, #tpu.memory_space<vmem>>
      %dma_start3A_131 = tpu.memref_squeeze %dma_start3A_130 : memref<1x128xf32, #tpu.memory_space<vmem>> -> memref<128xf32, #tpu.memory_space<vmem>>
      %dma_start3A_132 = arith.constant 0 : i32
      %dma_start3A_133 = tpu.memref_slice %arg9[%dma_start3A_127, %dma_start3A_132] : memref<8x256xi32, #tpu.memory_space<vmem>> -> memref<1x128xi32, #tpu.memory_space<vmem>>
      %dma_start3A_134 = tpu.memref_squeeze %dma_start3A_133 : memref<1x128xi32, #tpu.memory_space<vmem>> -> memref<128xi32, #tpu.memory_space<vmem>>
      %dma_start3A_135 = arith.constant 0 : i32
      %dma_start3A_136 = tpu.memref_slice %arg6[%dma_start3A_135] : memref<800768xf32, #tpu.memory_space<vmem_shared>> -> memref<800768xf32, #tpu.memory_space<vmem_shared>>
      tpu.enqueue_indirect_dma source(%dma_start3A_136 : memref<800768xf32, #tpu.memory_space<vmem_shared>>) target(%dma_start3A_131 : memref<128xf32, #tpu.memory_space<vmem>>) offsets(%dma_start3A_134 : memref<128xi32, #tpu.memory_space<vmem>>) semaphore(%arg12 : memref<!tpu.dma_semaphore, #tpu.memory_space<semaphore_mem>>)
      %dma_start3A_137 = arith.constant 2 : i32
      %dma_start3A_138 = arith.constant 2 : i32
      %dma_start3A_139 = arith.constant 128 : i32
      %dma_start3A_140 = tpu.memref_slice %arg10[%dma_start3A_138, %dma_start3A_139] : memref<8x256xf32, #tpu.memory_space<vmem>> -> memref<1x128xf32, #tpu.memory_space<vmem>>
      %dma_start3A_141 = tpu.memref_squeeze %dma_start3A_140 : memref<1x128xf32, #tpu.memory_space<vmem>> -> memref<128xf32, #tpu.memory_space<vmem>>
      %dma_start3A_142 = arith.constant 128 : i32
      %dma_start3A_143 = tpu.memref_slice %arg9[%dma_start3A_137, %dma_start3A_142] : memref<8x256xi32, #tpu.memory_space<vmem>> -> memref<1x128xi32, #tpu.memory_space<vmem>>
      %dma_start3A_144 = tpu.memref_squeeze %dma_start3A_143 : memref<1x128xi32, #tpu.memory_space<vmem>> -> memref<128xi32, #tpu.memory_space<vmem>>
      %dma_start3A_145 = arith.constant 0 : i32
      %dma_start3A_146 = tpu.memref_slice %arg6[%dma_start3A_145] : memref<800768xf32, #tpu.memory_space<vmem_shared>> -> memref<800768xf32, #tpu.memory_space<vmem_shared>>
      tpu.enqueue_indirect_dma source(%dma_start3A_146 : memref<800768xf32, #tpu.memory_space<vmem_shared>>) target(%dma_start3A_141 : memref<128xf32, #tpu.memory_space<vmem>>) offsets(%dma_start3A_144 : memref<128xi32, #tpu.memory_space<vmem>>) semaphore(%arg12 : memref<!tpu.dma_semaphore, #tpu.memory_space<semaphore_mem>>)
      %dma_start3A_147 = arith.constant 3 : i32
      %dma_start3A_148 = arith.constant 3 : i32
      %dma_start3A_149 = arith.constant 0 : i32
      %dma_start3A_150 = tpu.memref_slice %arg10[%dma_start3A_148, %dma_start3A_149] : memref<8x256xf32, #tpu.memory_space<vmem>> -> memref<1x128xf32, #tpu.memory_space<vmem>>
      %dma_start3A_151 = tpu.memref_squeeze %dma_start3A_150 : memref<1x128xf32, #tpu.memory_space<vmem>> -> memref<128xf32, #tpu.memory_space<vmem>>
      %dma_start3A_152 = arith.constant 0 : i32
      %dma_start3A_153 = tpu.memref_slice %arg9[%dma_start3A_147, %dma_start3A_152] : memref<8x256xi32, #tpu.memory_space<vmem>> -> memref<1x128xi32, #tpu.memory_space<vmem>>
      %dma_start3A_154 = tpu.memref_squeeze %dma_start3A_153 : memref<1x128xi32, #tpu.memory_space<vmem>> -> memref<128xi32, #tpu.memory_space<vmem>>
      %dma_start3A_155 = arith.constant 0 : i32
      %dma_start3A_156 = tpu.memref_slice %arg6[%dma_start3A_155] : memref<800768xf32, #tpu.memory_space<vmem_shared>> -> memref<800768xf32, #tpu.memory_space<vmem_shared>>
      tpu.enqueue_indirect_dma source(%dma_start3A_156 : memref<800768xf32, #tpu.memory_space<vmem_shared>>) target(%dma_start3A_151 : memref<128xf32, #tpu.memory_space<vmem>>) offsets(%dma_start3A_154 : memref<128xi32, #tpu.memory_space<vmem>>) semaphore(%arg12 : memref<!tpu.dma_semaphore, #tpu.memory_space<semaphore_mem>>)
      %dma_start3A_157 = arith.constant 3 : i32
      %dma_start3A_158 = arith.constant 3 : i32
      %dma_start3A_159 = arith.constant 128 : i32
      %dma_start3A_160 = tpu.memref_slice %arg10[%dma_start3A_158, %dma_start3A_159] : memref<8x256xf32, #tpu.memory_space<vmem>> -> memref<1x128xf32, #tpu.memory_space<vmem>>
      %dma_start3A_161 = tpu.memref_squeeze %dma_start3A_160 : memref<1x128xf32, #tpu.memory_space<vmem>> -> memref<128xf32, #tpu.memory_space<vmem>>
      %dma_start3A_162 = arith.constant 128 : i32
      %dma_start3A_163 = tpu.memref_slice %arg9[%dma_start3A_157, %dma_start3A_162] : memref<8x256xi32, #tpu.memory_space<vmem>> -> memref<1x128xi32, #tpu.memory_space<vmem>>
      %dma_start3A_164 = tpu.memref_squeeze %dma_start3A_163 : memref<1x128xi32, #tpu.memory_space<vmem>> -> memref<128xi32, #tpu.memory_space<vmem>>
      %dma_start3A_165 = arith.constant 0 : i32
      %dma_start3A_166 = tpu.memref_slice %arg6[%dma_start3A_165] : memref<800768xf32, #tpu.memory_space<vmem_shared>> -> memref<800768xf32, #tpu.memory_space<vmem_shared>>
      tpu.enqueue_indirect_dma source(%dma_start3A_166 : memref<800768xf32, #tpu.memory_space<vmem_shared>>) target(%dma_start3A_161 : memref<128xf32, #tpu.memory_space<vmem>>) offsets(%dma_start3A_164 : memref<128xi32, #tpu.memory_space<vmem>>) semaphore(%arg12 : memref<!tpu.dma_semaphore, #tpu.memory_space<semaphore_mem>>)
      %dma_start3A_167 = arith.constant 4 : i32
      %dma_start3A_168 = arith.constant 4 : i32
      %dma_start3A_169 = arith.constant 0 : i32
      %dma_start3A_170 = tpu.memref_slice %arg10[%dma_start3A_168, %dma_start3A_169] : memref<8x256xf32, #tpu.memory_space<vmem>> -> memref<1x128xf32, #tpu.memory_space<vmem>>
      %dma_start3A_171 = tpu.memref_squeeze %dma_start3A_170 : memref<1x128xf32, #tpu.memory_space<vmem>> -> memref<128xf32, #tpu.memory_space<vmem>>
      %dma_start3A_172 = arith.constant 0 : i32
      %dma_start3A_173 = tpu.memref_slice %arg9[%dma_start3A_167, %dma_start3A_172] : memref<8x256xi32, #tpu.memory_space<vmem>> -> memref<1x128xi32, #tpu.memory_space<vmem>>
      %dma_start3A_174 = tpu.memref_squeeze %dma_start3A_173 : memref<1x128xi32, #tpu.memory_space<vmem>> -> memref<128xi32, #tpu.memory_space<vmem>>
      %dma_start3A_175 = arith.constant 0 : i32
      %dma_start3A_176 = tpu.memref_slice %arg6[%dma_start3A_175] : memref<800768xf32, #tpu.memory_space<vmem_shared>> -> memref<800768xf32, #tpu.memory_space<vmem_shared>>
      tpu.enqueue_indirect_dma source(%dma_start3A_176 : memref<800768xf32, #tpu.memory_space<vmem_shared>>) target(%dma_start3A_171 : memref<128xf32, #tpu.memory_space<vmem>>) offsets(%dma_start3A_174 : memref<128xi32, #tpu.memory_space<vmem>>) semaphore(%arg12 : memref<!tpu.dma_semaphore, #tpu.memory_space<semaphore_mem>>)
      %dma_start3A_177 = arith.constant 4 : i32
      %dma_start3A_178 = arith.constant 4 : i32
      %dma_start3A_179 = arith.constant 128 : i32
      %dma_start3A_180 = tpu.memref_slice %arg10[%dma_start3A_178, %dma_start3A_179] : memref<8x256xf32, #tpu.memory_space<vmem>> -> memref<1x128xf32, #tpu.memory_space<vmem>>
      %dma_start3A_181 = tpu.memref_squeeze %dma_start3A_180 : memref<1x128xf32, #tpu.memory_space<vmem>> -> memref<128xf32, #tpu.memory_space<vmem>>
      %dma_start3A_182 = arith.constant 128 : i32
      %dma_start3A_183 = tpu.memref_slice %arg9[%dma_start3A_177, %dma_start3A_182] : memref<8x256xi32, #tpu.memory_space<vmem>> -> memref<1x128xi32, #tpu.memory_space<vmem>>
      %dma_start3A_184 = tpu.memref_squeeze %dma_start3A_183 : memref<1x128xi32, #tpu.memory_space<vmem>> -> memref<128xi32, #tpu.memory_space<vmem>>
      %dma_start3A_185 = arith.constant 0 : i32
      %dma_start3A_186 = tpu.memref_slice %arg6[%dma_start3A_185] : memref<800768xf32, #tpu.memory_space<vmem_shared>> -> memref<800768xf32, #tpu.memory_space<vmem_shared>>
      tpu.enqueue_indirect_dma source(%dma_start3A_186 : memref<800768xf32, #tpu.memory_space<vmem_shared>>) target(%dma_start3A_181 : memref<128xf32, #tpu.memory_space<vmem>>) offsets(%dma_start3A_184 : memref<128xi32, #tpu.memory_space<vmem>>) semaphore(%arg12 : memref<!tpu.dma_semaphore, #tpu.memory_space<semaphore_mem>>)
      %dma_start3A_187 = arith.constant 5 : i32
      %dma_start3A_188 = arith.constant 5 : i32
      %dma_start3A_189 = arith.constant 0 : i32
      %dma_start3A_190 = tpu.memref_slice %arg10[%dma_start3A_188, %dma_start3A_189] : memref<8x256xf32, #tpu.memory_space<vmem>> -> memref<1x128xf32, #tpu.memory_space<vmem>>
      %dma_start3A_191 = tpu.memref_squeeze %dma_start3A_190 : memref<1x128xf32, #tpu.memory_space<vmem>> -> memref<128xf32, #tpu.memory_space<vmem>>
      %dma_start3A_192 = arith.constant 0 : i32
      %dma_start3A_193 = tpu.memref_slice %arg9[%dma_start3A_187, %dma_start3A_192] : memref<8x256xi32, #tpu.memory_space<vmem>> -> memref<1x128xi32, #tpu.memory_space<vmem>>
      %dma_start3A_194 = tpu.memref_squeeze %dma_start3A_193 : memref<1x128xi32, #tpu.memory_space<vmem>> -> memref<128xi32, #tpu.memory_space<vmem>>
      %dma_start3A_195 = arith.constant 0 : i32
      %dma_start3A_196 = tpu.memref_slice %arg6[%dma_start3A_195] : memref<800768xf32, #tpu.memory_space<vmem_shared>> -> memref<800768xf32, #tpu.memory_space<vmem_shared>>
      tpu.enqueue_indirect_dma source(%dma_start3A_196 : memref<800768xf32, #tpu.memory_space<vmem_shared>>) target(%dma_start3A_191 : memref<128xf32, #tpu.memory_space<vmem>>) offsets(%dma_start3A_194 : memref<128xi32, #tpu.memory_space<vmem>>) semaphore(%arg12 : memref<!tpu.dma_semaphore, #tpu.memory_space<semaphore_mem>>)
      %dma_start3A_197 = arith.constant 5 : i32
      %dma_start3A_198 = arith.constant 5 : i32
      %dma_start3A_199 = arith.constant 128 : i32
      %dma_start3A_200 = tpu.memref_slice %arg10[%dma_start3A_198, %dma_start3A_199] : memref<8x256xf32, #tpu.memory_space<vmem>> -> memref<1x128xf32, #tpu.memory_space<vmem>>
      %dma_start3A_201 = tpu.memref_squeeze %dma_start3A_200 : memref<1x128xf32, #tpu.memory_space<vmem>> -> memref<128xf32, #tpu.memory_space<vmem>>
      %dma_start3A_202 = arith.constant 128 : i32
      %dma_start3A_203 = tpu.memref_slice %arg9[%dma_start3A_197, %dma_start3A_202] : memref<8x256xi32, #tpu.memory_space<vmem>> -> memref<1x128xi32, #tpu.memory_space<vmem>>
      %dma_start3A_204 = tpu.memref_squeeze %dma_start3A_203 : memref<1x128xi32, #tpu.memory_space<vmem>> -> memref<128xi32, #tpu.memory_space<vmem>>
      %dma_start3A_205 = arith.constant 0 : i32
      %dma_start3A_206 = tpu.memref_slice %arg6[%dma_start3A_205] : memref<800768xf32, #tpu.memory_space<vmem_shared>> -> memref<800768xf32, #tpu.memory_space<vmem_shared>>
      tpu.enqueue_indirect_dma source(%dma_start3A_206 : memref<800768xf32, #tpu.memory_space<vmem_shared>>) target(%dma_start3A_201 : memref<128xf32, #tpu.memory_space<vmem>>) offsets(%dma_start3A_204 : memref<128xi32, #tpu.memory_space<vmem>>) semaphore(%arg12 : memref<!tpu.dma_semaphore, #tpu.memory_space<semaphore_mem>>)
      %dma_start3A_207 = arith.constant 6 : i32
      %dma_start3A_208 = arith.constant 6 : i32
      %dma_start3A_209 = arith.constant 0 : i32
      %dma_start3A_210 = tpu.memref_slice %arg10[%dma_start3A_208, %dma_start3A_209] : memref<8x256xf32, #tpu.memory_space<vmem>> -> memref<1x128xf32, #tpu.memory_space<vmem>>
      %dma_start3A_211 = tpu.memref_squeeze %dma_start3A_210 : memref<1x128xf32, #tpu.memory_space<vmem>> -> memref<128xf32, #tpu.memory_space<vmem>>
      %dma_start3A_212 = arith.constant 0 : i32
      %dma_start3A_213 = tpu.memref_slice %arg9[%dma_start3A_207, %dma_start3A_212] : memref<8x256xi32, #tpu.memory_space<vmem>> -> memref<1x128xi32, #tpu.memory_space<vmem>>
      %dma_start3A_214 = tpu.memref_squeeze %dma_start3A_213 : memref<1x128xi32, #tpu.memory_space<vmem>> -> memref<128xi32, #tpu.memory_space<vmem>>
      %dma_start3A_215 = arith.constant 0 : i32
      %dma_start3A_216 = tpu.memref_slice %arg6[%dma_start3A_215] : memref<800768xf32, #tpu.memory_space<vmem_shared>> -> memref<800768xf32, #tpu.memory_space<vmem_shared>>
      tpu.enqueue_indirect_dma source(%dma_start3A_216 : memref<800768xf32, #tpu.memory_space<vmem_shared>>) target(%dma_start3A_211 : memref<128xf32, #tpu.memory_space<vmem>>) offsets(%dma_start3A_214 : memref<128xi32, #tpu.memory_space<vmem>>) semaphore(%arg12 : memref<!tpu.dma_semaphore, #tpu.memory_space<semaphore_mem>>)
      %dma_start3A_217 = arith.constant 6 : i32
      %dma_start3A_218 = arith.constant 6 : i32
      %dma_start3A_219 = arith.constant 128 : i32
      %dma_start3A_220 = tpu.memref_slice %arg10[%dma_start3A_218, %dma_start3A_219] : memref<8x256xf32, #tpu.memory_space<vmem>> -> memref<1x128xf32, #tpu.memory_space<vmem>>
      %dma_start3A_221 = tpu.memref_squeeze %dma_start3A_220 : memref<1x128xf32, #tpu.memory_space<vmem>> -> memref<128xf32, #tpu.memory_space<vmem>>
      %dma_start3A_222 = arith.constant 128 : i32
      %dma_start3A_223 = tpu.memref_slice %arg9[%dma_start3A_217, %dma_start3A_222] : memref<8x256xi32, #tpu.memory_space<vmem>> -> memref<1x128xi32, #tpu.memory_space<vmem>>
      %dma_start3A_224 = tpu.memref_squeeze %dma_start3A_223 : memref<1x128xi32, #tpu.memory_space<vmem>> -> memref<128xi32, #tpu.memory_space<vmem>>
      %dma_start3A_225 = arith.constant 0 : i32
      %dma_start3A_226 = tpu.memref_slice %arg6[%dma_start3A_225] : memref<800768xf32, #tpu.memory_space<vmem_shared>> -> memref<800768xf32, #tpu.memory_space<vmem_shared>>
      tpu.enqueue_indirect_dma source(%dma_start3A_226 : memref<800768xf32, #tpu.memory_space<vmem_shared>>) target(%dma_start3A_221 : memref<128xf32, #tpu.memory_space<vmem>>) offsets(%dma_start3A_224 : memref<128xi32, #tpu.memory_space<vmem>>) semaphore(%arg12 : memref<!tpu.dma_semaphore, #tpu.memory_space<semaphore_mem>>)
      %dma_start3A_227 = arith.constant 7 : i32
      %dma_start3A_228 = arith.constant 7 : i32
      %dma_start3A_229 = arith.constant 0 : i32
      %dma_start3A_230 = tpu.memref_slice %arg10[%dma_start3A_228, %dma_start3A_229] : memref<8x256xf32, #tpu.memory_space<vmem>> -> memref<1x128xf32, #tpu.memory_space<vmem>>
      %dma_start3A_231 = tpu.memref_squeeze %dma_start3A_230 : memref<1x128xf32, #tpu.memory_space<vmem>> -> memref<128xf32, #tpu.memory_space<vmem>>
      %dma_start3A_232 = arith.constant 0 : i32
      %dma_start3A_233 = tpu.memref_slice %arg9[%dma_start3A_227, %dma_start3A_232] : memref<8x256xi32, #tpu.memory_space<vmem>> -> memref<1x128xi32, #tpu.memory_space<vmem>>
      %dma_start3A_234 = tpu.memref_squeeze %dma_start3A_233 : memref<1x128xi32, #tpu.memory_space<vmem>> -> memref<128xi32, #tpu.memory_space<vmem>>
      %dma_start3A_235 = arith.constant 0 : i32
      %dma_start3A_236 = tpu.memref_slice %arg6[%dma_start3A_235] : memref<800768xf32, #tpu.memory_space<vmem_shared>> -> memref<800768xf32, #tpu.memory_space<vmem_shared>>
      tpu.enqueue_indirect_dma source(%dma_start3A_236 : memref<800768xf32, #tpu.memory_space<vmem_shared>>) target(%dma_start3A_231 : memref<128xf32, #tpu.memory_space<vmem>>) offsets(%dma_start3A_234 : memref<128xi32, #tpu.memory_space<vmem>>) semaphore(%arg12 : memref<!tpu.dma_semaphore, #tpu.memory_space<semaphore_mem>>)
      %dma_start3A_237 = arith.constant 7 : i32
      %dma_start3A_238 = arith.constant 7 : i32
      %dma_start3A_239 = arith.constant 128 : i32
      %dma_start3A_240 = tpu.memref_slice %arg10[%dma_start3A_238, %dma_start3A_239] : memref<8x256xf32, #tpu.memory_space<vmem>> -> memref<1x128xf32, #tpu.memory_space<vmem>>
      %dma_start3A_241 = tpu.memref_squeeze %dma_start3A_240 : memref<1x128xf32, #tpu.memory_space<vmem>> -> memref<128xf32, #tpu.memory_space<vmem>>
      %dma_start3A_242 = arith.constant 128 : i32
      %dma_start3A_243 = tpu.memref_slice %arg9[%dma_start3A_237, %dma_start3A_242] : memref<8x256xi32, #tpu.memory_space<vmem>> -> memref<1x128xi32, #tpu.memory_space<vmem>>
      %dma_start3A_244 = tpu.memref_squeeze %dma_start3A_243 : memref<1x128xi32, #tpu.memory_space<vmem>> -> memref<128xi32, #tpu.memory_space<vmem>>
      %dma_start3A_245 = arith.constant 0 : i32
      %dma_start3A_246 = tpu.memref_slice %arg6[%dma_start3A_245] : memref<800768xf32, #tpu.memory_space<vmem_shared>> -> memref<800768xf32, #tpu.memory_space<vmem_shared>>
      tpu.enqueue_indirect_dma source(%dma_start3A_246 : memref<800768xf32, #tpu.memory_space<vmem_shared>>) target(%dma_start3A_241 : memref<128xf32, #tpu.memory_space<vmem>>) offsets(%dma_start3A_244 : memref<128xi32, #tpu.memory_space<vmem>>) semaphore(%arg12 : memref<!tpu.dma_semaphore, #tpu.memory_space<semaphore_mem>>)
      %dma_wait3A = arith.constant 0 : i32
      %dma_wait3A_247 = arith.constant 0 : i32
      %dma_wait3A_248 = arith.constant 0 : i32
      %dma_wait3A_249 = tpu.memref_slice %arg10[%dma_wait3A_247, %dma_wait3A_248] : memref<8x256xf32, #tpu.memory_space<vmem>> -> memref<1x128xf32, #tpu.memory_space<vmem>>
      %dma_wait3A_250 = tpu.memref_squeeze %dma_wait3A_249 : memref<1x128xf32, #tpu.memory_space<vmem>> -> memref<128xf32, #tpu.memory_space<vmem>>
      %dma_wait3A_251 = arith.constant 0 : i32
      %dma_wait3A_252 = tpu.memref_slice %arg9[%dma_wait3A, %dma_wait3A_251] : memref<8x256xi32, #tpu.memory_space<vmem>> -> memref<1x128xi32, #tpu.memory_space<vmem>>
      %dma_wait3A_253 = tpu.memref_squeeze %dma_wait3A_252 : memref<1x128xi32, #tpu.memory_space<vmem>> -> memref<128xi32, #tpu.memory_space<vmem>>
      %dma_wait3A_254 = arith.constant 0 : i32
      %dma_wait3A_255 = tpu.memref_slice %arg6[%dma_wait3A_254] : memref<800768xf32, #tpu.memory_space<vmem_shared>> -> memref<800768xf32, #tpu.memory_space<vmem_shared>>
      tpu.wait_indirect_dma semaphore(%arg12 : memref<!tpu.dma_semaphore, #tpu.memory_space<semaphore_mem>>) src(%dma_wait3A_255 : memref<800768xf32, #tpu.memory_space<vmem_shared>>) dst(%dma_wait3A_250 : memref<128xf32, #tpu.memory_space<vmem>>)
      %dma_wait3A_256 = arith.constant 0 : i32
      %dma_wait3A_257 = arith.constant 0 : i32
      %dma_wait3A_258 = arith.constant 128 : i32
      %dma_wait3A_259 = tpu.memref_slice %arg10[%dma_wait3A_257, %dma_wait3A_258] : memref<8x256xf32, #tpu.memory_space<vmem>> -> memref<1x128xf32, #tpu.memory_space<vmem>>
      %dma_wait3A_260 = tpu.memref_squeeze %dma_wait3A_259 : memref<1x128xf32, #tpu.memory_space<vmem>> -> memref<128xf32, #tpu.memory_space<vmem>>
      %dma_wait3A_261 = arith.constant 128 : i32
      %dma_wait3A_262 = tpu.memref_slice %arg9[%dma_wait3A_256, %dma_wait3A_261] : memref<8x256xi32, #tpu.memory_space<vmem>> -> memref<1x128xi32, #tpu.memory_space<vmem>>
      %dma_wait3A_263 = tpu.memref_squeeze %dma_wait3A_262 : memref<1x128xi32, #tpu.memory_space<vmem>> -> memref<128xi32, #tpu.memory_space<vmem>>
      %dma_wait3A_264 = arith.constant 0 : i32
      %dma_wait3A_265 = tpu.memref_slice %arg6[%dma_wait3A_264] : memref<800768xf32, #tpu.memory_space<vmem_shared>> -> memref<800768xf32, #tpu.memory_space<vmem_shared>>
      tpu.wait_indirect_dma semaphore(%arg12 : memref<!tpu.dma_semaphore, #tpu.memory_space<semaphore_mem>>) src(%dma_wait3A_265 : memref<800768xf32, #tpu.memory_space<vmem_shared>>) dst(%dma_wait3A_260 : memref<128xf32, #tpu.memory_space<vmem>>)
      %dma_wait3A_266 = arith.constant 1 : i32
      %dma_wait3A_267 = arith.constant 1 : i32
      %dma_wait3A_268 = arith.constant 0 : i32
      %dma_wait3A_269 = tpu.memref_slice %arg10[%dma_wait3A_267, %dma_wait3A_268] : memref<8x256xf32, #tpu.memory_space<vmem>> -> memref<1x128xf32, #tpu.memory_space<vmem>>
      %dma_wait3A_270 = tpu.memref_squeeze %dma_wait3A_269 : memref<1x128xf32, #tpu.memory_space<vmem>> -> memref<128xf32, #tpu.memory_space<vmem>>
      %dma_wait3A_271 = arith.constant 0 : i32
      %dma_wait3A_272 = tpu.memref_slice %arg9[%dma_wait3A_266, %dma_wait3A_271] : memref<8x256xi32, #tpu.memory_space<vmem>> -> memref<1x128xi32, #tpu.memory_space<vmem>>
      %dma_wait3A_273 = tpu.memref_squeeze %dma_wait3A_272 : memref<1x128xi32, #tpu.memory_space<vmem>> -> memref<128xi32, #tpu.memory_space<vmem>>
      %dma_wait3A_274 = arith.constant 0 : i32
      %dma_wait3A_275 = tpu.memref_slice %arg6[%dma_wait3A_274] : memref<800768xf32, #tpu.memory_space<vmem_shared>> -> memref<800768xf32, #tpu.memory_space<vmem_shared>>
      tpu.wait_indirect_dma semaphore(%arg12 : memref<!tpu.dma_semaphore, #tpu.memory_space<semaphore_mem>>) src(%dma_wait3A_275 : memref<800768xf32, #tpu.memory_space<vmem_shared>>) dst(%dma_wait3A_270 : memref<128xf32, #tpu.memory_space<vmem>>)
      %dma_wait3A_276 = arith.constant 1 : i32
      %dma_wait3A_277 = arith.constant 1 : i32
      %dma_wait3A_278 = arith.constant 128 : i32
      %dma_wait3A_279 = tpu.memref_slice %arg10[%dma_wait3A_277, %dma_wait3A_278] : memref<8x256xf32, #tpu.memory_space<vmem>> -> memref<1x128xf32, #tpu.memory_space<vmem>>
      %dma_wait3A_280 = tpu.memref_squeeze %dma_wait3A_279 : memref<1x128xf32, #tpu.memory_space<vmem>> -> memref<128xf32, #tpu.memory_space<vmem>>
      %dma_wait3A_281 = arith.constant 128 : i32
      %dma_wait3A_282 = tpu.memref_slice %arg9[%dma_wait3A_276, %dma_wait3A_281] : memref<8x256xi32, #tpu.memory_space<vmem>> -> memref<1x128xi32, #tpu.memory_space<vmem>>
      %dma_wait3A_283 = tpu.memref_squeeze %dma_wait3A_282 : memref<1x128xi32, #tpu.memory_space<vmem>> -> memref<128xi32, #tpu.memory_space<vmem>>
      %dma_wait3A_284 = arith.constant 0 : i32
      %dma_wait3A_285 = tpu.memref_slice %arg6[%dma_wait3A_284] : memref<800768xf32, #tpu.memory_space<vmem_shared>> -> memref<800768xf32, #tpu.memory_space<vmem_shared>>
      tpu.wait_indirect_dma semaphore(%arg12 : memref<!tpu.dma_semaphore, #tpu.memory_space<semaphore_mem>>) src(%dma_wait3A_285 : memref<800768xf32, #tpu.memory_space<vmem_shared>>) dst(%dma_wait3A_280 : memref<128xf32, #tpu.memory_space<vmem>>)
      %dma_wait3A_286 = arith.constant 2 : i32
      %dma_wait3A_287 = arith.constant 2 : i32
      %dma_wait3A_288 = arith.constant 0 : i32
      %dma_wait3A_289 = tpu.memref_slice %arg10[%dma_wait3A_287, %dma_wait3A_288] : memref<8x256xf32, #tpu.memory_space<vmem>> -> memref<1x128xf32, #tpu.memory_space<vmem>>
      %dma_wait3A_290 = tpu.memref_squeeze %dma_wait3A_289 : memref<1x128xf32, #tpu.memory_space<vmem>> -> memref<128xf32, #tpu.memory_space<vmem>>
      %dma_wait3A_291 = arith.constant 0 : i32
      %dma_wait3A_292 = tpu.memref_slice %arg9[%dma_wait3A_286, %dma_wait3A_291] : memref<8x256xi32, #tpu.memory_space<vmem>> -> memref<1x128xi32, #tpu.memory_space<vmem>>
      %dma_wait3A_293 = tpu.memref_squeeze %dma_wait3A_292 : memref<1x128xi32, #tpu.memory_space<vmem>> -> memref<128xi32, #tpu.memory_space<vmem>>
      %dma_wait3A_294 = arith.constant 0 : i32
      %dma_wait3A_295 = tpu.memref_slice %arg6[%dma_wait3A_294] : memref<800768xf32, #tpu.memory_space<vmem_shared>> -> memref<800768xf32, #tpu.memory_space<vmem_shared>>
      tpu.wait_indirect_dma semaphore(%arg12 : memref<!tpu.dma_semaphore, #tpu.memory_space<semaphore_mem>>) src(%dma_wait3A_295 : memref<800768xf32, #tpu.memory_space<vmem_shared>>) dst(%dma_wait3A_290 : memref<128xf32, #tpu.memory_space<vmem>>)
      %dma_wait3A_296 = arith.constant 2 : i32
      %dma_wait3A_297 = arith.constant 2 : i32
      %dma_wait3A_298 = arith.constant 128 : i32
      %dma_wait3A_299 = tpu.memref_slice %arg10[%dma_wait3A_297, %dma_wait3A_298] : memref<8x256xf32, #tpu.memory_space<vmem>> -> memref<1x128xf32, #tpu.memory_space<vmem>>
      %dma_wait3A_300 = tpu.memref_squeeze %dma_wait3A_299 : memref<1x128xf32, #tpu.memory_space<vmem>> -> memref<128xf32, #tpu.memory_space<vmem>>
      %dma_wait3A_301 = arith.constant 128 : i32
      %dma_wait3A_302 = tpu.memref_slice %arg9[%dma_wait3A_296, %dma_wait3A_301] : memref<8x256xi32, #tpu.memory_space<vmem>> -> memref<1x128xi32, #tpu.memory_space<vmem>>
      %dma_wait3A_303 = tpu.memref_squeeze %dma_wait3A_302 : memref<1x128xi32, #tpu.memory_space<vmem>> -> memref<128xi32, #tpu.memory_space<vmem>>
      %dma_wait3A_304 = arith.constant 0 : i32
      %dma_wait3A_305 = tpu.memref_slice %arg6[%dma_wait3A_304] : memref<800768xf32, #tpu.memory_space<vmem_shared>> -> memref<800768xf32, #tpu.memory_space<vmem_shared>>
      tpu.wait_indirect_dma semaphore(%arg12 : memref<!tpu.dma_semaphore, #tpu.memory_space<semaphore_mem>>) src(%dma_wait3A_305 : memref<800768xf32, #tpu.memory_space<vmem_shared>>) dst(%dma_wait3A_300 : memref<128xf32, #tpu.memory_space<vmem>>)
      %dma_wait3A_306 = arith.constant 3 : i32
      %dma_wait3A_307 = arith.constant 3 : i32
      %dma_wait3A_308 = arith.constant 0 : i32
      %dma_wait3A_309 = tpu.memref_slice %arg10[%dma_wait3A_307, %dma_wait3A_308] : memref<8x256xf32, #tpu.memory_space<vmem>> -> memref<1x128xf32, #tpu.memory_space<vmem>>
      %dma_wait3A_310 = tpu.memref_squeeze %dma_wait3A_309 : memref<1x128xf32, #tpu.memory_space<vmem>> -> memref<128xf32, #tpu.memory_space<vmem>>
      %dma_wait3A_311 = arith.constant 0 : i32
      %dma_wait3A_312 = tpu.memref_slice %arg9[%dma_wait3A_306, %dma_wait3A_311] : memref<8x256xi32, #tpu.memory_space<vmem>> -> memref<1x128xi32, #tpu.memory_space<vmem>>
      %dma_wait3A_313 = tpu.memref_squeeze %dma_wait3A_312 : memref<1x128xi32, #tpu.memory_space<vmem>> -> memref<128xi32, #tpu.memory_space<vmem>>
      %dma_wait3A_314 = arith.constant 0 : i32
      %dma_wait3A_315 = tpu.memref_slice %arg6[%dma_wait3A_314] : memref<800768xf32, #tpu.memory_space<vmem_shared>> -> memref<800768xf32, #tpu.memory_space<vmem_shared>>
      tpu.wait_indirect_dma semaphore(%arg12 : memref<!tpu.dma_semaphore, #tpu.memory_space<semaphore_mem>>) src(%dma_wait3A_315 : memref<800768xf32, #tpu.memory_space<vmem_shared>>) dst(%dma_wait3A_310 : memref<128xf32, #tpu.memory_space<vmem>>)
      %dma_wait3A_316 = arith.constant 3 : i32
      %dma_wait3A_317 = arith.constant 3 : i32
      %dma_wait3A_318 = arith.constant 128 : i32
      %dma_wait3A_319 = tpu.memref_slice %arg10[%dma_wait3A_317, %dma_wait3A_318] : memref<8x256xf32, #tpu.memory_space<vmem>> -> memref<1x128xf32, #tpu.memory_space<vmem>>
      %dma_wait3A_320 = tpu.memref_squeeze %dma_wait3A_319 : memref<1x128xf32, #tpu.memory_space<vmem>> -> memref<128xf32, #tpu.memory_space<vmem>>
      %dma_wait3A_321 = arith.constant 128 : i32
      %dma_wait3A_322 = tpu.memref_slice %arg9[%dma_wait3A_316, %dma_wait3A_321] : memref<8x256xi32, #tpu.memory_space<vmem>> -> memref<1x128xi32, #tpu.memory_space<vmem>>
      %dma_wait3A_323 = tpu.memref_squeeze %dma_wait3A_322 : memref<1x128xi32, #tpu.memory_space<vmem>> -> memref<128xi32, #tpu.memory_space<vmem>>
      %dma_wait3A_324 = arith.constant 0 : i32
      %dma_wait3A_325 = tpu.memref_slice %arg6[%dma_wait3A_324] : memref<800768xf32, #tpu.memory_space<vmem_shared>> -> memref<800768xf32, #tpu.memory_space<vmem_shared>>
      tpu.wait_indirect_dma semaphore(%arg12 : memref<!tpu.dma_semaphore, #tpu.memory_space<semaphore_mem>>) src(%dma_wait3A_325 : memref<800768xf32, #tpu.memory_space<vmem_shared>>) dst(%dma_wait3A_320 : memref<128xf32, #tpu.memory_space<vmem>>)
      %dma_wait3A_326 = arith.constant 4 : i32
      %dma_wait3A_327 = arith.constant 4 : i32
      %dma_wait3A_328 = arith.constant 0 : i32
      %dma_wait3A_329 = tpu.memref_slice %arg10[%dma_wait3A_327, %dma_wait3A_328] : memref<8x256xf32, #tpu.memory_space<vmem>> -> memref<1x128xf32, #tpu.memory_space<vmem>>
      %dma_wait3A_330 = tpu.memref_squeeze %dma_wait3A_329 : memref<1x128xf32, #tpu.memory_space<vmem>> -> memref<128xf32, #tpu.memory_space<vmem>>
      %dma_wait3A_331 = arith.constant 0 : i32
      %dma_wait3A_332 = tpu.memref_slice %arg9[%dma_wait3A_326, %dma_wait3A_331] : memref<8x256xi32, #tpu.memory_space<vmem>> -> memref<1x128xi32, #tpu.memory_space<vmem>>
      %dma_wait3A_333 = tpu.memref_squeeze %dma_wait3A_332 : memref<1x128xi32, #tpu.memory_space<vmem>> -> memref<128xi32, #tpu.memory_space<vmem>>
      %dma_wait3A_334 = arith.constant 0 : i32
      %dma_wait3A_335 = tpu.memref_slice %arg6[%dma_wait3A_334] : memref<800768xf32, #tpu.memory_space<vmem_shared>> -> memref<800768xf32, #tpu.memory_space<vmem_shared>>
      tpu.wait_indirect_dma semaphore(%arg12 : memref<!tpu.dma_semaphore, #tpu.memory_space<semaphore_mem>>) src(%dma_wait3A_335 : memref<800768xf32, #tpu.memory_space<vmem_shared>>) dst(%dma_wait3A_330 : memref<128xf32, #tpu.memory_space<vmem>>)
      %dma_wait3A_336 = arith.constant 4 : i32
      %dma_wait3A_337 = arith.constant 4 : i32
      %dma_wait3A_338 = arith.constant 128 : i32
      %dma_wait3A_339 = tpu.memref_slice %arg10[%dma_wait3A_337, %dma_wait3A_338] : memref<8x256xf32, #tpu.memory_space<vmem>> -> memref<1x128xf32, #tpu.memory_space<vmem>>
      %dma_wait3A_340 = tpu.memref_squeeze %dma_wait3A_339 : memref<1x128xf32, #tpu.memory_space<vmem>> -> memref<128xf32, #tpu.memory_space<vmem>>
      %dma_wait3A_341 = arith.constant 128 : i32
      %dma_wait3A_342 = tpu.memref_slice %arg9[%dma_wait3A_336, %dma_wait3A_341] : memref<8x256xi32, #tpu.memory_space<vmem>> -> memref<1x128xi32, #tpu.memory_space<vmem>>
      %dma_wait3A_343 = tpu.memref_squeeze %dma_wait3A_342 : memref<1x128xi32, #tpu.memory_space<vmem>> -> memref<128xi32, #tpu.memory_space<vmem>>
      %dma_wait3A_344 = arith.constant 0 : i32
      %dma_wait3A_345 = tpu.memref_slice %arg6[%dma_wait3A_344] : memref<800768xf32, #tpu.memory_space<vmem_shared>> -> memref<800768xf32, #tpu.memory_space<vmem_shared>>
      tpu.wait_indirect_dma semaphore(%arg12 : memref<!tpu.dma_semaphore, #tpu.memory_space<semaphore_mem>>) src(%dma_wait3A_345 : memref<800768xf32, #tpu.memory_space<vmem_shared>>) dst(%dma_wait3A_340 : memref<128xf32, #tpu.memory_space<vmem>>)
      %dma_wait3A_346 = arith.constant 5 : i32
      %dma_wait3A_347 = arith.constant 5 : i32
      %dma_wait3A_348 = arith.constant 0 : i32
      %dma_wait3A_349 = tpu.memref_slice %arg10[%dma_wait3A_347, %dma_wait3A_348] : memref<8x256xf32, #tpu.memory_space<vmem>> -> memref<1x128xf32, #tpu.memory_space<vmem>>
      %dma_wait3A_350 = tpu.memref_squeeze %dma_wait3A_349 : memref<1x128xf32, #tpu.memory_space<vmem>> -> memref<128xf32, #tpu.memory_space<vmem>>
      %dma_wait3A_351 = arith.constant 0 : i32
      %dma_wait3A_352 = tpu.memref_slice %arg9[%dma_wait3A_346, %dma_wait3A_351] : memref<8x256xi32, #tpu.memory_space<vmem>> -> memref<1x128xi32, #tpu.memory_space<vmem>>
      %dma_wait3A_353 = tpu.memref_squeeze %dma_wait3A_352 : memref<1x128xi32, #tpu.memory_space<vmem>> -> memref<128xi32, #tpu.memory_space<vmem>>
      %dma_wait3A_354 = arith.constant 0 : i32
      %dma_wait3A_355 = tpu.memref_slice %arg6[%dma_wait3A_354] : memref<800768xf32, #tpu.memory_space<vmem_shared>> -> memref<800768xf32, #tpu.memory_space<vmem_shared>>
      tpu.wait_indirect_dma semaphore(%arg12 : memref<!tpu.dma_semaphore, #tpu.memory_space<semaphore_mem>>) src(%dma_wait3A_355 : memref<800768xf32, #tpu.memory_space<vmem_shared>>) dst(%dma_wait3A_350 : memref<128xf32, #tpu.memory_space<vmem>>)
      %dma_wait3A_356 = arith.constant 5 : i32
      %dma_wait3A_357 = arith.constant 5 : i32
      %dma_wait3A_358 = arith.constant 128 : i32
      %dma_wait3A_359 = tpu.memref_slice %arg10[%dma_wait3A_357, %dma_wait3A_358] : memref<8x256xf32, #tpu.memory_space<vmem>> -> memref<1x128xf32, #tpu.memory_space<vmem>>
      %dma_wait3A_360 = tpu.memref_squeeze %dma_wait3A_359 : memref<1x128xf32, #tpu.memory_space<vmem>> -> memref<128xf32, #tpu.memory_space<vmem>>
      %dma_wait3A_361 = arith.constant 128 : i32
      %dma_wait3A_362 = tpu.memref_slice %arg9[%dma_wait3A_356, %dma_wait3A_361] : memref<8x256xi32, #tpu.memory_space<vmem>> -> memref<1x128xi32, #tpu.memory_space<vmem>>
      %dma_wait3A_363 = tpu.memref_squeeze %dma_wait3A_362 : memref<1x128xi32, #tpu.memory_space<vmem>> -> memref<128xi32, #tpu.memory_space<vmem>>
      %dma_wait3A_364 = arith.constant 0 : i32
      %dma_wait3A_365 = tpu.memref_slice %arg6[%dma_wait3A_364] : memref<800768xf32, #tpu.memory_space<vmem_shared>> -> memref<800768xf32, #tpu.memory_space<vmem_shared>>
      tpu.wait_indirect_dma semaphore(%arg12 : memref<!tpu.dma_semaphore, #tpu.memory_space<semaphore_mem>>) src(%dma_wait3A_365 : memref<800768xf32, #tpu.memory_space<vmem_shared>>) dst(%dma_wait3A_360 : memref<128xf32, #tpu.memory_space<vmem>>)
      %dma_wait3A_366 = arith.constant 6 : i32
      %dma_wait3A_367 = arith.constant 6 : i32
      %dma_wait3A_368 = arith.constant 0 : i32
      %dma_wait3A_369 = tpu.memref_slice %arg10[%dma_wait3A_367, %dma_wait3A_368] : memref<8x256xf32, #tpu.memory_space<vmem>> -> memref<1x128xf32, #tpu.memory_space<vmem>>
      %dma_wait3A_370 = tpu.memref_squeeze %dma_wait3A_369 : memref<1x128xf32, #tpu.memory_space<vmem>> -> memref<128xf32, #tpu.memory_space<vmem>>
      %dma_wait3A_371 = arith.constant 0 : i32
      %dma_wait3A_372 = tpu.memref_slice %arg9[%dma_wait3A_366, %dma_wait3A_371] : memref<8x256xi32, #tpu.memory_space<vmem>> -> memref<1x128xi32, #tpu.memory_space<vmem>>
      %dma_wait3A_373 = tpu.memref_squeeze %dma_wait3A_372 : memref<1x128xi32, #tpu.memory_space<vmem>> -> memref<128xi32, #tpu.memory_space<vmem>>
      %dma_wait3A_374 = arith.constant 0 : i32
      %dma_wait3A_375 = tpu.memref_slice %arg6[%dma_wait3A_374] : memref<800768xf32, #tpu.memory_space<vmem_shared>> -> memref<800768xf32, #tpu.memory_space<vmem_shared>>
      tpu.wait_indirect_dma semaphore(%arg12 : memref<!tpu.dma_semaphore, #tpu.memory_space<semaphore_mem>>) src(%dma_wait3A_375 : memref<800768xf32, #tpu.memory_space<vmem_shared>>) dst(%dma_wait3A_370 : memref<128xf32, #tpu.memory_space<vmem>>)
      %dma_wait3A_376 = arith.constant 6 : i32
      %dma_wait3A_377 = arith.constant 6 : i32
      %dma_wait3A_378 = arith.constant 128 : i32
      %dma_wait3A_379 = tpu.memref_slice %arg10[%dma_wait3A_377, %dma_wait3A_378] : memref<8x256xf32, #tpu.memory_space<vmem>> -> memref<1x128xf32, #tpu.memory_space<vmem>>
      %dma_wait3A_380 = tpu.memref_squeeze %dma_wait3A_379 : memref<1x128xf32, #tpu.memory_space<vmem>> -> memref<128xf32, #tpu.memory_space<vmem>>
      %dma_wait3A_381 = arith.constant 128 : i32
      %dma_wait3A_382 = tpu.memref_slice %arg9[%dma_wait3A_376, %dma_wait3A_381] : memref<8x256xi32, #tpu.memory_space<vmem>> -> memref<1x128xi32, #tpu.memory_space<vmem>>
      %dma_wait3A_383 = tpu.memref_squeeze %dma_wait3A_382 : memref<1x128xi32, #tpu.memory_space<vmem>> -> memref<128xi32, #tpu.memory_space<vmem>>
      %dma_wait3A_384 = arith.constant 0 : i32
      %dma_wait3A_385 = tpu.memref_slice %arg6[%dma_wait3A_384] : memref<800768xf32, #tpu.memory_space<vmem_shared>> -> memref<800768xf32, #tpu.memory_space<vmem_shared>>
      tpu.wait_indirect_dma semaphore(%arg12 : memref<!tpu.dma_semaphore, #tpu.memory_space<semaphore_mem>>) src(%dma_wait3A_385 : memref<800768xf32, #tpu.memory_space<vmem_shared>>) dst(%dma_wait3A_380 : memref<128xf32, #tpu.memory_space<vmem>>)
      %dma_wait3A_386 = arith.constant 7 : i32
      %dma_wait3A_387 = arith.constant 7 : i32
      %dma_wait3A_388 = arith.constant 0 : i32
      %dma_wait3A_389 = tpu.memref_slice %arg10[%dma_wait3A_387, %dma_wait3A_388] : memref<8x256xf32, #tpu.memory_space<vmem>> -> memref<1x128xf32, #tpu.memory_space<vmem>>
      %dma_wait3A_390 = tpu.memref_squeeze %dma_wait3A_389 : memref<1x128xf32, #tpu.memory_space<vmem>> -> memref<128xf32, #tpu.memory_space<vmem>>
      %dma_wait3A_391 = arith.constant 0 : i32
      %dma_wait3A_392 = tpu.memref_slice %arg9[%dma_wait3A_386, %dma_wait3A_391] : memref<8x256xi32, #tpu.memory_space<vmem>> -> memref<1x128xi32, #tpu.memory_space<vmem>>
      %dma_wait3A_393 = tpu.memref_squeeze %dma_wait3A_392 : memref<1x128xi32, #tpu.memory_space<vmem>> -> memref<128xi32, #tpu.memory_space<vmem>>
      %dma_wait3A_394 = arith.constant 0 : i32
      %dma_wait3A_395 = tpu.memref_slice %arg6[%dma_wait3A_394] : memref<800768xf32, #tpu.memory_space<vmem_shared>> -> memref<800768xf32, #tpu.memory_space<vmem_shared>>
      tpu.wait_indirect_dma semaphore(%arg12 : memref<!tpu.dma_semaphore, #tpu.memory_space<semaphore_mem>>) src(%dma_wait3A_395 : memref<800768xf32, #tpu.memory_space<vmem_shared>>) dst(%dma_wait3A_390 : memref<128xf32, #tpu.memory_space<vmem>>)
      %dma_wait3A_396 = arith.constant 7 : i32
      %dma_wait3A_397 = arith.constant 7 : i32
      %dma_wait3A_398 = arith.constant 128 : i32
      %dma_wait3A_399 = tpu.memref_slice %arg10[%dma_wait3A_397, %dma_wait3A_398] : memref<8x256xf32, #tpu.memory_space<vmem>> -> memref<1x128xf32, #tpu.memory_space<vmem>>
      %dma_wait3A_400 = tpu.memref_squeeze %dma_wait3A_399 : memref<1x128xf32, #tpu.memory_space<vmem>> -> memref<128xf32, #tpu.memory_space<vmem>>
      %dma_wait3A_401 = arith.constant 128 : i32
      %dma_wait3A_402 = tpu.memref_slice %arg9[%dma_wait3A_396, %dma_wait3A_401] : memref<8x256xi32, #tpu.memory_space<vmem>> -> memref<1x128xi32, #tpu.memory_space<vmem>>
      %dma_wait3A_403 = tpu.memref_squeeze %dma_wait3A_402 : memref<1x128xi32, #tpu.memory_space<vmem>> -> memref<128xi32, #tpu.memory_space<vmem>>
      %dma_wait3A_404 = arith.constant 0 : i32
      %dma_wait3A_405 = tpu.memref_slice %arg6[%dma_wait3A_404] : memref<800768xf32, #tpu.memory_space<vmem_shared>> -> memref<800768xf32, #tpu.memory_space<vmem_shared>>
      tpu.wait_indirect_dma semaphore(%arg12 : memref<!tpu.dma_semaphore, #tpu.memory_space<semaphore_mem>>) src(%dma_wait3A_405 : memref<800768xf32, #tpu.memory_space<vmem_shared>>) dst(%dma_wait3A_400 : memref<128xf32, #tpu.memory_space<vmem>>)
      %mul3A_406 = arith.constant 32 : i32
      %mul3A_407 = arith.muli %add3A_31, %mul3A_406 : i32
      %mul3A_408 = arith.constant 8 : i32
      %mul3A_409 = arith.muli %select_n3A_46, %mul3A_408 : i32
      %add3A_410 = arith.addi %mul3A_407, %mul3A_409 : i32
      %multiple_of3A_411 = tpu.assume_multiple %add3A_410, 8 : i32
      "tpu.region"() ({
        %run_scoped3A = tpu.sem_alloc : memref<!tpu.dma_semaphore, #tpu.memory_space<semaphore_mem>>
        %dma_start3A_823 = tpu.memref_slice %arg5[%multiple_of3A_411, %multiple_of3A] : memref<832x4096xf32, #tpu.memory_space<hbm>> -> memref<8x256xf32, #tpu.memory_space<hbm>>
        %dma_start3A_824 = tpu.memref_slice %arg5[%multiple_of3A_411, %multiple_of3A] : memref<832x4096xf32, #tpu.memory_space<hbm>> -> memref<8x256xf32, #tpu.memory_space<hbm>>
        tpu.enqueue_dma source(%arg10 : memref<8x256xf32, #tpu.memory_space<vmem>>) target(%dma_start3A_824 : memref<8x256xf32, #tpu.memory_space<hbm>>) target_semaphore(%run_scoped3A : memref<!tpu.dma_semaphore, #tpu.memory_space<semaphore_mem>>)
        %dma_wait3A_825 = tpu.memref_slice %arg5[%multiple_of3A_411, %multiple_of3A] : memref<832x4096xf32, #tpu.memory_space<hbm>> -> memref<8x256xf32, #tpu.memory_space<hbm>>
        %dma_wait3A_826 = tpu.memref_slice %arg5[%multiple_of3A_411, %multiple_of3A] : memref<832x4096xf32, #tpu.memory_space<hbm>> -> memref<8x256xf32, #tpu.memory_space<hbm>>
        tpu.wait_dma2 semaphore(%run_scoped3A : memref<!tpu.dma_semaphore, #tpu.memory_space<semaphore_mem>>) src(%arg10 : memref<8x256xf32, #tpu.memory_space<vmem>>) dst(%dma_wait3A_826 : memref<8x256xf32, #tpu.memory_space<hbm>>)
        tpu.yield
      }) : () -> ()
      %add3A_412 = arith.constant 1 : i32
      %add3A_413 = arith.addi %add3A_12, %add3A_412 : i32
      %jit3A_414 = arith.constant 4 : i32
      %div3A_415 = arith.divsi %add3A_413, %jit3A_414 : i32
      %sign3A_416 = arith.constant 0 : i32
      %sign3A_417 = arith.cmpi sgt, %add3A_413, %sign3A_416 : i32
      %sign3A_418 = arith.extui %sign3A_417 : i1 to i32
      %sign3A_419 = arith.constant 0 : i32
      %sign3A_420 = arith.cmpi slt, %add3A_413, %sign3A_419 : i32
      %sign3A_421 = arith.extui %sign3A_420 : i1 to i32
      %sign3A_422 = arith.subi %sign3A_418, %sign3A_421 : i32
      %sign3A_423 = arith.constant 0 : i32
      %sign3A_424 = arith.cmpi sgt, %jit3A_414, %sign3A_423 : i32
      %sign3A_425 = arith.extui %sign3A_424 : i1 to i32
      %sign3A_426 = arith.constant 0 : i32
      %sign3A_427 = arith.cmpi slt, %jit3A_414, %sign3A_426 : i32
      %sign3A_428 = arith.extui %sign3A_427 : i1 to i32
      %sign3A_429 = arith.subi %sign3A_425, %sign3A_428 : i32
      %ne3A_430 = arith.cmpi ne, %sign3A_422, %sign3A_429 : i32
      %rem3A_431 = arith.remsi %add3A_413, %jit3A_414 : i32
      %ne3A_432 = arith.constant 0 : i32
      %ne3A_433 = arith.cmpi ne, %rem3A_431, %ne3A_432 : i32
      %and3A_434 = arith.andi %ne3A_430, %ne3A_433 : i1
      %sub3A_435 = arith.constant 1 : i32
      %sub3A_436 = arith.subi %div3A_415, %sub3A_435 : i32
      %select_n3A_437 = arith.select %and3A_434, %sub3A_436, %div3A_415 : i32
      %add3A_438 = arith.addi %mul3A_0, %select_n3A_437 : i32
      %jit3A_439 = arith.constant 4 : i32
      %eq3A_440 = arith.constant 0 : i32
      %eq3A_441 = arith.cmpi eq, %jit3A_439, %eq3A_440 : i32
      %jit3A_442 = arith.constant 1 : i32
      %select_n3A_443 = arith.select %eq3A_441, %jit3A_442, %jit3A_439 : i32
      %rem3A_444 = arith.remsi %add3A_413, %select_n3A_443 : i32
      %ne3A_445 = arith.constant 0 : i32
      %ne3A_446 = arith.cmpi ne, %rem3A_444, %ne3A_445 : i32
      %lt3A_447 = arith.constant 0 : i32
      %lt3A_448 = arith.cmpi slt, %rem3A_444, %lt3A_447 : i32
      %lt3A_449 = arith.constant 0 : i32
      %lt3A_450 = arith.cmpi slt, %select_n3A_443, %lt3A_449 : i32
      %ne3A_451 = arith.xori %lt3A_448, %lt3A_450 : i1
      %and3A_452 = arith.andi %ne3A_451, %ne3A_446 : i1
      %add3A_453 = arith.addi %rem3A_444, %select_n3A_443 : i32
      %select_n3A_454 = arith.select %and3A_452, %add3A_453, %rem3A_444 : i32
      %eq3A_455 = arith.constant 0 : i32
      %eq3A_456 = arith.cmpi eq, %arg1, %eq3A_455 : i32
      %convert_element_type3A_457 = arith.extui %eq3A_456 : i1 to i32
      %cond3A_458 = arith.constant 0 : i32
      %cond3A_459 = arith.cmpi ne, %convert_element_type3A_457, %cond3A_458 : i32
      scf.if %cond3A_459 {
        %dma_wait3A_823 = arith.constant 0 : i32
        %dma_wait3A_824 = arith.constant 0 : i32
        %dma_wait3A_825 = arith.constant 0 : i32
        %dma_wait3A_826 = arith.constant 0 : i32
        %dma_wait3A_827 = tpu.memref_slice %arg7[%dma_wait3A_826] : memref<800768xf32, #tpu.memory_space<vmem_shared>> -> memref<99968xf32, #tpu.memory_space<vmem_shared>>
        %dma_wait3A_828 = arith.constant 0 : i32
        %dma_wait3A_829 = tpu.memref_slice %arg3[%dma_wait3A_823, %dma_wait3A_824, %dma_wait3A_825, %dma_wait3A_828] : memref<26x4x8x100000xf32, #tpu.memory_space<hbm>> -> memref<1x1x1x99968xf32, #tpu.memory_space<hbm>>
        %dma_wait3A_830 = tpu.memref_squeeze %dma_wait3A_829 : memref<1x1x1x99968xf32, #tpu.memory_space<hbm>> -> memref<99968xf32, #tpu.memory_space<hbm>>
        tpu.wait_dma2 semaphore(%arg11 : memref<!tpu.dma_semaphore, #tpu.memory_space<semaphore_mem>>) src(%dma_wait3A_830 : memref<99968xf32, #tpu.memory_space<hbm>>) dst(%dma_wait3A_827 : memref<99968xf32, #tpu.memory_space<vmem_shared>>)
        %dma_wait3A_831 = arith.constant 0 : i32
        %dma_wait3A_832 = arith.constant 0 : i32
        %dma_wait3A_833 = arith.constant 0 : i32
        %dma_wait3A_834 = arith.constant 99968 : i32
        %dma_wait3A_835 = tpu.memref_slice %arg7[%dma_wait3A_834] : memref<800768xf32, #tpu.memory_space<vmem_shared>> -> memref<128xf32, #tpu.memory_space<vmem_shared>>
        %dma_wait3A_836 = arith.constant 0 : i32
        %dma_wait3A_837 = tpu.memref_slice %arg4[%dma_wait3A_831, %dma_wait3A_832, %dma_wait3A_833, %dma_wait3A_836] : memref<26x4x8x128xf32, #tpu.memory_space<hbm>> -> memref<1x1x1x128xf32, #tpu.memory_space<hbm>>
        %dma_wait3A_838 = tpu.memref_squeeze %dma_wait3A_837 : memref<1x1x1x128xf32, #tpu.memory_space<hbm>> -> memref<128xf32, #tpu.memory_space<hbm>>
        tpu.wait_dma2 semaphore(%arg11 : memref<!tpu.dma_semaphore, #tpu.memory_space<semaphore_mem>>) src(%dma_wait3A_838 : memref<128xf32, #tpu.memory_space<hbm>>) dst(%dma_wait3A_835 : memref<128xf32, #tpu.memory_space<vmem_shared>>)
        %dma_wait3A_839 = arith.constant 0 : i32
        %dma_wait3A_840 = arith.constant 0 : i32
        %dma_wait3A_841 = arith.constant 1 : i32
        %dma_wait3A_842 = arith.constant 100096 : i32
        %dma_wait3A_843 = tpu.memref_slice %arg7[%dma_wait3A_842] : memref<800768xf32, #tpu.memory_space<vmem_shared>> -> memref<99968xf32, #tpu.memory_space<vmem_shared>>
        %dma_wait3A_844 = arith.constant 0 : i32
        %dma_wait3A_845 = tpu.memref_slice %arg3[%dma_wait3A_839, %dma_wait3A_840, %dma_wait3A_841, %dma_wait3A_844] : memref<26x4x8x100000xf32, #tpu.memory_space<hbm>> -> memref<1x1x1x99968xf32, #tpu.memory_space<hbm>>
        %dma_wait3A_846 = tpu.memref_squeeze %dma_wait3A_845 : memref<1x1x1x99968xf32, #tpu.memory_space<hbm>> -> memref<99968xf32, #tpu.memory_space<hbm>>
        tpu.wait_dma2 semaphore(%arg11 : memref<!tpu.dma_semaphore, #tpu.memory_space<semaphore_mem>>) src(%dma_wait3A_846 : memref<99968xf32, #tpu.memory_space<hbm>>) dst(%dma_wait3A_843 : memref<99968xf32, #tpu.memory_space<vmem_shared>>)
        %dma_wait3A_847 = arith.constant 0 : i32
        %dma_wait3A_848 = arith.constant 0 : i32
        %dma_wait3A_849 = arith.constant 1 : i32
        %dma_wait3A_850 = arith.constant 200064 : i32
        %dma_wait3A_851 = tpu.memref_slice %arg7[%dma_wait3A_850] : memref<800768xf32, #tpu.memory_space<vmem_shared>> -> memref<128xf32, #tpu.memory_space<vmem_shared>>
        %dma_wait3A_852 = arith.constant 0 : i32
        %dma_wait3A_853 = tpu.memref_slice %arg4[%dma_wait3A_847, %dma_wait3A_848, %dma_wait3A_849, %dma_wait3A_852] : memref<26x4x8x128xf32, #tpu.memory_space<hbm>> -> memref<1x1x1x128xf32, #tpu.memory_space<hbm>>
        %dma_wait3A_854 = tpu.memref_squeeze %dma_wait3A_853 : memref<1x1x1x128xf32, #tpu.memory_space<hbm>> -> memref<128xf32, #tpu.memory_space<hbm>>
        tpu.wait_dma2 semaphore(%arg11 : memref<!tpu.dma_semaphore, #tpu.memory_space<semaphore_mem>>) src(%dma_wait3A_854 : memref<128xf32, #tpu.memory_space<hbm>>) dst(%dma_wait3A_851 : memref<128xf32, #tpu.memory_space<vmem_shared>>)
        %dma_wait3A_855 = arith.constant 0 : i32
        %dma_wait3A_856 = arith.constant 0 : i32
        %dma_wait3A_857 = arith.constant 2 : i32
        %dma_wait3A_858 = arith.constant 200192 : i32
        %dma_wait3A_859 = tpu.memref_slice %arg7[%dma_wait3A_858] : memref<800768xf32, #tpu.memory_space<vmem_shared>> -> memref<99968xf32, #tpu.memory_space<vmem_shared>>
        %dma_wait3A_860 = arith.constant 0 : i32
        %dma_wait3A_861 = tpu.memref_slice %arg3[%dma_wait3A_855, %dma_wait3A_856, %dma_wait3A_857, %dma_wait3A_860] : memref<26x4x8x100000xf32, #tpu.memory_space<hbm>> -> memref<1x1x1x99968xf32, #tpu.memory_space<hbm>>
        %dma_wait3A_862 = tpu.memref_squeeze %dma_wait3A_861 : memref<1x1x1x99968xf32, #tpu.memory_space<hbm>> -> memref<99968xf32, #tpu.memory_space<hbm>>
        tpu.wait_dma2 semaphore(%arg11 : memref<!tpu.dma_semaphore, #tpu.memory_space<semaphore_mem>>) src(%dma_wait3A_862 : memref<99968xf32, #tpu.memory_space<hbm>>) dst(%dma_wait3A_859 : memref<99968xf32, #tpu.memory_space<vmem_shared>>)
        %dma_wait3A_863 = arith.constant 0 : i32
        %dma_wait3A_864 = arith.constant 0 : i32
        %dma_wait3A_865 = arith.constant 2 : i32
        %dma_wait3A_866 = arith.constant 300160 : i32
        %dma_wait3A_867 = tpu.memref_slice %arg7[%dma_wait3A_866] : memref<800768xf32, #tpu.memory_space<vmem_shared>> -> memref<128xf32, #tpu.memory_space<vmem_shared>>
        %dma_wait3A_868 = arith.constant 0 : i32
        %dma_wait3A_869 = tpu.memref_slice %arg4[%dma_wait3A_863, %dma_wait3A_864, %dma_wait3A_865, %dma_wait3A_868] : memref<26x4x8x128xf32, #tpu.memory_space<hbm>> -> memref<1x1x1x128xf32, #tpu.memory_space<hbm>>
        %dma_wait3A_870 = tpu.memref_squeeze %dma_wait3A_869 : memref<1x1x1x128xf32, #tpu.memory_space<hbm>> -> memref<128xf32, #tpu.memory_space<hbm>>
        tpu.wait_dma2 semaphore(%arg11 : memref<!tpu.dma_semaphore, #tpu.memory_space<semaphore_mem>>) src(%dma_wait3A_870 : memref<128xf32, #tpu.memory_space<hbm>>) dst(%dma_wait3A_867 : memref<128xf32, #tpu.memory_space<vmem_shared>>)
        %dma_wait3A_871 = arith.constant 0 : i32
        %dma_wait3A_872 = arith.constant 0 : i32
        %dma_wait3A_873 = arith.constant 3 : i32
        %dma_wait3A_874 = arith.constant 300288 : i32
        %dma_wait3A_875 = tpu.memref_slice %arg7[%dma_wait3A_874] : memref<800768xf32, #tpu.memory_space<vmem_shared>> -> memref<99968xf32, #tpu.memory_space<vmem_shared>>
        %dma_wait3A_876 = arith.constant 0 : i32
        %dma_wait3A_877 = tpu.memref_slice %arg3[%dma_wait3A_871, %dma_wait3A_872, %dma_wait3A_873, %dma_wait3A_876] : memref<26x4x8x100000xf32, #tpu.memory_space<hbm>> -> memref<1x1x1x99968xf32, #tpu.memory_space<hbm>>
        %dma_wait3A_878 = tpu.memref_squeeze %dma_wait3A_877 : memref<1x1x1x99968xf32, #tpu.memory_space<hbm>> -> memref<99968xf32, #tpu.memory_space<hbm>>
        tpu.wait_dma2 semaphore(%arg11 : memref<!tpu.dma_semaphore, #tpu.memory_space<semaphore_mem>>) src(%dma_wait3A_878 : memref<99968xf32, #tpu.memory_space<hbm>>) dst(%dma_wait3A_875 : memref<99968xf32, #tpu.memory_space<vmem_shared>>)
        %dma_wait3A_879 = arith.constant 0 : i32
        %dma_wait3A_880 = arith.constant 0 : i32
        %dma_wait3A_881 = arith.constant 3 : i32
        %dma_wait3A_882 = arith.constant 400256 : i32
        %dma_wait3A_883 = tpu.memref_slice %arg7[%dma_wait3A_882] : memref<800768xf32, #tpu.memory_space<vmem_shared>> -> memref<128xf32, #tpu.memory_space<vmem_shared>>
        %dma_wait3A_884 = arith.constant 0 : i32
        %dma_wait3A_885 = tpu.memref_slice %arg4[%dma_wait3A_879, %dma_wait3A_880, %dma_wait3A_881, %dma_wait3A_884] : memref<26x4x8x128xf32, #tpu.memory_space<hbm>> -> memref<1x1x1x128xf32, #tpu.memory_space<hbm>>
        %dma_wait3A_886 = tpu.memref_squeeze %dma_wait3A_885 : memref<1x1x1x128xf32, #tpu.memory_space<hbm>> -> memref<128xf32, #tpu.memory_space<hbm>>
        tpu.wait_dma2 semaphore(%arg11 : memref<!tpu.dma_semaphore, #tpu.memory_space<semaphore_mem>>) src(%dma_wait3A_886 : memref<128xf32, #tpu.memory_space<hbm>>) dst(%dma_wait3A_883 : memref<128xf32, #tpu.memory_space<vmem_shared>>)
        %dma_wait3A_887 = arith.constant 0 : i32
        %dma_wait3A_888 = arith.constant 0 : i32
        %dma_wait3A_889 = arith.constant 4 : i32
        %dma_wait3A_890 = arith.constant 400384 : i32
        %dma_wait3A_891 = tpu.memref_slice %arg7[%dma_wait3A_890] : memref<800768xf32, #tpu.memory_space<vmem_shared>> -> memref<99968xf32, #tpu.memory_space<vmem_shared>>
        %dma_wait3A_892 = arith.constant 0 : i32
        %dma_wait3A_893 = tpu.memref_slice %arg3[%dma_wait3A_887, %dma_wait3A_888, %dma_wait3A_889, %dma_wait3A_892] : memref<26x4x8x100000xf32, #tpu.memory_space<hbm>> -> memref<1x1x1x99968xf32, #tpu.memory_space<hbm>>
        %dma_wait3A_894 = tpu.memref_squeeze %dma_wait3A_893 : memref<1x1x1x99968xf32, #tpu.memory_space<hbm>> -> memref<99968xf32, #tpu.memory_space<hbm>>
        tpu.wait_dma2 semaphore(%arg11 : memref<!tpu.dma_semaphore, #tpu.memory_space<semaphore_mem>>) src(%dma_wait3A_894 : memref<99968xf32, #tpu.memory_space<hbm>>) dst(%dma_wait3A_891 : memref<99968xf32, #tpu.memory_space<vmem_shared>>)
        %dma_wait3A_895 = arith.constant 0 : i32
        %dma_wait3A_896 = arith.constant 0 : i32
        %dma_wait3A_897 = arith.constant 4 : i32
        %dma_wait3A_898 = arith.constant 500352 : i32
        %dma_wait3A_899 = tpu.memref_slice %arg7[%dma_wait3A_898] : memref<800768xf32, #tpu.memory_space<vmem_shared>> -> memref<128xf32, #tpu.memory_space<vmem_shared>>
        %dma_wait3A_900 = arith.constant 0 : i32
        %dma_wait3A_901 = tpu.memref_slice %arg4[%dma_wait3A_895, %dma_wait3A_896, %dma_wait3A_897, %dma_wait3A_900] : memref<26x4x8x128xf32, #tpu.memory_space<hbm>> -> memref<1x1x1x128xf32, #tpu.memory_space<hbm>>
        %dma_wait3A_902 = tpu.memref_squeeze %dma_wait3A_901 : memref<1x1x1x128xf32, #tpu.memory_space<hbm>> -> memref<128xf32, #tpu.memory_space<hbm>>
        tpu.wait_dma2 semaphore(%arg11 : memref<!tpu.dma_semaphore, #tpu.memory_space<semaphore_mem>>) src(%dma_wait3A_902 : memref<128xf32, #tpu.memory_space<hbm>>) dst(%dma_wait3A_899 : memref<128xf32, #tpu.memory_space<vmem_shared>>)
        %dma_wait3A_903 = arith.constant 0 : i32
        %dma_wait3A_904 = arith.constant 0 : i32
        %dma_wait3A_905 = arith.constant 5 : i32
        %dma_wait3A_906 = arith.constant 500480 : i32
        %dma_wait3A_907 = tpu.memref_slice %arg7[%dma_wait3A_906] : memref<800768xf32, #tpu.memory_space<vmem_shared>> -> memref<99968xf32, #tpu.memory_space<vmem_shared>>
        %dma_wait3A_908 = arith.constant 0 : i32
        %dma_wait3A_909 = tpu.memref_slice %arg3[%dma_wait3A_903, %dma_wait3A_904, %dma_wait3A_905, %dma_wait3A_908] : memref<26x4x8x100000xf32, #tpu.memory_space<hbm>> -> memref<1x1x1x99968xf32, #tpu.memory_space<hbm>>
        %dma_wait3A_910 = tpu.memref_squeeze %dma_wait3A_909 : memref<1x1x1x99968xf32, #tpu.memory_space<hbm>> -> memref<99968xf32, #tpu.memory_space<hbm>>
        tpu.wait_dma2 semaphore(%arg11 : memref<!tpu.dma_semaphore, #tpu.memory_space<semaphore_mem>>) src(%dma_wait3A_910 : memref<99968xf32, #tpu.memory_space<hbm>>) dst(%dma_wait3A_907 : memref<99968xf32, #tpu.memory_space<vmem_shared>>)
        %dma_wait3A_911 = arith.constant 0 : i32
        %dma_wait3A_912 = arith.constant 0 : i32
        %dma_wait3A_913 = arith.constant 5 : i32
        %dma_wait3A_914 = arith.constant 600448 : i32
        %dma_wait3A_915 = tpu.memref_slice %arg7[%dma_wait3A_914] : memref<800768xf32, #tpu.memory_space<vmem_shared>> -> memref<128xf32, #tpu.memory_space<vmem_shared>>
        %dma_wait3A_916 = arith.constant 0 : i32
        %dma_wait3A_917 = tpu.memref_slice %arg4[%dma_wait3A_911, %dma_wait3A_912, %dma_wait3A_913, %dma_wait3A_916] : memref<26x4x8x128xf32, #tpu.memory_space<hbm>> -> memref<1x1x1x128xf32, #tpu.memory_space<hbm>>
        %dma_wait3A_918 = tpu.memref_squeeze %dma_wait3A_917 : memref<1x1x1x128xf32, #tpu.memory_space<hbm>> -> memref<128xf32, #tpu.memory_space<hbm>>
        tpu.wait_dma2 semaphore(%arg11 : memref<!tpu.dma_semaphore, #tpu.memory_space<semaphore_mem>>) src(%dma_wait3A_918 : memref<128xf32, #tpu.memory_space<hbm>>) dst(%dma_wait3A_915 : memref<128xf32, #tpu.memory_space<vmem_shared>>)
        %dma_wait3A_919 = arith.constant 0 : i32
        %dma_wait3A_920 = arith.constant 0 : i32
        %dma_wait3A_921 = arith.constant 6 : i32
        %dma_wait3A_922 = arith.constant 600576 : i32
        %dma_wait3A_923 = tpu.memref_slice %arg7[%dma_wait3A_922] : memref<800768xf32, #tpu.memory_space<vmem_shared>> -> memref<99968xf32, #tpu.memory_space<vmem_shared>>
        %dma_wait3A_924 = arith.constant 0 : i32
        %dma_wait3A_925 = tpu.memref_slice %arg3[%dma_wait3A_919, %dma_wait3A_920, %dma_wait3A_921, %dma_wait3A_924] : memref<26x4x8x100000xf32, #tpu.memory_space<hbm>> -> memref<1x1x1x99968xf32, #tpu.memory_space<hbm>>
        %dma_wait3A_926 = tpu.memref_squeeze %dma_wait3A_925 : memref<1x1x1x99968xf32, #tpu.memory_space<hbm>> -> memref<99968xf32, #tpu.memory_space<hbm>>
        tpu.wait_dma2 semaphore(%arg11 : memref<!tpu.dma_semaphore, #tpu.memory_space<semaphore_mem>>) src(%dma_wait3A_926 : memref<99968xf32, #tpu.memory_space<hbm>>) dst(%dma_wait3A_923 : memref<99968xf32, #tpu.memory_space<vmem_shared>>)
        %dma_wait3A_927 = arith.constant 0 : i32
        %dma_wait3A_928 = arith.constant 0 : i32
        %dma_wait3A_929 = arith.constant 6 : i32
        %dma_wait3A_930 = arith.constant 700544 : i32
        %dma_wait3A_931 = tpu.memref_slice %arg7[%dma_wait3A_930] : memref<800768xf32, #tpu.memory_space<vmem_shared>> -> memref<128xf32, #tpu.memory_space<vmem_shared>>
        %dma_wait3A_932 = arith.constant 0 : i32
        %dma_wait3A_933 = tpu.memref_slice %arg4[%dma_wait3A_927, %dma_wait3A_928, %dma_wait3A_929, %dma_wait3A_932] : memref<26x4x8x128xf32, #tpu.memory_space<hbm>> -> memref<1x1x1x128xf32, #tpu.memory_space<hbm>>
        %dma_wait3A_934 = tpu.memref_squeeze %dma_wait3A_933 : memref<1x1x1x128xf32, #tpu.memory_space<hbm>> -> memref<128xf32, #tpu.memory_space<hbm>>
        tpu.wait_dma2 semaphore(%arg11 : memref<!tpu.dma_semaphore, #tpu.memory_space<semaphore_mem>>) src(%dma_wait3A_934 : memref<128xf32, #tpu.memory_space<hbm>>) dst(%dma_wait3A_931 : memref<128xf32, #tpu.memory_space<vmem_shared>>)
        %dma_wait3A_935 = arith.constant 0 : i32
        %dma_wait3A_936 = arith.constant 0 : i32
        %dma_wait3A_937 = arith.constant 7 : i32
        %dma_wait3A_938 = arith.constant 700672 : i32
        %dma_wait3A_939 = tpu.memref_slice %arg7[%dma_wait3A_938] : memref<800768xf32, #tpu.memory_space<vmem_shared>> -> memref<99968xf32, #tpu.memory_space<vmem_shared>>
        %dma_wait3A_940 = arith.constant 0 : i32
        %dma_wait3A_941 = tpu.memref_slice %arg3[%dma_wait3A_935, %dma_wait3A_936, %dma_wait3A_937, %dma_wait3A_940] : memref<26x4x8x100000xf32, #tpu.memory_space<hbm>> -> memref<1x1x1x99968xf32, #tpu.memory_space<hbm>>
        %dma_wait3A_942 = tpu.memref_squeeze %dma_wait3A_941 : memref<1x1x1x99968xf32, #tpu.memory_space<hbm>> -> memref<99968xf32, #tpu.memory_space<hbm>>
        tpu.wait_dma2 semaphore(%arg11 : memref<!tpu.dma_semaphore, #tpu.memory_space<semaphore_mem>>) src(%dma_wait3A_942 : memref<99968xf32, #tpu.memory_space<hbm>>) dst(%dma_wait3A_939 : memref<99968xf32, #tpu.memory_space<vmem_shared>>)
        %dma_wait3A_943 = arith.constant 0 : i32
        %dma_wait3A_944 = arith.constant 0 : i32
        %dma_wait3A_945 = arith.constant 7 : i32
        %dma_wait3A_946 = arith.constant 800640 : i32
        %dma_wait3A_947 = tpu.memref_slice %arg7[%dma_wait3A_946] : memref<800768xf32, #tpu.memory_space<vmem_shared>> -> memref<128xf32, #tpu.memory_space<vmem_shared>>
        %dma_wait3A_948 = arith.constant 0 : i32
        %dma_wait3A_949 = tpu.memref_slice %arg4[%dma_wait3A_943, %dma_wait3A_944, %dma_wait3A_945, %dma_wait3A_948] : memref<26x4x8x128xf32, #tpu.memory_space<hbm>> -> memref<1x1x1x128xf32, #tpu.memory_space<hbm>>
        %dma_wait3A_950 = tpu.memref_squeeze %dma_wait3A_949 : memref<1x1x1x128xf32, #tpu.memory_space<hbm>> -> memref<128xf32, #tpu.memory_space<hbm>>
        tpu.wait_dma2 semaphore(%arg11 : memref<!tpu.dma_semaphore, #tpu.memory_space<semaphore_mem>>) src(%dma_wait3A_950 : memref<128xf32, #tpu.memory_space<hbm>>) dst(%dma_wait3A_947 : memref<128xf32, #tpu.memory_space<vmem_shared>>)
      } else {
      }
      %barrier3A_460 = arith.constant 0 : index
      tpu.barrier barrier_id(%barrier3A_460)
      %eq3A_461 = arith.constant 0 : i32
      %eq3A_462 = arith.cmpi eq, %arg1, %eq3A_461 : i32
      %add3A_463 = arith.constant 1 : i32
      %add3A_464 = arith.addi %add3A_413, %add3A_463 : i32
      %lt3A_465 = arith.constant 52 : i32
      %lt3A_466 = arith.cmpi slt, %add3A_464, %lt3A_465 : i32
      %and3A_467 = arith.andi %eq3A_462, %lt3A_466 : i1
      %convert_element_type3A_468 = arith.extui %and3A_467 : i1 to i32
      %cond3A_469 = arith.constant 0 : i32
      %cond3A_470 = arith.cmpi ne, %convert_element_type3A_468, %cond3A_469 : i32
      scf.if %cond3A_470 {
        %add3A_823 = arith.constant 1 : i32
        %add3A_824 = arith.addi %add3A_413, %add3A_823 : i32
        %jit3A_825 = arith.constant 4 : i32
        %div3A_826 = arith.divsi %add3A_824, %jit3A_825 : i32
        %sign3A_827 = arith.constant 0 : i32
        %sign3A_828 = arith.cmpi sgt, %add3A_824, %sign3A_827 : i32
        %sign3A_829 = arith.extui %sign3A_828 : i1 to i32
        %sign3A_830 = arith.constant 0 : i32
        %sign3A_831 = arith.cmpi slt, %add3A_824, %sign3A_830 : i32
        %sign3A_832 = arith.extui %sign3A_831 : i1 to i32
        %sign3A_833 = arith.subi %sign3A_829, %sign3A_832 : i32
        %sign3A_834 = arith.constant 0 : i32
        %sign3A_835 = arith.cmpi sgt, %jit3A_825, %sign3A_834 : i32
        %sign3A_836 = arith.extui %sign3A_835 : i1 to i32
        %sign3A_837 = arith.constant 0 : i32
        %sign3A_838 = arith.cmpi slt, %jit3A_825, %sign3A_837 : i32
        %sign3A_839 = arith.extui %sign3A_838 : i1 to i32
        %sign3A_840 = arith.subi %sign3A_836, %sign3A_839 : i32
        %ne3A_841 = arith.cmpi ne, %sign3A_833, %sign3A_840 : i32
        %rem3A_842 = arith.remsi %add3A_824, %jit3A_825 : i32
        %ne3A_843 = arith.constant 0 : i32
        %ne3A_844 = arith.cmpi ne, %rem3A_842, %ne3A_843 : i32
        %and3A_845 = arith.andi %ne3A_841, %ne3A_844 : i1
        %sub3A_846 = arith.constant 1 : i32
        %sub3A_847 = arith.subi %div3A_826, %sub3A_846 : i32
        %select_n3A_848 = arith.select %and3A_845, %sub3A_847, %div3A_826 : i32
        %add3A_849 = arith.addi %mul3A_0, %select_n3A_848 : i32
        %jit3A_850 = arith.constant 4 : i32
        %eq3A_851 = arith.constant 0 : i32
        %eq3A_852 = arith.cmpi eq, %jit3A_850, %eq3A_851 : i32
        %jit3A_853 = arith.constant 1 : i32
        %select_n3A_854 = arith.select %eq3A_852, %jit3A_853, %jit3A_850 : i32
        %rem3A_855 = arith.remsi %add3A_824, %select_n3A_854 : i32
        %ne3A_856 = arith.constant 0 : i32
        %ne3A_857 = arith.cmpi ne, %rem3A_855, %ne3A_856 : i32
        %lt3A_858 = arith.constant 0 : i32
        %lt3A_859 = arith.cmpi slt, %rem3A_855, %lt3A_858 : i32
        %lt3A_860 = arith.constant 0 : i32
        %lt3A_861 = arith.cmpi slt, %select_n3A_854, %lt3A_860 : i32
        %ne3A_862 = arith.xori %lt3A_859, %lt3A_861 : i1
        %and3A_863 = arith.andi %ne3A_862, %ne3A_857 : i1
        %add3A_864 = arith.addi %rem3A_855, %select_n3A_854 : i32
        %select_n3A_865 = arith.select %and3A_863, %add3A_864, %rem3A_855 : i32
        %dma_start3A_866 = arith.constant 0 : i32
        %dma_start3A_867 = arith.constant 0 : i32
        %dma_start3A_868 = tpu.memref_slice %arg6[%dma_start3A_867] : memref<800768xf32, #tpu.memory_space<vmem_shared>> -> memref<99968xf32, #tpu.memory_space<vmem_shared>>
        %dma_start3A_869 = arith.constant 0 : i32
        %dma_start3A_870 = tpu.memref_slice %arg3[%add3A_849, %select_n3A_865, %dma_start3A_866, %dma_start3A_869] : memref<26x4x8x100000xf32, #tpu.memory_space<hbm>> -> memref<1x1x1x99968xf32, #tpu.memory_space<hbm>>
        %dma_start3A_871 = tpu.memref_squeeze %dma_start3A_870 : memref<1x1x1x99968xf32, #tpu.memory_space<hbm>> -> memref<99968xf32, #tpu.memory_space<hbm>>
        tpu.enqueue_dma source(%dma_start3A_871 : memref<99968xf32, #tpu.memory_space<hbm>>) target(%dma_start3A_868 : memref<99968xf32, #tpu.memory_space<vmem_shared>>) target_semaphore(%arg11 : memref<!tpu.dma_semaphore, #tpu.memory_space<semaphore_mem>>)
        %dma_start3A_872 = arith.constant 0 : i32
        %dma_start3A_873 = arith.constant 99968 : i32
        %dma_start3A_874 = tpu.memref_slice %arg6[%dma_start3A_873] : memref<800768xf32, #tpu.memory_space<vmem_shared>> -> memref<128xf32, #tpu.memory_space<vmem_shared>>
        %dma_start3A_875 = arith.constant 0 : i32
        %dma_start3A_876 = tpu.memref_slice %arg4[%add3A_849, %select_n3A_865, %dma_start3A_872, %dma_start3A_875] : memref<26x4x8x128xf32, #tpu.memory_space<hbm>> -> memref<1x1x1x128xf32, #tpu.memory_space<hbm>>
        %dma_start3A_877 = tpu.memref_squeeze %dma_start3A_876 : memref<1x1x1x128xf32, #tpu.memory_space<hbm>> -> memref<128xf32, #tpu.memory_space<hbm>>
        tpu.enqueue_dma source(%dma_start3A_877 : memref<128xf32, #tpu.memory_space<hbm>>) target(%dma_start3A_874 : memref<128xf32, #tpu.memory_space<vmem_shared>>) target_semaphore(%arg11 : memref<!tpu.dma_semaphore, #tpu.memory_space<semaphore_mem>>)
        %dma_start3A_878 = arith.constant 1 : i32
        %dma_start3A_879 = arith.constant 100096 : i32
        %dma_start3A_880 = tpu.memref_slice %arg6[%dma_start3A_879] : memref<800768xf32, #tpu.memory_space<vmem_shared>> -> memref<99968xf32, #tpu.memory_space<vmem_shared>>
        %dma_start3A_881 = arith.constant 0 : i32
        %dma_start3A_882 = tpu.memref_slice %arg3[%add3A_849, %select_n3A_865, %dma_start3A_878, %dma_start3A_881] : memref<26x4x8x100000xf32, #tpu.memory_space<hbm>> -> memref<1x1x1x99968xf32, #tpu.memory_space<hbm>>
        %dma_start3A_883 = tpu.memref_squeeze %dma_start3A_882 : memref<1x1x1x99968xf32, #tpu.memory_space<hbm>> -> memref<99968xf32, #tpu.memory_space<hbm>>
        tpu.enqueue_dma source(%dma_start3A_883 : memref<99968xf32, #tpu.memory_space<hbm>>) target(%dma_start3A_880 : memref<99968xf32, #tpu.memory_space<vmem_shared>>) target_semaphore(%arg11 : memref<!tpu.dma_semaphore, #tpu.memory_space<semaphore_mem>>)
        %dma_start3A_884 = arith.constant 1 : i32
        %dma_start3A_885 = arith.constant 200064 : i32
        %dma_start3A_886 = tpu.memref_slice %arg6[%dma_start3A_885] : memref<800768xf32, #tpu.memory_space<vmem_shared>> -> memref<128xf32, #tpu.memory_space<vmem_shared>>
        %dma_start3A_887 = arith.constant 0 : i32
        %dma_start3A_888 = tpu.memref_slice %arg4[%add3A_849, %select_n3A_865, %dma_start3A_884, %dma_start3A_887] : memref<26x4x8x128xf32, #tpu.memory_space<hbm>> -> memref<1x1x1x128xf32, #tpu.memory_space<hbm>>
        %dma_start3A_889 = tpu.memref_squeeze %dma_start3A_888 : memref<1x1x1x128xf32, #tpu.memory_space<hbm>> -> memref<128xf32, #tpu.memory_space<hbm>>
        tpu.enqueue_dma source(%dma_start3A_889 : memref<128xf32, #tpu.memory_space<hbm>>) target(%dma_start3A_886 : memref<128xf32, #tpu.memory_space<vmem_shared>>) target_semaphore(%arg11 : memref<!tpu.dma_semaphore, #tpu.memory_space<semaphore_mem>>)
        %dma_start3A_890 = arith.constant 2 : i32
        %dma_start3A_891 = arith.constant 200192 : i32
        %dma_start3A_892 = tpu.memref_slice %arg6[%dma_start3A_891] : memref<800768xf32, #tpu.memory_space<vmem_shared>> -> memref<99968xf32, #tpu.memory_space<vmem_shared>>
        %dma_start3A_893 = arith.constant 0 : i32
        %dma_start3A_894 = tpu.memref_slice %arg3[%add3A_849, %select_n3A_865, %dma_start3A_890, %dma_start3A_893] : memref<26x4x8x100000xf32, #tpu.memory_space<hbm>> -> memref<1x1x1x99968xf32, #tpu.memory_space<hbm>>
        %dma_start3A_895 = tpu.memref_squeeze %dma_start3A_894 : memref<1x1x1x99968xf32, #tpu.memory_space<hbm>> -> memref<99968xf32, #tpu.memory_space<hbm>>
        tpu.enqueue_dma source(%dma_start3A_895 : memref<99968xf32, #tpu.memory_space<hbm>>) target(%dma_start3A_892 : memref<99968xf32, #tpu.memory_space<vmem_shared>>) target_semaphore(%arg11 : memref<!tpu.dma_semaphore, #tpu.memory_space<semaphore_mem>>)
        %dma_start3A_896 = arith.constant 2 : i32
        %dma_start3A_897 = arith.constant 300160 : i32
        %dma_start3A_898 = tpu.memref_slice %arg6[%dma_start3A_897] : memref<800768xf32, #tpu.memory_space<vmem_shared>> -> memref<128xf32, #tpu.memory_space<vmem_shared>>
        %dma_start3A_899 = arith.constant 0 : i32
        %dma_start3A_900 = tpu.memref_slice %arg4[%add3A_849, %select_n3A_865, %dma_start3A_896, %dma_start3A_899] : memref<26x4x8x128xf32, #tpu.memory_space<hbm>> -> memref<1x1x1x128xf32, #tpu.memory_space<hbm>>
        %dma_start3A_901 = tpu.memref_squeeze %dma_start3A_900 : memref<1x1x1x128xf32, #tpu.memory_space<hbm>> -> memref<128xf32, #tpu.memory_space<hbm>>
        tpu.enqueue_dma source(%dma_start3A_901 : memref<128xf32, #tpu.memory_space<hbm>>) target(%dma_start3A_898 : memref<128xf32, #tpu.memory_space<vmem_shared>>) target_semaphore(%arg11 : memref<!tpu.dma_semaphore, #tpu.memory_space<semaphore_mem>>)
        %dma_start3A_902 = arith.constant 3 : i32
        %dma_start3A_903 = arith.constant 300288 : i32
        %dma_start3A_904 = tpu.memref_slice %arg6[%dma_start3A_903] : memref<800768xf32, #tpu.memory_space<vmem_shared>> -> memref<99968xf32, #tpu.memory_space<vmem_shared>>
        %dma_start3A_905 = arith.constant 0 : i32
        %dma_start3A_906 = tpu.memref_slice %arg3[%add3A_849, %select_n3A_865, %dma_start3A_902, %dma_start3A_905] : memref<26x4x8x100000xf32, #tpu.memory_space<hbm>> -> memref<1x1x1x99968xf32, #tpu.memory_space<hbm>>
        %dma_start3A_907 = tpu.memref_squeeze %dma_start3A_906 : memref<1x1x1x99968xf32, #tpu.memory_space<hbm>> -> memref<99968xf32, #tpu.memory_space<hbm>>
        tpu.enqueue_dma source(%dma_start3A_907 : memref<99968xf32, #tpu.memory_space<hbm>>) target(%dma_start3A_904 : memref<99968xf32, #tpu.memory_space<vmem_shared>>) target_semaphore(%arg11 : memref<!tpu.dma_semaphore, #tpu.memory_space<semaphore_mem>>)
        %dma_start3A_908 = arith.constant 3 : i32
        %dma_start3A_909 = arith.constant 400256 : i32
        %dma_start3A_910 = tpu.memref_slice %arg6[%dma_start3A_909] : memref<800768xf32, #tpu.memory_space<vmem_shared>> -> memref<128xf32, #tpu.memory_space<vmem_shared>>
        %dma_start3A_911 = arith.constant 0 : i32
        %dma_start3A_912 = tpu.memref_slice %arg4[%add3A_849, %select_n3A_865, %dma_start3A_908, %dma_start3A_911] : memref<26x4x8x128xf32, #tpu.memory_space<hbm>> -> memref<1x1x1x128xf32, #tpu.memory_space<hbm>>
        %dma_start3A_913 = tpu.memref_squeeze %dma_start3A_912 : memref<1x1x1x128xf32, #tpu.memory_space<hbm>> -> memref<128xf32, #tpu.memory_space<hbm>>
        tpu.enqueue_dma source(%dma_start3A_913 : memref<128xf32, #tpu.memory_space<hbm>>) target(%dma_start3A_910 : memref<128xf32, #tpu.memory_space<vmem_shared>>) target_semaphore(%arg11 : memref<!tpu.dma_semaphore, #tpu.memory_space<semaphore_mem>>)
        %dma_start3A_914 = arith.constant 4 : i32
        %dma_start3A_915 = arith.constant 400384 : i32
        %dma_start3A_916 = tpu.memref_slice %arg6[%dma_start3A_915] : memref<800768xf32, #tpu.memory_space<vmem_shared>> -> memref<99968xf32, #tpu.memory_space<vmem_shared>>
        %dma_start3A_917 = arith.constant 0 : i32
        %dma_start3A_918 = tpu.memref_slice %arg3[%add3A_849, %select_n3A_865, %dma_start3A_914, %dma_start3A_917] : memref<26x4x8x100000xf32, #tpu.memory_space<hbm>> -> memref<1x1x1x99968xf32, #tpu.memory_space<hbm>>
        %dma_start3A_919 = tpu.memref_squeeze %dma_start3A_918 : memref<1x1x1x99968xf32, #tpu.memory_space<hbm>> -> memref<99968xf32, #tpu.memory_space<hbm>>
        tpu.enqueue_dma source(%dma_start3A_919 : memref<99968xf32, #tpu.memory_space<hbm>>) target(%dma_start3A_916 : memref<99968xf32, #tpu.memory_space<vmem_shared>>) target_semaphore(%arg11 : memref<!tpu.dma_semaphore, #tpu.memory_space<semaphore_mem>>)
        %dma_start3A_920 = arith.constant 4 : i32
        %dma_start3A_921 = arith.constant 500352 : i32
        %dma_start3A_922 = tpu.memref_slice %arg6[%dma_start3A_921] : memref<800768xf32, #tpu.memory_space<vmem_shared>> -> memref<128xf32, #tpu.memory_space<vmem_shared>>
        %dma_start3A_923 = arith.constant 0 : i32
        %dma_start3A_924 = tpu.memref_slice %arg4[%add3A_849, %select_n3A_865, %dma_start3A_920, %dma_start3A_923] : memref<26x4x8x128xf32, #tpu.memory_space<hbm>> -> memref<1x1x1x128xf32, #tpu.memory_space<hbm>>
        %dma_start3A_925 = tpu.memref_squeeze %dma_start3A_924 : memref<1x1x1x128xf32, #tpu.memory_space<hbm>> -> memref<128xf32, #tpu.memory_space<hbm>>
        tpu.enqueue_dma source(%dma_start3A_925 : memref<128xf32, #tpu.memory_space<hbm>>) target(%dma_start3A_922 : memref<128xf32, #tpu.memory_space<vmem_shared>>) target_semaphore(%arg11 : memref<!tpu.dma_semaphore, #tpu.memory_space<semaphore_mem>>)
        %dma_start3A_926 = arith.constant 5 : i32
        %dma_start3A_927 = arith.constant 500480 : i32
        %dma_start3A_928 = tpu.memref_slice %arg6[%dma_start3A_927] : memref<800768xf32, #tpu.memory_space<vmem_shared>> -> memref<99968xf32, #tpu.memory_space<vmem_shared>>
        %dma_start3A_929 = arith.constant 0 : i32
        %dma_start3A_930 = tpu.memref_slice %arg3[%add3A_849, %select_n3A_865, %dma_start3A_926, %dma_start3A_929] : memref<26x4x8x100000xf32, #tpu.memory_space<hbm>> -> memref<1x1x1x99968xf32, #tpu.memory_space<hbm>>
        %dma_start3A_931 = tpu.memref_squeeze %dma_start3A_930 : memref<1x1x1x99968xf32, #tpu.memory_space<hbm>> -> memref<99968xf32, #tpu.memory_space<hbm>>
        tpu.enqueue_dma source(%dma_start3A_931 : memref<99968xf32, #tpu.memory_space<hbm>>) target(%dma_start3A_928 : memref<99968xf32, #tpu.memory_space<vmem_shared>>) target_semaphore(%arg11 : memref<!tpu.dma_semaphore, #tpu.memory_space<semaphore_mem>>)
        %dma_start3A_932 = arith.constant 5 : i32
        %dma_start3A_933 = arith.constant 600448 : i32
        %dma_start3A_934 = tpu.memref_slice %arg6[%dma_start3A_933] : memref<800768xf32, #tpu.memory_space<vmem_shared>> -> memref<128xf32, #tpu.memory_space<vmem_shared>>
        %dma_start3A_935 = arith.constant 0 : i32
        %dma_start3A_936 = tpu.memref_slice %arg4[%add3A_849, %select_n3A_865, %dma_start3A_932, %dma_start3A_935] : memref<26x4x8x128xf32, #tpu.memory_space<hbm>> -> memref<1x1x1x128xf32, #tpu.memory_space<hbm>>
        %dma_start3A_937 = tpu.memref_squeeze %dma_start3A_936 : memref<1x1x1x128xf32, #tpu.memory_space<hbm>> -> memref<128xf32, #tpu.memory_space<hbm>>
        tpu.enqueue_dma source(%dma_start3A_937 : memref<128xf32, #tpu.memory_space<hbm>>) target(%dma_start3A_934 : memref<128xf32, #tpu.memory_space<vmem_shared>>) target_semaphore(%arg11 : memref<!tpu.dma_semaphore, #tpu.memory_space<semaphore_mem>>)
        %dma_start3A_938 = arith.constant 6 : i32
        %dma_start3A_939 = arith.constant 600576 : i32
        %dma_start3A_940 = tpu.memref_slice %arg6[%dma_start3A_939] : memref<800768xf32, #tpu.memory_space<vmem_shared>> -> memref<99968xf32, #tpu.memory_space<vmem_shared>>
        %dma_start3A_941 = arith.constant 0 : i32
        %dma_start3A_942 = tpu.memref_slice %arg3[%add3A_849, %select_n3A_865, %dma_start3A_938, %dma_start3A_941] : memref<26x4x8x100000xf32, #tpu.memory_space<hbm>> -> memref<1x1x1x99968xf32, #tpu.memory_space<hbm>>
        %dma_start3A_943 = tpu.memref_squeeze %dma_start3A_942 : memref<1x1x1x99968xf32, #tpu.memory_space<hbm>> -> memref<99968xf32, #tpu.memory_space<hbm>>
        tpu.enqueue_dma source(%dma_start3A_943 : memref<99968xf32, #tpu.memory_space<hbm>>) target(%dma_start3A_940 : memref<99968xf32, #tpu.memory_space<vmem_shared>>) target_semaphore(%arg11 : memref<!tpu.dma_semaphore, #tpu.memory_space<semaphore_mem>>)
        %dma_start3A_944 = arith.constant 6 : i32
        %dma_start3A_945 = arith.constant 700544 : i32
        %dma_start3A_946 = tpu.memref_slice %arg6[%dma_start3A_945] : memref<800768xf32, #tpu.memory_space<vmem_shared>> -> memref<128xf32, #tpu.memory_space<vmem_shared>>
        %dma_start3A_947 = arith.constant 0 : i32
        %dma_start3A_948 = tpu.memref_slice %arg4[%add3A_849, %select_n3A_865, %dma_start3A_944, %dma_start3A_947] : memref<26x4x8x128xf32, #tpu.memory_space<hbm>> -> memref<1x1x1x128xf32, #tpu.memory_space<hbm>>
        %dma_start3A_949 = tpu.memref_squeeze %dma_start3A_948 : memref<1x1x1x128xf32, #tpu.memory_space<hbm>> -> memref<128xf32, #tpu.memory_space<hbm>>
        tpu.enqueue_dma source(%dma_start3A_949 : memref<128xf32, #tpu.memory_space<hbm>>) target(%dma_start3A_946 : memref<128xf32, #tpu.memory_space<vmem_shared>>) target_semaphore(%arg11 : memref<!tpu.dma_semaphore, #tpu.memory_space<semaphore_mem>>)
        %dma_start3A_950 = arith.constant 7 : i32
        %dma_start3A_951 = arith.constant 700672 : i32
        %dma_start3A_952 = tpu.memref_slice %arg6[%dma_start3A_951] : memref<800768xf32, #tpu.memory_space<vmem_shared>> -> memref<99968xf32, #tpu.memory_space<vmem_shared>>
        %dma_start3A_953 = arith.constant 0 : i32
        %dma_start3A_954 = tpu.memref_slice %arg3[%add3A_849, %select_n3A_865, %dma_start3A_950, %dma_start3A_953] : memref<26x4x8x100000xf32, #tpu.memory_space<hbm>> -> memref<1x1x1x99968xf32, #tpu.memory_space<hbm>>
        %dma_start3A_955 = tpu.memref_squeeze %dma_start3A_954 : memref<1x1x1x99968xf32, #tpu.memory_space<hbm>> -> memref<99968xf32, #tpu.memory_space<hbm>>
        tpu.enqueue_dma source(%dma_start3A_955 : memref<99968xf32, #tpu.memory_space<hbm>>) target(%dma_start3A_952 : memref<99968xf32, #tpu.memory_space<vmem_shared>>) target_semaphore(%arg11 : memref<!tpu.dma_semaphore, #tpu.memory_space<semaphore_mem>>)
        %dma_start3A_956 = arith.constant 7 : i32
        %dma_start3A_957 = arith.constant 800640 : i32
        %dma_start3A_958 = tpu.memref_slice %arg6[%dma_start3A_957] : memref<800768xf32, #tpu.memory_space<vmem_shared>> -> memref<128xf32, #tpu.memory_space<vmem_shared>>
        %dma_start3A_959 = arith.constant 0 : i32
        %dma_start3A_960 = tpu.memref_slice %arg4[%add3A_849, %select_n3A_865, %dma_start3A_956, %dma_start3A_959] : memref<26x4x8x128xf32, #tpu.memory_space<hbm>> -> memref<1x1x1x128xf32, #tpu.memory_space<hbm>>
        %dma_start3A_961 = tpu.memref_squeeze %dma_start3A_960 : memref<1x1x1x128xf32, #tpu.memory_space<hbm>> -> memref<128xf32, #tpu.memory_space<hbm>>
        tpu.enqueue_dma source(%dma_start3A_961 : memref<128xf32, #tpu.memory_space<hbm>>) target(%dma_start3A_958 : memref<128xf32, #tpu.memory_space<vmem_shared>>) target_semaphore(%arg11 : memref<!tpu.dma_semaphore, #tpu.memory_space<semaphore_mem>>)
      } else {
      }
      %eq3A_471 = arith.constant 0 : i32
      %eq3A_472 = arith.cmpi eq, %select_n3A_454, %eq3A_471 : i32
      %convert_element_type3A_473 = arith.extui %eq3A_472 : i1 to i32
      %cond3A_474 = arith.constant 0 : i32
      %cond3A_475 = arith.cmpi ne, %convert_element_type3A_473, %cond3A_474 : i32
      scf.if %cond3A_475 {
        %jit3A_823 = arith.constant 8 : i32
        %div3A_824 = arith.divsi %add3A_438, %jit3A_823 : i32
        %sign3A_825 = arith.constant 0 : i32
        %sign3A_826 = arith.cmpi sgt, %add3A_438, %sign3A_825 : i32
        %sign3A_827 = arith.extui %sign3A_826 : i1 to i32
        %sign3A_828 = arith.constant 0 : i32
        %sign3A_829 = arith.cmpi slt, %add3A_438, %sign3A_828 : i32
        %sign3A_830 = arith.extui %sign3A_829 : i1 to i32
        %sign3A_831 = arith.subi %sign3A_827, %sign3A_830 : i32
        %sign3A_832 = arith.constant 0 : i32
        %sign3A_833 = arith.cmpi sgt, %jit3A_823, %sign3A_832 : i32
        %sign3A_834 = arith.extui %sign3A_833 : i1 to i32
        %sign3A_835 = arith.constant 0 : i32
        %sign3A_836 = arith.cmpi slt, %jit3A_823, %sign3A_835 : i32
        %sign3A_837 = arith.extui %sign3A_836 : i1 to i32
        %sign3A_838 = arith.subi %sign3A_834, %sign3A_837 : i32
        %ne3A_839 = arith.cmpi ne, %sign3A_831, %sign3A_838 : i32
        %rem3A_840 = arith.remsi %add3A_438, %jit3A_823 : i32
        %ne3A_841 = arith.constant 0 : i32
        %ne3A_842 = arith.cmpi ne, %rem3A_840, %ne3A_841 : i32
        %and3A_843 = arith.andi %ne3A_839, %ne3A_842 : i1
        %sub3A_844 = arith.constant 1 : i32
        %sub3A_845 = arith.subi %div3A_824, %sub3A_844 : i32
        %select_n3A_846 = arith.select %and3A_843, %sub3A_845, %div3A_824 : i32
        %mul3A_847 = arith.constant 8 : i32
        %mul3A_848 = arith.muli %select_n3A_846, %mul3A_847 : i32
        %multiple_of3A_849 = tpu.assume_multiple %mul3A_848, 8 : i32
        "tpu.region"() ({
          %run_scoped3A = tpu.sem_alloc : memref<!tpu.dma_semaphore, #tpu.memory_space<semaphore_mem>>
          %dma_start3A_850 = tpu.memref_slice %arg2[%multiple_of3A_849, %multiple_of3A] : memref<32x4096xi32, #tpu.memory_space<hbm>> -> memref<8x256xi32, #tpu.memory_space<hbm>>
          %dma_start3A_851 = tpu.memref_slice %arg2[%multiple_of3A_849, %multiple_of3A] : memref<32x4096xi32, #tpu.memory_space<hbm>> -> memref<8x256xi32, #tpu.memory_space<hbm>>
          tpu.enqueue_dma source(%dma_start3A_851 : memref<8x256xi32, #tpu.memory_space<hbm>>) target(%arg8 : memref<8x256xi32, #tpu.memory_space<vmem>>) target_semaphore(%run_scoped3A : memref<!tpu.dma_semaphore, #tpu.memory_space<semaphore_mem>>)
          %dma_wait3A_852 = tpu.memref_slice %arg2[%multiple_of3A_849, %multiple_of3A] : memref<32x4096xi32, #tpu.memory_space<hbm>> -> memref<8x256xi32, #tpu.memory_space<hbm>>
          %dma_wait3A_853 = tpu.memref_slice %arg2[%multiple_of3A_849, %multiple_of3A] : memref<32x4096xi32, #tpu.memory_space<hbm>> -> memref<8x256xi32, #tpu.memory_space<hbm>>
          tpu.wait_dma2 semaphore(%run_scoped3A : memref<!tpu.dma_semaphore, #tpu.memory_space<semaphore_mem>>) src(%dma_wait3A_853 : memref<8x256xi32, #tpu.memory_space<hbm>>) dst(%arg8 : memref<8x256xi32, #tpu.memory_space<vmem>>)
          tpu.yield
        }) : () -> ()
      } else {
      }
      %jit3A_476 = arith.constant 8 : i32
      %eq3A_477 = arith.constant 0 : i32
      %eq3A_478 = arith.cmpi eq, %jit3A_476, %eq3A_477 : i32
      %jit3A_479 = arith.constant 1 : i32
      %select_n3A_480 = arith.select %eq3A_478, %jit3A_479, %jit3A_476 : i32
      %rem3A_481 = arith.remsi %add3A_438, %select_n3A_480 : i32
      %ne3A_482 = arith.constant 0 : i32
      %ne3A_483 = arith.cmpi ne, %rem3A_481, %ne3A_482 : i32
      %lt3A_484 = arith.constant 0 : i32
      %lt3A_485 = arith.cmpi slt, %rem3A_481, %lt3A_484 : i32
      %lt3A_486 = arith.constant 0 : i32
      %lt3A_487 = arith.cmpi slt, %select_n3A_480, %lt3A_486 : i32
      %ne3A_488 = arith.xori %lt3A_485, %lt3A_487 : i1
      %and3A_489 = arith.andi %ne3A_488, %ne3A_483 : i1
      %add3A_490 = arith.addi %rem3A_481, %select_n3A_480 : i32
      %select_n3A_491 = arith.select %and3A_489, %add3A_490, %rem3A_481 : i32
      %scan3A_492 = arith.constant 0 : i32
      %scan3A_493 = arith.constant 16 : i32
      %scan3A_494 = arith.addi %scan3A_492, %scan3A_493 : i32
      %scan3A_495 = arith.constant 1 : i32
      scf.for %scan3A_823 = %scan3A_492 to %scan3A_494 step %scan3A_495  : i32 {
        %mul3A_824 = arith.constant 1 : i32
        %mul3A_825 = arith.muli %scan3A_823, %mul3A_824 : i32
        %add3A_826 = arith.constant 0 : i32
        %add3A_827 = arith.addi %add3A_826, %mul3A_825 : i32
        %mul3A_828 = arith.constant 16 : i32
        %mul3A_829 = arith.muli %add3A_827, %mul3A_828 : i32
        %get3A = arith.index_cast %select_n3A_491 : i32 to index
        %get3A_830 = arith.index_cast %mul3A_829 : i32 to index
        %get3A_831 = tpu.vector_load %arg8[%get3A, %get3A_830] {strides = array<i32>} : memref<8x256xi32, #tpu.memory_space<vmem>>, vector<1x16xi32>,
        %get3A_832 = vector.shape_cast %get3A_831 : vector<1x16xi32> to vector<16xi32>
        %add3A_833 = arith.constant 0 : i32
        %add3A_834 = vector.broadcast %add3A_833 : i32 to vector<16xi32>
        %add3A_835 = arith.addi %get3A_832, %add3A_834 : vector<16xi32>
        %swap3A = arith.constant 0 : i32
        %swap3A_836 = arith.index_cast %swap3A : i32 to index
        %swap3A_837 = arith.index_cast %mul3A_829 : i32 to index
        %swap3A_838 = tpu.vector_load %arg9[%swap3A_836, %swap3A_837] {strides = array<i32>} : memref<8x256xi32, #tpu.memory_space<vmem>>, vector<1x16xi32>,
        %swap3A_839 = vector.shape_cast %swap3A_838 : vector<1x16xi32> to vector<16xi32>
        %swap3A_840 = vector.shape_cast %add3A_835 : vector<16xi32> to vector<1x16xi32>
        tpu.vector_store %arg9[%swap3A_836, %swap3A_837], %swap3A_840 {strides = array<i32>} : memref<8x256xi32, #tpu.memory_space<vmem>>, vector<1x16xi32>,
        %add3A_841 = arith.constant 100096 : i32
        %add3A_842 = vector.broadcast %add3A_841 : i32 to vector<16xi32>
        %add3A_843 = arith.addi %get3A_832, %add3A_842 : vector<16xi32>
        %swap3A_844 = arith.constant 1 : i32
        %swap3A_845 = arith.index_cast %swap3A_844 : i32 to index
        %swap3A_846 = arith.index_cast %mul3A_829 : i32 to index
        %swap3A_847 = tpu.vector_load %arg9[%swap3A_845, %swap3A_846] {strides = array<i32>} : memref<8x256xi32, #tpu.memory_space<vmem>>, vector<1x16xi32>,
        %swap3A_848 = vector.shape_cast %swap3A_847 : vector<1x16xi32> to vector<16xi32>
        %swap3A_849 = vector.shape_cast %add3A_843 : vector<16xi32> to vector<1x16xi32>
        tpu.vector_store %arg9[%swap3A_845, %swap3A_846], %swap3A_849 {strides = array<i32>} : memref<8x256xi32, #tpu.memory_space<vmem>>, vector<1x16xi32>,
        %add3A_850 = arith.constant 200192 : i32
        %add3A_851 = vector.broadcast %add3A_850 : i32 to vector<16xi32>
        %add3A_852 = arith.addi %get3A_832, %add3A_851 : vector<16xi32>
        %swap3A_853 = arith.constant 2 : i32
        %swap3A_854 = arith.index_cast %swap3A_853 : i32 to index
        %swap3A_855 = arith.index_cast %mul3A_829 : i32 to index
        %swap3A_856 = tpu.vector_load %arg9[%swap3A_854, %swap3A_855] {strides = array<i32>} : memref<8x256xi32, #tpu.memory_space<vmem>>, vector<1x16xi32>,
        %swap3A_857 = vector.shape_cast %swap3A_856 : vector<1x16xi32> to vector<16xi32>
        %swap3A_858 = vector.shape_cast %add3A_852 : vector<16xi32> to vector<1x16xi32>
        tpu.vector_store %arg9[%swap3A_854, %swap3A_855], %swap3A_858 {strides = array<i32>} : memref<8x256xi32, #tpu.memory_space<vmem>>, vector<1x16xi32>,
        %add3A_859 = arith.constant 300288 : i32
        %add3A_860 = vector.broadcast %add3A_859 : i32 to vector<16xi32>
        %add3A_861 = arith.addi %get3A_832, %add3A_860 : vector<16xi32>
        %swap3A_862 = arith.constant 3 : i32
        %swap3A_863 = arith.index_cast %swap3A_862 : i32 to index
        %swap3A_864 = arith.index_cast %mul3A_829 : i32 to index
        %swap3A_865 = tpu.vector_load %arg9[%swap3A_863, %swap3A_864] {strides = array<i32>} : memref<8x256xi32, #tpu.memory_space<vmem>>, vector<1x16xi32>,
        %swap3A_866 = vector.shape_cast %swap3A_865 : vector<1x16xi32> to vector<16xi32>
        %swap3A_867 = vector.shape_cast %add3A_861 : vector<16xi32> to vector<1x16xi32>
        tpu.vector_store %arg9[%swap3A_863, %swap3A_864], %swap3A_867 {strides = array<i32>} : memref<8x256xi32, #tpu.memory_space<vmem>>, vector<1x16xi32>,
        %add3A_868 = arith.constant 400384 : i32
        %add3A_869 = vector.broadcast %add3A_868 : i32 to vector<16xi32>
        %add3A_870 = arith.addi %get3A_832, %add3A_869 : vector<16xi32>
        %swap3A_871 = arith.constant 4 : i32
        %swap3A_872 = arith.index_cast %swap3A_871 : i32 to index
        %swap3A_873 = arith.index_cast %mul3A_829 : i32 to index
        %swap3A_874 = tpu.vector_load %arg9[%swap3A_872, %swap3A_873] {strides = array<i32>} : memref<8x256xi32, #tpu.memory_space<vmem>>, vector<1x16xi32>,
        %swap3A_875 = vector.shape_cast %swap3A_874 : vector<1x16xi32> to vector<16xi32>
        %swap3A_876 = vector.shape_cast %add3A_870 : vector<16xi32> to vector<1x16xi32>
        tpu.vector_store %arg9[%swap3A_872, %swap3A_873], %swap3A_876 {strides = array<i32>} : memref<8x256xi32, #tpu.memory_space<vmem>>, vector<1x16xi32>,
        %add3A_877 = arith.constant 500480 : i32
        %add3A_878 = vector.broadcast %add3A_877 : i32 to vector<16xi32>
        %add3A_879 = arith.addi %get3A_832, %add3A_878 : vector<16xi32>
        %swap3A_880 = arith.constant 5 : i32
        %swap3A_881 = arith.index_cast %swap3A_880 : i32 to index
        %swap3A_882 = arith.index_cast %mul3A_829 : i32 to index
        %swap3A_883 = tpu.vector_load %arg9[%swap3A_881, %swap3A_882] {strides = array<i32>} : memref<8x256xi32, #tpu.memory_space<vmem>>, vector<1x16xi32>,
        %swap3A_884 = vector.shape_cast %swap3A_883 : vector<1x16xi32> to vector<16xi32>
        %swap3A_885 = vector.shape_cast %add3A_879 : vector<16xi32> to vector<1x16xi32>
        tpu.vector_store %arg9[%swap3A_881, %swap3A_882], %swap3A_885 {strides = array<i32>} : memref<8x256xi32, #tpu.memory_space<vmem>>, vector<1x16xi32>,
        %add3A_886 = arith.constant 600576 : i32
        %add3A_887 = vector.broadcast %add3A_886 : i32 to vector<16xi32>
        %add3A_888 = arith.addi %get3A_832, %add3A_887 : vector<16xi32>
        %swap3A_889 = arith.constant 6 : i32
        %swap3A_890 = arith.index_cast %swap3A_889 : i32 to index
        %swap3A_891 = arith.index_cast %mul3A_829 : i32 to index
        %swap3A_892 = tpu.vector_load %arg9[%swap3A_890, %swap3A_891] {strides = array<i32>} : memref<8x256xi32, #tpu.memory_space<vmem>>, vector<1x16xi32>,
        %swap3A_893 = vector.shape_cast %swap3A_892 : vector<1x16xi32> to vector<16xi32>
        %swap3A_894 = vector.shape_cast %add3A_888 : vector<16xi32> to vector<1x16xi32>
        tpu.vector_store %arg9[%swap3A_890, %swap3A_891], %swap3A_894 {strides = array<i32>} : memref<8x256xi32, #tpu.memory_space<vmem>>, vector<1x16xi32>,
        %add3A_895 = arith.constant 700672 : i32
        %add3A_896 = vector.broadcast %add3A_895 : i32 to vector<16xi32>
        %add3A_897 = arith.addi %get3A_832, %add3A_896 : vector<16xi32>
        %swap3A_898 = arith.constant 7 : i32
        %swap3A_899 = arith.index_cast %swap3A_898 : i32 to index
        %swap3A_900 = arith.index_cast %mul3A_829 : i32 to index
        %swap3A_901 = tpu.vector_load %arg9[%swap3A_899, %swap3A_900] {strides = array<i32>} : memref<8x256xi32, #tpu.memory_space<vmem>>, vector<1x16xi32>,
        %swap3A_902 = vector.shape_cast %swap3A_901 : vector<1x16xi32> to vector<16xi32>
        %swap3A_903 = vector.shape_cast %add3A_897 : vector<16xi32> to vector<1x16xi32>
        tpu.vector_store %arg9[%swap3A_899, %swap3A_900], %swap3A_903 {strides = array<i32>} : memref<8x256xi32, #tpu.memory_space<vmem>>, vector<1x16xi32>,
      }
      %scan3A_496 = arith.constant 16 : i32
      %dma_start3A_497 = arith.constant 0 : i32
      %dma_start3A_498 = arith.constant 0 : i32
      %dma_start3A_499 = arith.constant 0 : i32
      %dma_start3A_500 = tpu.memref_slice %arg10[%dma_start3A_498, %dma_start3A_499] : memref<8x256xf32, #tpu.memory_space<vmem>> -> memref<1x128xf32, #tpu.memory_space<vmem>>
      %dma_start3A_501 = tpu.memref_squeeze %dma_start3A_500 : memref<1x128xf32, #tpu.memory_space<vmem>> -> memref<128xf32, #tpu.memory_space<vmem>>
      %dma_start3A_502 = arith.constant 0 : i32
      %dma_start3A_503 = tpu.memref_slice %arg9[%dma_start3A_497, %dma_start3A_502] : memref<8x256xi32, #tpu.memory_space<vmem>> -> memref<1x128xi32, #tpu.memory_space<vmem>>
      %dma_start3A_504 = tpu.memref_squeeze %dma_start3A_503 : memref<1x128xi32, #tpu.memory_space<vmem>> -> memref<128xi32, #tpu.memory_space<vmem>>
      %dma_start3A_505 = arith.constant 0 : i32
      %dma_start3A_506 = tpu.memref_slice %arg7[%dma_start3A_505] : memref<800768xf32, #tpu.memory_space<vmem_shared>> -> memref<800768xf32, #tpu.memory_space<vmem_shared>>
      tpu.enqueue_indirect_dma source(%dma_start3A_506 : memref<800768xf32, #tpu.memory_space<vmem_shared>>) target(%dma_start3A_501 : memref<128xf32, #tpu.memory_space<vmem>>) offsets(%dma_start3A_504 : memref<128xi32, #tpu.memory_space<vmem>>) semaphore(%arg12 : memref<!tpu.dma_semaphore, #tpu.memory_space<semaphore_mem>>)
      %dma_start3A_507 = arith.constant 0 : i32
      %dma_start3A_508 = arith.constant 0 : i32
      %dma_start3A_509 = arith.constant 128 : i32
      %dma_start3A_510 = tpu.memref_slice %arg10[%dma_start3A_508, %dma_start3A_509] : memref<8x256xf32, #tpu.memory_space<vmem>> -> memref<1x128xf32, #tpu.memory_space<vmem>>
      %dma_start3A_511 = tpu.memref_squeeze %dma_start3A_510 : memref<1x128xf32, #tpu.memory_space<vmem>> -> memref<128xf32, #tpu.memory_space<vmem>>
      %dma_start3A_512 = arith.constant 128 : i32
      %dma_start3A_513 = tpu.memref_slice %arg9[%dma_start3A_507, %dma_start3A_512] : memref<8x256xi32, #tpu.memory_space<vmem>> -> memref<1x128xi32, #tpu.memory_space<vmem>>
      %dma_start3A_514 = tpu.memref_squeeze %dma_start3A_513 : memref<1x128xi32, #tpu.memory_space<vmem>> -> memref<128xi32, #tpu.memory_space<vmem>>
      %dma_start3A_515 = arith.constant 0 : i32
      %dma_start3A_516 = tpu.memref_slice %arg7[%dma_start3A_515] : memref<800768xf32, #tpu.memory_space<vmem_shared>> -> memref<800768xf32, #tpu.memory_space<vmem_shared>>
      tpu.enqueue_indirect_dma source(%dma_start3A_516 : memref<800768xf32, #tpu.memory_space<vmem_shared>>) target(%dma_start3A_511 : memref<128xf32, #tpu.memory_space<vmem>>) offsets(%dma_start3A_514 : memref<128xi32, #tpu.memory_space<vmem>>) semaphore(%arg12 : memref<!tpu.dma_semaphore, #tpu.memory_space<semaphore_mem>>)
      %dma_start3A_517 = arith.constant 1 : i32
      %dma_start3A_518 = arith.constant 1 : i32
      %dma_start3A_519 = arith.constant 0 : i32
      %dma_start3A_520 = tpu.memref_slice %arg10[%dma_start3A_518, %dma_start3A_519] : memref<8x256xf32, #tpu.memory_space<vmem>> -> memref<1x128xf32, #tpu.memory_space<vmem>>
      %dma_start3A_521 = tpu.memref_squeeze %dma_start3A_520 : memref<1x128xf32, #tpu.memory_space<vmem>> -> memref<128xf32, #tpu.memory_space<vmem>>
      %dma_start3A_522 = arith.constant 0 : i32
      %dma_start3A_523 = tpu.memref_slice %arg9[%dma_start3A_517, %dma_start3A_522] : memref<8x256xi32, #tpu.memory_space<vmem>> -> memref<1x128xi32, #tpu.memory_space<vmem>>
      %dma_start3A_524 = tpu.memref_squeeze %dma_start3A_523 : memref<1x128xi32, #tpu.memory_space<vmem>> -> memref<128xi32, #tpu.memory_space<vmem>>
      %dma_start3A_525 = arith.constant 0 : i32
      %dma_start3A_526 = tpu.memref_slice %arg7[%dma_start3A_525] : memref<800768xf32, #tpu.memory_space<vmem_shared>> -> memref<800768xf32, #tpu.memory_space<vmem_shared>>
      tpu.enqueue_indirect_dma source(%dma_start3A_526 : memref<800768xf32, #tpu.memory_space<vmem_shared>>) target(%dma_start3A_521 : memref<128xf32, #tpu.memory_space<vmem>>) offsets(%dma_start3A_524 : memref<128xi32, #tpu.memory_space<vmem>>) semaphore(%arg12 : memref<!tpu.dma_semaphore, #tpu.memory_space<semaphore_mem>>)
      %dma_start3A_527 = arith.constant 1 : i32
      %dma_start3A_528 = arith.constant 1 : i32
      %dma_start3A_529 = arith.constant 128 : i32
      %dma_start3A_530 = tpu.memref_slice %arg10[%dma_start3A_528, %dma_start3A_529] : memref<8x256xf32, #tpu.memory_space<vmem>> -> memref<1x128xf32, #tpu.memory_space<vmem>>
      %dma_start3A_531 = tpu.memref_squeeze %dma_start3A_530 : memref<1x128xf32, #tpu.memory_space<vmem>> -> memref<128xf32, #tpu.memory_space<vmem>>
      %dma_start3A_532 = arith.constant 128 : i32
      %dma_start3A_533 = tpu.memref_slice %arg9[%dma_start3A_527, %dma_start3A_532] : memref<8x256xi32, #tpu.memory_space<vmem>> -> memref<1x128xi32, #tpu.memory_space<vmem>>
      %dma_start3A_534 = tpu.memref_squeeze %dma_start3A_533 : memref<1x128xi32, #tpu.memory_space<vmem>> -> memref<128xi32, #tpu.memory_space<vmem>>
      %dma_start3A_535 = arith.constant 0 : i32
      %dma_start3A_536 = tpu.memref_slice %arg7[%dma_start3A_535] : memref<800768xf32, #tpu.memory_space<vmem_shared>> -> memref<800768xf32, #tpu.memory_space<vmem_shared>>
      tpu.enqueue_indirect_dma source(%dma_start3A_536 : memref<800768xf32, #tpu.memory_space<vmem_shared>>) target(%dma_start3A_531 : memref<128xf32, #tpu.memory_space<vmem>>) offsets(%dma_start3A_534 : memref<128xi32, #tpu.memory_space<vmem>>) semaphore(%arg12 : memref<!tpu.dma_semaphore, #tpu.memory_space<semaphore_mem>>)
      %dma_start3A_537 = arith.constant 2 : i32
      %dma_start3A_538 = arith.constant 2 : i32
      %dma_start3A_539 = arith.constant 0 : i32
      %dma_start3A_540 = tpu.memref_slice %arg10[%dma_start3A_538, %dma_start3A_539] : memref<8x256xf32, #tpu.memory_space<vmem>> -> memref<1x128xf32, #tpu.memory_space<vmem>>
      %dma_start3A_541 = tpu.memref_squeeze %dma_start3A_540 : memref<1x128xf32, #tpu.memory_space<vmem>> -> memref<128xf32, #tpu.memory_space<vmem>>
      %dma_start3A_542 = arith.constant 0 : i32
      %dma_start3A_543 = tpu.memref_slice %arg9[%dma_start3A_537, %dma_start3A_542] : memref<8x256xi32, #tpu.memory_space<vmem>> -> memref<1x128xi32, #tpu.memory_space<vmem>>
      %dma_start3A_544 = tpu.memref_squeeze %dma_start3A_543 : memref<1x128xi32, #tpu.memory_space<vmem>> -> memref<128xi32, #tpu.memory_space<vmem>>
      %dma_start3A_545 = arith.constant 0 : i32
      %dma_start3A_546 = tpu.memref_slice %arg7[%dma_start3A_545] : memref<800768xf32, #tpu.memory_space<vmem_shared>> -> memref<800768xf32, #tpu.memory_space<vmem_shared>>
      tpu.enqueue_indirect_dma source(%dma_start3A_546 : memref<800768xf32, #tpu.memory_space<vmem_shared>>) target(%dma_start3A_541 : memref<128xf32, #tpu.memory_space<vmem>>) offsets(%dma_start3A_544 : memref<128xi32, #tpu.memory_space<vmem>>) semaphore(%arg12 : memref<!tpu.dma_semaphore, #tpu.memory_space<semaphore_mem>>)
      %dma_start3A_547 = arith.constant 2 : i32
      %dma_start3A_548 = arith.constant 2 : i32
      %dma_start3A_549 = arith.constant 128 : i32
      %dma_start3A_550 = tpu.memref_slice %arg10[%dma_start3A_548, %dma_start3A_549] : memref<8x256xf32, #tpu.memory_space<vmem>> -> memref<1x128xf32, #tpu.memory_space<vmem>>
      %dma_start3A_551 = tpu.memref_squeeze %dma_start3A_550 : memref<1x128xf32, #tpu.memory_space<vmem>> -> memref<128xf32, #tpu.memory_space<vmem>>
      %dma_start3A_552 = arith.constant 128 : i32
      %dma_start3A_553 = tpu.memref_slice %arg9[%dma_start3A_547, %dma_start3A_552] : memref<8x256xi32, #tpu.memory_space<vmem>> -> memref<1x128xi32, #tpu.memory_space<vmem>>
      %dma_start3A_554 = tpu.memref_squeeze %dma_start3A_553 : memref<1x128xi32, #tpu.memory_space<vmem>> -> memref<128xi32, #tpu.memory_space<vmem>>
      %dma_start3A_555 = arith.constant 0 : i32
      %dma_start3A_556 = tpu.memref_slice %arg7[%dma_start3A_555] : memref<800768xf32, #tpu.memory_space<vmem_shared>> -> memref<800768xf32, #tpu.memory_space<vmem_shared>>
      tpu.enqueue_indirect_dma source(%dma_start3A_556 : memref<800768xf32, #tpu.memory_space<vmem_shared>>) target(%dma_start3A_551 : memref<128xf32, #tpu.memory_space<vmem>>) offsets(%dma_start3A_554 : memref<128xi32, #tpu.memory_space<vmem>>) semaphore(%arg12 : memref<!tpu.dma_semaphore, #tpu.memory_space<semaphore_mem>>)
      %dma_start3A_557 = arith.constant 3 : i32
      %dma_start3A_558 = arith.constant 3 : i32
      %dma_start3A_559 = arith.constant 0 : i32
      %dma_start3A_560 = tpu.memref_slice %arg10[%dma_start3A_558, %dma_start3A_559] : memref<8x256xf32, #tpu.memory_space<vmem>> -> memref<1x128xf32, #tpu.memory_space<vmem>>
      %dma_start3A_561 = tpu.memref_squeeze %dma_start3A_560 : memref<1x128xf32, #tpu.memory_space<vmem>> -> memref<128xf32, #tpu.memory_space<vmem>>
      %dma_start3A_562 = arith.constant 0 : i32
      %dma_start3A_563 = tpu.memref_slice %arg9[%dma_start3A_557, %dma_start3A_562] : memref<8x256xi32, #tpu.memory_space<vmem>> -> memref<1x128xi32, #tpu.memory_space<vmem>>
      %dma_start3A_564 = tpu.memref_squeeze %dma_start3A_563 : memref<1x128xi32, #tpu.memory_space<vmem>> -> memref<128xi32, #tpu.memory_space<vmem>>
      %dma_start3A_565 = arith.constant 0 : i32
      %dma_start3A_566 = tpu.memref_slice %arg7[%dma_start3A_565] : memref<800768xf32, #tpu.memory_space<vmem_shared>> -> memref<800768xf32, #tpu.memory_space<vmem_shared>>
      tpu.enqueue_indirect_dma source(%dma_start3A_566 : memref<800768xf32, #tpu.memory_space<vmem_shared>>) target(%dma_start3A_561 : memref<128xf32, #tpu.memory_space<vmem>>) offsets(%dma_start3A_564 : memref<128xi32, #tpu.memory_space<vmem>>) semaphore(%arg12 : memref<!tpu.dma_semaphore, #tpu.memory_space<semaphore_mem>>)
      %dma_start3A_567 = arith.constant 3 : i32
      %dma_start3A_568 = arith.constant 3 : i32
      %dma_start3A_569 = arith.constant 128 : i32
      %dma_start3A_570 = tpu.memref_slice %arg10[%dma_start3A_568, %dma_start3A_569] : memref<8x256xf32, #tpu.memory_space<vmem>> -> memref<1x128xf32, #tpu.memory_space<vmem>>
      %dma_start3A_571 = tpu.memref_squeeze %dma_start3A_570 : memref<1x128xf32, #tpu.memory_space<vmem>> -> memref<128xf32, #tpu.memory_space<vmem>>
      %dma_start3A_572 = arith.constant 128 : i32
      %dma_start3A_573 = tpu.memref_slice %arg9[%dma_start3A_567, %dma_start3A_572] : memref<8x256xi32, #tpu.memory_space<vmem>> -> memref<1x128xi32, #tpu.memory_space<vmem>>
      %dma_start3A_574 = tpu.memref_squeeze %dma_start3A_573 : memref<1x128xi32, #tpu.memory_space<vmem>> -> memref<128xi32, #tpu.memory_space<vmem>>
      %dma_start3A_575 = arith.constant 0 : i32
      %dma_start3A_576 = tpu.memref_slice %arg7[%dma_start3A_575] : memref<800768xf32, #tpu.memory_space<vmem_shared>> -> memref<800768xf32, #tpu.memory_space<vmem_shared>>
      tpu.enqueue_indirect_dma source(%dma_start3A_576 : memref<800768xf32, #tpu.memory_space<vmem_shared>>) target(%dma_start3A_571 : memref<128xf32, #tpu.memory_space<vmem>>) offsets(%dma_start3A_574 : memref<128xi32, #tpu.memory_space<vmem>>) semaphore(%arg12 : memref<!tpu.dma_semaphore, #tpu.memory_space<semaphore_mem>>)
      %dma_start3A_577 = arith.constant 4 : i32
      %dma_start3A_578 = arith.constant 4 : i32
      %dma_start3A_579 = arith.constant 0 : i32
      %dma_start3A_580 = tpu.memref_slice %arg10[%dma_start3A_578, %dma_start3A_579] : memref<8x256xf32, #tpu.memory_space<vmem>> -> memref<1x128xf32, #tpu.memory_space<vmem>>
      %dma_start3A_581 = tpu.memref_squeeze %dma_start3A_580 : memref<1x128xf32, #tpu.memory_space<vmem>> -> memref<128xf32, #tpu.memory_space<vmem>>
      %dma_start3A_582 = arith.constant 0 : i32
      %dma_start3A_583 = tpu.memref_slice %arg9[%dma_start3A_577, %dma_start3A_582] : memref<8x256xi32, #tpu.memory_space<vmem>> -> memref<1x128xi32, #tpu.memory_space<vmem>>
      %dma_start3A_584 = tpu.memref_squeeze %dma_start3A_583 : memref<1x128xi32, #tpu.memory_space<vmem>> -> memref<128xi32, #tpu.memory_space<vmem>>
      %dma_start3A_585 = arith.constant 0 : i32
      %dma_start3A_586 = tpu.memref_slice %arg7[%dma_start3A_585] : memref<800768xf32, #tpu.memory_space<vmem_shared>> -> memref<800768xf32, #tpu.memory_space<vmem_shared>>
      tpu.enqueue_indirect_dma source(%dma_start3A_586 : memref<800768xf32, #tpu.memory_space<vmem_shared>>) target(%dma_start3A_581 : memref<128xf32, #tpu.memory_space<vmem>>) offsets(%dma_start3A_584 : memref<128xi32, #tpu.memory_space<vmem>>) semaphore(%arg12 : memref<!tpu.dma_semaphore, #tpu.memory_space<semaphore_mem>>)
      %dma_start3A_587 = arith.constant 4 : i32
      %dma_start3A_588 = arith.constant 4 : i32
      %dma_start3A_589 = arith.constant 128 : i32
      %dma_start3A_590 = tpu.memref_slice %arg10[%dma_start3A_588, %dma_start3A_589] : memref<8x256xf32, #tpu.memory_space<vmem>> -> memref<1x128xf32, #tpu.memory_space<vmem>>
      %dma_start3A_591 = tpu.memref_squeeze %dma_start3A_590 : memref<1x128xf32, #tpu.memory_space<vmem>> -> memref<128xf32, #tpu.memory_space<vmem>>
      %dma_start3A_592 = arith.constant 128 : i32
      %dma_start3A_593 = tpu.memref_slice %arg9[%dma_start3A_587, %dma_start3A_592] : memref<8x256xi32, #tpu.memory_space<vmem>> -> memref<1x128xi32, #tpu.memory_space<vmem>>
      %dma_start3A_594 = tpu.memref_squeeze %dma_start3A_593 : memref<1x128xi32, #tpu.memory_space<vmem>> -> memref<128xi32, #tpu.memory_space<vmem>>
      %dma_start3A_595 = arith.constant 0 : i32
      %dma_start3A_596 = tpu.memref_slice %arg7[%dma_start3A_595] : memref<800768xf32, #tpu.memory_space<vmem_shared>> -> memref<800768xf32, #tpu.memory_space<vmem_shared>>
      tpu.enqueue_indirect_dma source(%dma_start3A_596 : memref<800768xf32, #tpu.memory_space<vmem_shared>>) target(%dma_start3A_591 : memref<128xf32, #tpu.memory_space<vmem>>) offsets(%dma_start3A_594 : memref<128xi32, #tpu.memory_space<vmem>>) semaphore(%arg12 : memref<!tpu.dma_semaphore, #tpu.memory_space<semaphore_mem>>)
      %dma_start3A_597 = arith.constant 5 : i32
      %dma_start3A_598 = arith.constant 5 : i32
      %dma_start3A_599 = arith.constant 0 : i32
      %dma_start3A_600 = tpu.memref_slice %arg10[%dma_start3A_598, %dma_start3A_599] : memref<8x256xf32, #tpu.memory_space<vmem>> -> memref<1x128xf32, #tpu.memory_space<vmem>>
      %dma_start3A_601 = tpu.memref_squeeze %dma_start3A_600 : memref<1x128xf32, #tpu.memory_space<vmem>> -> memref<128xf32, #tpu.memory_space<vmem>>
      %dma_start3A_602 = arith.constant 0 : i32
      %dma_start3A_603 = tpu.memref_slice %arg9[%dma_start3A_597, %dma_start3A_602] : memref<8x256xi32, #tpu.memory_space<vmem>> -> memref<1x128xi32, #tpu.memory_space<vmem>>
      %dma_start3A_604 = tpu.memref_squeeze %dma_start3A_603 : memref<1x128xi32, #tpu.memory_space<vmem>> -> memref<128xi32, #tpu.memory_space<vmem>>
      %dma_start3A_605 = arith.constant 0 : i32
      %dma_start3A_606 = tpu.memref_slice %arg7[%dma_start3A_605] : memref<800768xf32, #tpu.memory_space<vmem_shared>> -> memref<800768xf32, #tpu.memory_space<vmem_shared>>
      tpu.enqueue_indirect_dma source(%dma_start3A_606 : memref<800768xf32, #tpu.memory_space<vmem_shared>>) target(%dma_start3A_601 : memref<128xf32, #tpu.memory_space<vmem>>) offsets(%dma_start3A_604 : memref<128xi32, #tpu.memory_space<vmem>>) semaphore(%arg12 : memref<!tpu.dma_semaphore, #tpu.memory_space<semaphore_mem>>)
      %dma_start3A_607 = arith.constant 5 : i32
      %dma_start3A_608 = arith.constant 5 : i32
      %dma_start3A_609 = arith.constant 128 : i32
      %dma_start3A_610 = tpu.memref_slice %arg10[%dma_start3A_608, %dma_start3A_609] : memref<8x256xf32, #tpu.memory_space<vmem>> -> memref<1x128xf32, #tpu.memory_space<vmem>>
      %dma_start3A_611 = tpu.memref_squeeze %dma_start3A_610 : memref<1x128xf32, #tpu.memory_space<vmem>> -> memref<128xf32, #tpu.memory_space<vmem>>
      %dma_start3A_612 = arith.constant 128 : i32
      %dma_start3A_613 = tpu.memref_slice %arg9[%dma_start3A_607, %dma_start3A_612] : memref<8x256xi32, #tpu.memory_space<vmem>> -> memref<1x128xi32, #tpu.memory_space<vmem>>
      %dma_start3A_614 = tpu.memref_squeeze %dma_start3A_613 : memref<1x128xi32, #tpu.memory_space<vmem>> -> memref<128xi32, #tpu.memory_space<vmem>>
      %dma_start3A_615 = arith.constant 0 : i32
      %dma_start3A_616 = tpu.memref_slice %arg7[%dma_start3A_615] : memref<800768xf32, #tpu.memory_space<vmem_shared>> -> memref<800768xf32, #tpu.memory_space<vmem_shared>>
      tpu.enqueue_indirect_dma source(%dma_start3A_616 : memref<800768xf32, #tpu.memory_space<vmem_shared>>) target(%dma_start3A_611 : memref<128xf32, #tpu.memory_space<vmem>>) offsets(%dma_start3A_614 : memref<128xi32, #tpu.memory_space<vmem>>) semaphore(%arg12 : memref<!tpu.dma_semaphore, #tpu.memory_space<semaphore_mem>>)
      %dma_start3A_617 = arith.constant 6 : i32
      %dma_start3A_618 = arith.constant 6 : i32
      %dma_start3A_619 = arith.constant 0 : i32
      %dma_start3A_620 = tpu.memref_slice %arg10[%dma_start3A_618, %dma_start3A_619] : memref<8x256xf32, #tpu.memory_space<vmem>> -> memref<1x128xf32, #tpu.memory_space<vmem>>
      %dma_start3A_621 = tpu.memref_squeeze %dma_start3A_620 : memref<1x128xf32, #tpu.memory_space<vmem>> -> memref<128xf32, #tpu.memory_space<vmem>>
      %dma_start3A_622 = arith.constant 0 : i32
      %dma_start3A_623 = tpu.memref_slice %arg9[%dma_start3A_617, %dma_start3A_622] : memref<8x256xi32, #tpu.memory_space<vmem>> -> memref<1x128xi32, #tpu.memory_space<vmem>>
      %dma_start3A_624 = tpu.memref_squeeze %dma_start3A_623 : memref<1x128xi32, #tpu.memory_space<vmem>> -> memref<128xi32, #tpu.memory_space<vmem>>
      %dma_start3A_625 = arith.constant 0 : i32
      %dma_start3A_626 = tpu.memref_slice %arg7[%dma_start3A_625] : memref<800768xf32, #tpu.memory_space<vmem_shared>> -> memref<800768xf32, #tpu.memory_space<vmem_shared>>
      tpu.enqueue_indirect_dma source(%dma_start3A_626 : memref<800768xf32, #tpu.memory_space<vmem_shared>>) target(%dma_start3A_621 : memref<128xf32, #tpu.memory_space<vmem>>) offsets(%dma_start3A_624 : memref<128xi32, #tpu.memory_space<vmem>>) semaphore(%arg12 : memref<!tpu.dma_semaphore, #tpu.memory_space<semaphore_mem>>)
      %dma_start3A_627 = arith.constant 6 : i32
      %dma_start3A_628 = arith.constant 6 : i32
      %dma_start3A_629 = arith.constant 128 : i32
      %dma_start3A_630 = tpu.memref_slice %arg10[%dma_start3A_628, %dma_start3A_629] : memref<8x256xf32, #tpu.memory_space<vmem>> -> memref<1x128xf32, #tpu.memory_space<vmem>>
      %dma_start3A_631 = tpu.memref_squeeze %dma_start3A_630 : memref<1x128xf32, #tpu.memory_space<vmem>> -> memref<128xf32, #tpu.memory_space<vmem>>
      %dma_start3A_632 = arith.constant 128 : i32
      %dma_start3A_633 = tpu.memref_slice %arg9[%dma_start3A_627, %dma_start3A_632] : memref<8x256xi32, #tpu.memory_space<vmem>> -> memref<1x128xi32, #tpu.memory_space<vmem>>
      %dma_start3A_634 = tpu.memref_squeeze %dma_start3A_633 : memref<1x128xi32, #tpu.memory_space<vmem>> -> memref<128xi32, #tpu.memory_space<vmem>>
      %dma_start3A_635 = arith.constant 0 : i32
      %dma_start3A_636 = tpu.memref_slice %arg7[%dma_start3A_635] : memref<800768xf32, #tpu.memory_space<vmem_shared>> -> memref<800768xf32, #tpu.memory_space<vmem_shared>>
      tpu.enqueue_indirect_dma source(%dma_start3A_636 : memref<800768xf32, #tpu.memory_space<vmem_shared>>) target(%dma_start3A_631 : memref<128xf32, #tpu.memory_space<vmem>>) offsets(%dma_start3A_634 : memref<128xi32, #tpu.memory_space<vmem>>) semaphore(%arg12 : memref<!tpu.dma_semaphore, #tpu.memory_space<semaphore_mem>>)
      %dma_start3A_637 = arith.constant 7 : i32
      %dma_start3A_638 = arith.constant 7 : i32
      %dma_start3A_639 = arith.constant 0 : i32
      %dma_start3A_640 = tpu.memref_slice %arg10[%dma_start3A_638, %dma_start3A_639] : memref<8x256xf32, #tpu.memory_space<vmem>> -> memref<1x128xf32, #tpu.memory_space<vmem>>
      %dma_start3A_641 = tpu.memref_squeeze %dma_start3A_640 : memref<1x128xf32, #tpu.memory_space<vmem>> -> memref<128xf32, #tpu.memory_space<vmem>>
      %dma_start3A_642 = arith.constant 0 : i32
      %dma_start3A_643 = tpu.memref_slice %arg9[%dma_start3A_637, %dma_start3A_642] : memref<8x256xi32, #tpu.memory_space<vmem>> -> memref<1x128xi32, #tpu.memory_space<vmem>>
      %dma_start3A_644 = tpu.memref_squeeze %dma_start3A_643 : memref<1x128xi32, #tpu.memory_space<vmem>> -> memref<128xi32, #tpu.memory_space<vmem>>
      %dma_start3A_645 = arith.constant 0 : i32
      %dma_start3A_646 = tpu.memref_slice %arg7[%dma_start3A_645] : memref<800768xf32, #tpu.memory_space<vmem_shared>> -> memref<800768xf32, #tpu.memory_space<vmem_shared>>
      tpu.enqueue_indirect_dma source(%dma_start3A_646 : memref<800768xf32, #tpu.memory_space<vmem_shared>>) target(%dma_start3A_641 : memref<128xf32, #tpu.memory_space<vmem>>) offsets(%dma_start3A_644 : memref<128xi32, #tpu.memory_space<vmem>>) semaphore(%arg12 : memref<!tpu.dma_semaphore, #tpu.memory_space<semaphore_mem>>)
      %dma_start3A_647 = arith.constant 7 : i32
      %dma_start3A_648 = arith.constant 7 : i32
      %dma_start3A_649 = arith.constant 128 : i32
      %dma_start3A_650 = tpu.memref_slice %arg10[%dma_start3A_648, %dma_start3A_649] : memref<8x256xf32, #tpu.memory_space<vmem>> -> memref<1x128xf32, #tpu.memory_space<vmem>>
      %dma_start3A_651 = tpu.memref_squeeze %dma_start3A_650 : memref<1x128xf32, #tpu.memory_space<vmem>> -> memref<128xf32, #tpu.memory_space<vmem>>
      %dma_start3A_652 = arith.constant 128 : i32
      %dma_start3A_653 = tpu.memref_slice %arg9[%dma_start3A_647, %dma_start3A_652] : memref<8x256xi32, #tpu.memory_space<vmem>> -> memref<1x128xi32, #tpu.memory_space<vmem>>
      %dma_start3A_654 = tpu.memref_squeeze %dma_start3A_653 : memref<1x128xi32, #tpu.memory_space<vmem>> -> memref<128xi32, #tpu.memory_space<vmem>>
      %dma_start3A_655 = arith.constant 0 : i32
      %dma_start3A_656 = tpu.memref_slice %arg7[%dma_start3A_655] : memref<800768xf32, #tpu.memory_space<vmem_shared>> -> memref<800768xf32, #tpu.memory_space<vmem_shared>>
      tpu.enqueue_indirect_dma source(%dma_start3A_656 : memref<800768xf32, #tpu.memory_space<vmem_shared>>) target(%dma_start3A_651 : memref<128xf32, #tpu.memory_space<vmem>>) offsets(%dma_start3A_654 : memref<128xi32, #tpu.memory_space<vmem>>) semaphore(%arg12 : memref<!tpu.dma_semaphore, #tpu.memory_space<semaphore_mem>>)
      %dma_wait3A_657 = arith.constant 0 : i32
      %dma_wait3A_658 = arith.constant 0 : i32
      %dma_wait3A_659 = arith.constant 0 : i32
      %dma_wait3A_660 = tpu.memref_slice %arg10[%dma_wait3A_658, %dma_wait3A_659] : memref<8x256xf32, #tpu.memory_space<vmem>> -> memref<1x128xf32, #tpu.memory_space<vmem>>
      %dma_wait3A_661 = tpu.memref_squeeze %dma_wait3A_660 : memref<1x128xf32, #tpu.memory_space<vmem>> -> memref<128xf32, #tpu.memory_space<vmem>>
      %dma_wait3A_662 = arith.constant 0 : i32
      %dma_wait3A_663 = tpu.memref_slice %arg9[%dma_wait3A_657, %dma_wait3A_662] : memref<8x256xi32, #tpu.memory_space<vmem>> -> memref<1x128xi32, #tpu.memory_space<vmem>>
      %dma_wait3A_664 = tpu.memref_squeeze %dma_wait3A_663 : memref<1x128xi32, #tpu.memory_space<vmem>> -> memref<128xi32, #tpu.memory_space<vmem>>
      %dma_wait3A_665 = arith.constant 0 : i32
      %dma_wait3A_666 = tpu.memref_slice %arg7[%dma_wait3A_665] : memref<800768xf32, #tpu.memory_space<vmem_shared>> -> memref<800768xf32, #tpu.memory_space<vmem_shared>>
      tpu.wait_indirect_dma semaphore(%arg12 : memref<!tpu.dma_semaphore, #tpu.memory_space<semaphore_mem>>) src(%dma_wait3A_666 : memref<800768xf32, #tpu.memory_space<vmem_shared>>) dst(%dma_wait3A_661 : memref<128xf32, #tpu.memory_space<vmem>>)
      %dma_wait3A_667 = arith.constant 0 : i32
      %dma_wait3A_668 = arith.constant 0 : i32
      %dma_wait3A_669 = arith.constant 128 : i32
      %dma_wait3A_670 = tpu.memref_slice %arg10[%dma_wait3A_668, %dma_wait3A_669] : memref<8x256xf32, #tpu.memory_space<vmem>> -> memref<1x128xf32, #tpu.memory_space<vmem>>
      %dma_wait3A_671 = tpu.memref_squeeze %dma_wait3A_670 : memref<1x128xf32, #tpu.memory_space<vmem>> -> memref<128xf32, #tpu.memory_space<vmem>>
      %dma_wait3A_672 = arith.constant 128 : i32
      %dma_wait3A_673 = tpu.memref_slice %arg9[%dma_wait3A_667, %dma_wait3A_672] : memref<8x256xi32, #tpu.memory_space<vmem>> -> memref<1x128xi32, #tpu.memory_space<vmem>>
      %dma_wait3A_674 = tpu.memref_squeeze %dma_wait3A_673 : memref<1x128xi32, #tpu.memory_space<vmem>> -> memref<128xi32, #tpu.memory_space<vmem>>
      %dma_wait3A_675 = arith.constant 0 : i32
      %dma_wait3A_676 = tpu.memref_slice %arg7[%dma_wait3A_675] : memref<800768xf32, #tpu.memory_space<vmem_shared>> -> memref<800768xf32, #tpu.memory_space<vmem_shared>>
      tpu.wait_indirect_dma semaphore(%arg12 : memref<!tpu.dma_semaphore, #tpu.memory_space<semaphore_mem>>) src(%dma_wait3A_676 : memref<800768xf32, #tpu.memory_space<vmem_shared>>) dst(%dma_wait3A_671 : memref<128xf32, #tpu.memory_space<vmem>>)
      %dma_wait3A_677 = arith.constant 1 : i32
      %dma_wait3A_678 = arith.constant 1 : i32
      %dma_wait3A_679 = arith.constant 0 : i32
      %dma_wait3A_680 = tpu.memref_slice %arg10[%dma_wait3A_678, %dma_wait3A_679] : memref<8x256xf32, #tpu.memory_space<vmem>> -> memref<1x128xf32, #tpu.memory_space<vmem>>
      %dma_wait3A_681 = tpu.memref_squeeze %dma_wait3A_680 : memref<1x128xf32, #tpu.memory_space<vmem>> -> memref<128xf32, #tpu.memory_space<vmem>>
      %dma_wait3A_682 = arith.constant 0 : i32
      %dma_wait3A_683 = tpu.memref_slice %arg9[%dma_wait3A_677, %dma_wait3A_682] : memref<8x256xi32, #tpu.memory_space<vmem>> -> memref<1x128xi32, #tpu.memory_space<vmem>>
      %dma_wait3A_684 = tpu.memref_squeeze %dma_wait3A_683 : memref<1x128xi32, #tpu.memory_space<vmem>> -> memref<128xi32, #tpu.memory_space<vmem>>
      %dma_wait3A_685 = arith.constant 0 : i32
      %dma_wait3A_686 = tpu.memref_slice %arg7[%dma_wait3A_685] : memref<800768xf32, #tpu.memory_space<vmem_shared>> -> memref<800768xf32, #tpu.memory_space<vmem_shared>>
      tpu.wait_indirect_dma semaphore(%arg12 : memref<!tpu.dma_semaphore, #tpu.memory_space<semaphore_mem>>) src(%dma_wait3A_686 : memref<800768xf32, #tpu.memory_space<vmem_shared>>) dst(%dma_wait3A_681 : memref<128xf32, #tpu.memory_space<vmem>>)
      %dma_wait3A_687 = arith.constant 1 : i32
      %dma_wait3A_688 = arith.constant 1 : i32
      %dma_wait3A_689 = arith.constant 128 : i32
      %dma_wait3A_690 = tpu.memref_slice %arg10[%dma_wait3A_688, %dma_wait3A_689] : memref<8x256xf32, #tpu.memory_space<vmem>> -> memref<1x128xf32, #tpu.memory_space<vmem>>
      %dma_wait3A_691 = tpu.memref_squeeze %dma_wait3A_690 : memref<1x128xf32, #tpu.memory_space<vmem>> -> memref<128xf32, #tpu.memory_space<vmem>>
      %dma_wait3A_692 = arith.constant 128 : i32
      %dma_wait3A_693 = tpu.memref_slice %arg9[%dma_wait3A_687, %dma_wait3A_692] : memref<8x256xi32, #tpu.memory_space<vmem>> -> memref<1x128xi32, #tpu.memory_space<vmem>>
      %dma_wait3A_694 = tpu.memref_squeeze %dma_wait3A_693 : memref<1x128xi32, #tpu.memory_space<vmem>> -> memref<128xi32, #tpu.memory_space<vmem>>
      %dma_wait3A_695 = arith.constant 0 : i32
      %dma_wait3A_696 = tpu.memref_slice %arg7[%dma_wait3A_695] : memref<800768xf32, #tpu.memory_space<vmem_shared>> -> memref<800768xf32, #tpu.memory_space<vmem_shared>>
      tpu.wait_indirect_dma semaphore(%arg12 : memref<!tpu.dma_semaphore, #tpu.memory_space<semaphore_mem>>) src(%dma_wait3A_696 : memref<800768xf32, #tpu.memory_space<vmem_shared>>) dst(%dma_wait3A_691 : memref<128xf32, #tpu.memory_space<vmem>>)
      %dma_wait3A_697 = arith.constant 2 : i32
      %dma_wait3A_698 = arith.constant 2 : i32
      %dma_wait3A_699 = arith.constant 0 : i32
      %dma_wait3A_700 = tpu.memref_slice %arg10[%dma_wait3A_698, %dma_wait3A_699] : memref<8x256xf32, #tpu.memory_space<vmem>> -> memref<1x128xf32, #tpu.memory_space<vmem>>
      %dma_wait3A_701 = tpu.memref_squeeze %dma_wait3A_700 : memref<1x128xf32, #tpu.memory_space<vmem>> -> memref<128xf32, #tpu.memory_space<vmem>>
      %dma_wait3A_702 = arith.constant 0 : i32
      %dma_wait3A_703 = tpu.memref_slice %arg9[%dma_wait3A_697, %dma_wait3A_702] : memref<8x256xi32, #tpu.memory_space<vmem>> -> memref<1x128xi32, #tpu.memory_space<vmem>>
      %dma_wait3A_704 = tpu.memref_squeeze %dma_wait3A_703 : memref<1x128xi32, #tpu.memory_space<vmem>> -> memref<128xi32, #tpu.memory_space<vmem>>
      %dma_wait3A_705 = arith.constant 0 : i32
      %dma_wait3A_706 = tpu.memref_slice %arg7[%dma_wait3A_705] : memref<800768xf32, #tpu.memory_space<vmem_shared>> -> memref<800768xf32, #tpu.memory_space<vmem_shared>>
      tpu.wait_indirect_dma semaphore(%arg12 : memref<!tpu.dma_semaphore, #tpu.memory_space<semaphore_mem>>) src(%dma_wait3A_706 : memref<800768xf32, #tpu.memory_space<vmem_shared>>) dst(%dma_wait3A_701 : memref<128xf32, #tpu.memory_space<vmem>>)
      %dma_wait3A_707 = arith.constant 2 : i32
      %dma_wait3A_708 = arith.constant 2 : i32
      %dma_wait3A_709 = arith.constant 128 : i32
      %dma_wait3A_710 = tpu.memref_slice %arg10[%dma_wait3A_708, %dma_wait3A_709] : memref<8x256xf32, #tpu.memory_space<vmem>> -> memref<1x128xf32, #tpu.memory_space<vmem>>
      %dma_wait3A_711 = tpu.memref_squeeze %dma_wait3A_710 : memref<1x128xf32, #tpu.memory_space<vmem>> -> memref<128xf32, #tpu.memory_space<vmem>>
      %dma_wait3A_712 = arith.constant 128 : i32
      %dma_wait3A_713 = tpu.memref_slice %arg9[%dma_wait3A_707, %dma_wait3A_712] : memref<8x256xi32, #tpu.memory_space<vmem>> -> memref<1x128xi32, #tpu.memory_space<vmem>>
      %dma_wait3A_714 = tpu.memref_squeeze %dma_wait3A_713 : memref<1x128xi32, #tpu.memory_space<vmem>> -> memref<128xi32, #tpu.memory_space<vmem>>
      %dma_wait3A_715 = arith.constant 0 : i32
      %dma_wait3A_716 = tpu.memref_slice %arg7[%dma_wait3A_715] : memref<800768xf32, #tpu.memory_space<vmem_shared>> -> memref<800768xf32, #tpu.memory_space<vmem_shared>>
      tpu.wait_indirect_dma semaphore(%arg12 : memref<!tpu.dma_semaphore, #tpu.memory_space<semaphore_mem>>) src(%dma_wait3A_716 : memref<800768xf32, #tpu.memory_space<vmem_shared>>) dst(%dma_wait3A_711 : memref<128xf32, #tpu.memory_space<vmem>>)
      %dma_wait3A_717 = arith.constant 3 : i32
      %dma_wait3A_718 = arith.constant 3 : i32
      %dma_wait3A_719 = arith.constant 0 : i32
      %dma_wait3A_720 = tpu.memref_slice %arg10[%dma_wait3A_718, %dma_wait3A_719] : memref<8x256xf32, #tpu.memory_space<vmem>> -> memref<1x128xf32, #tpu.memory_space<vmem>>
      %dma_wait3A_721 = tpu.memref_squeeze %dma_wait3A_720 : memref<1x128xf32, #tpu.memory_space<vmem>> -> memref<128xf32, #tpu.memory_space<vmem>>
      %dma_wait3A_722 = arith.constant 0 : i32
      %dma_wait3A_723 = tpu.memref_slice %arg9[%dma_wait3A_717, %dma_wait3A_722] : memref<8x256xi32, #tpu.memory_space<vmem>> -> memref<1x128xi32, #tpu.memory_space<vmem>>
      %dma_wait3A_724 = tpu.memref_squeeze %dma_wait3A_723 : memref<1x128xi32, #tpu.memory_space<vmem>> -> memref<128xi32, #tpu.memory_space<vmem>>
      %dma_wait3A_725 = arith.constant 0 : i32
      %dma_wait3A_726 = tpu.memref_slice %arg7[%dma_wait3A_725] : memref<800768xf32, #tpu.memory_space<vmem_shared>> -> memref<800768xf32, #tpu.memory_space<vmem_shared>>
      tpu.wait_indirect_dma semaphore(%arg12 : memref<!tpu.dma_semaphore, #tpu.memory_space<semaphore_mem>>) src(%dma_wait3A_726 : memref<800768xf32, #tpu.memory_space<vmem_shared>>) dst(%dma_wait3A_721 : memref<128xf32, #tpu.memory_space<vmem>>)
      %dma_wait3A_727 = arith.constant 3 : i32
      %dma_wait3A_728 = arith.constant 3 : i32
      %dma_wait3A_729 = arith.constant 128 : i32
      %dma_wait3A_730 = tpu.memref_slice %arg10[%dma_wait3A_728, %dma_wait3A_729] : memref<8x256xf32, #tpu.memory_space<vmem>> -> memref<1x128xf32, #tpu.memory_space<vmem>>
      %dma_wait3A_731 = tpu.memref_squeeze %dma_wait3A_730 : memref<1x128xf32, #tpu.memory_space<vmem>> -> memref<128xf32, #tpu.memory_space<vmem>>
      %dma_wait3A_732 = arith.constant 128 : i32
      %dma_wait3A_733 = tpu.memref_slice %arg9[%dma_wait3A_727, %dma_wait3A_732] : memref<8x256xi32, #tpu.memory_space<vmem>> -> memref<1x128xi32, #tpu.memory_space<vmem>>
      %dma_wait3A_734 = tpu.memref_squeeze %dma_wait3A_733 : memref<1x128xi32, #tpu.memory_space<vmem>> -> memref<128xi32, #tpu.memory_space<vmem>>
      %dma_wait3A_735 = arith.constant 0 : i32
      %dma_wait3A_736 = tpu.memref_slice %arg7[%dma_wait3A_735] : memref<800768xf32, #tpu.memory_space<vmem_shared>> -> memref<800768xf32, #tpu.memory_space<vmem_shared>>
      tpu.wait_indirect_dma semaphore(%arg12 : memref<!tpu.dma_semaphore, #tpu.memory_space<semaphore_mem>>) src(%dma_wait3A_736 : memref<800768xf32, #tpu.memory_space<vmem_shared>>) dst(%dma_wait3A_731 : memref<128xf32, #tpu.memory_space<vmem>>)
      %dma_wait3A_737 = arith.constant 4 : i32
      %dma_wait3A_738 = arith.constant 4 : i32
      %dma_wait3A_739 = arith.constant 0 : i32
      %dma_wait3A_740 = tpu.memref_slice %arg10[%dma_wait3A_738, %dma_wait3A_739] : memref<8x256xf32, #tpu.memory_space<vmem>> -> memref<1x128xf32, #tpu.memory_space<vmem>>
      %dma_wait3A_741 = tpu.memref_squeeze %dma_wait3A_740 : memref<1x128xf32, #tpu.memory_space<vmem>> -> memref<128xf32, #tpu.memory_space<vmem>>
      %dma_wait3A_742 = arith.constant 0 : i32
      %dma_wait3A_743 = tpu.memref_slice %arg9[%dma_wait3A_737, %dma_wait3A_742] : memref<8x256xi32, #tpu.memory_space<vmem>> -> memref<1x128xi32, #tpu.memory_space<vmem>>
      %dma_wait3A_744 = tpu.memref_squeeze %dma_wait3A_743 : memref<1x128xi32, #tpu.memory_space<vmem>> -> memref<128xi32, #tpu.memory_space<vmem>>
      %dma_wait3A_745 = arith.constant 0 : i32
      %dma_wait3A_746 = tpu.memref_slice %arg7[%dma_wait3A_745] : memref<800768xf32, #tpu.memory_space<vmem_shared>> -> memref<800768xf32, #tpu.memory_space<vmem_shared>>
      tpu.wait_indirect_dma semaphore(%arg12 : memref<!tpu.dma_semaphore, #tpu.memory_space<semaphore_mem>>) src(%dma_wait3A_746 : memref<800768xf32, #tpu.memory_space<vmem_shared>>) dst(%dma_wait3A_741 : memref<128xf32, #tpu.memory_space<vmem>>)
      %dma_wait3A_747 = arith.constant 4 : i32
      %dma_wait3A_748 = arith.constant 4 : i32
      %dma_wait3A_749 = arith.constant 128 : i32
      %dma_wait3A_750 = tpu.memref_slice %arg10[%dma_wait3A_748, %dma_wait3A_749] : memref<8x256xf32, #tpu.memory_space<vmem>> -> memref<1x128xf32, #tpu.memory_space<vmem>>
      %dma_wait3A_751 = tpu.memref_squeeze %dma_wait3A_750 : memref<1x128xf32, #tpu.memory_space<vmem>> -> memref<128xf32, #tpu.memory_space<vmem>>
      %dma_wait3A_752 = arith.constant 128 : i32
      %dma_wait3A_753 = tpu.memref_slice %arg9[%dma_wait3A_747, %dma_wait3A_752] : memref<8x256xi32, #tpu.memory_space<vmem>> -> memref<1x128xi32, #tpu.memory_space<vmem>>
      %dma_wait3A_754 = tpu.memref_squeeze %dma_wait3A_753 : memref<1x128xi32, #tpu.memory_space<vmem>> -> memref<128xi32, #tpu.memory_space<vmem>>
      %dma_wait3A_755 = arith.constant 0 : i32
      %dma_wait3A_756 = tpu.memref_slice %arg7[%dma_wait3A_755] : memref<800768xf32, #tpu.memory_space<vmem_shared>> -> memref<800768xf32, #tpu.memory_space<vmem_shared>>
      tpu.wait_indirect_dma semaphore(%arg12 : memref<!tpu.dma_semaphore, #tpu.memory_space<semaphore_mem>>) src(%dma_wait3A_756 : memref<800768xf32, #tpu.memory_space<vmem_shared>>) dst(%dma_wait3A_751 : memref<128xf32, #tpu.memory_space<vmem>>)
      %dma_wait3A_757 = arith.constant 5 : i32
      %dma_wait3A_758 = arith.constant 5 : i32
      %dma_wait3A_759 = arith.constant 0 : i32
      %dma_wait3A_760 = tpu.memref_slice %arg10[%dma_wait3A_758, %dma_wait3A_759] : memref<8x256xf32, #tpu.memory_space<vmem>> -> memref<1x128xf32, #tpu.memory_space<vmem>>
      %dma_wait3A_761 = tpu.memref_squeeze %dma_wait3A_760 : memref<1x128xf32, #tpu.memory_space<vmem>> -> memref<128xf32, #tpu.memory_space<vmem>>
      %dma_wait3A_762 = arith.constant 0 : i32
      %dma_wait3A_763 = tpu.memref_slice %arg9[%dma_wait3A_757, %dma_wait3A_762] : memref<8x256xi32, #tpu.memory_space<vmem>> -> memref<1x128xi32, #tpu.memory_space<vmem>>
      %dma_wait3A_764 = tpu.memref_squeeze %dma_wait3A_763 : memref<1x128xi32, #tpu.memory_space<vmem>> -> memref<128xi32, #tpu.memory_space<vmem>>
      %dma_wait3A_765 = arith.constant 0 : i32
      %dma_wait3A_766 = tpu.memref_slice %arg7[%dma_wait3A_765] : memref<800768xf32, #tpu.memory_space<vmem_shared>> -> memref<800768xf32, #tpu.memory_space<vmem_shared>>
      tpu.wait_indirect_dma semaphore(%arg12 : memref<!tpu.dma_semaphore, #tpu.memory_space<semaphore_mem>>) src(%dma_wait3A_766 : memref<800768xf32, #tpu.memory_space<vmem_shared>>) dst(%dma_wait3A_761 : memref<128xf32, #tpu.memory_space<vmem>>)
      %dma_wait3A_767 = arith.constant 5 : i32
      %dma_wait3A_768 = arith.constant 5 : i32
      %dma_wait3A_769 = arith.constant 128 : i32
      %dma_wait3A_770 = tpu.memref_slice %arg10[%dma_wait3A_768, %dma_wait3A_769] : memref<8x256xf32, #tpu.memory_space<vmem>> -> memref<1x128xf32, #tpu.memory_space<vmem>>
      %dma_wait3A_771 = tpu.memref_squeeze %dma_wait3A_770 : memref<1x128xf32, #tpu.memory_space<vmem>> -> memref<128xf32, #tpu.memory_space<vmem>>
      %dma_wait3A_772 = arith.constant 128 : i32
      %dma_wait3A_773 = tpu.memref_slice %arg9[%dma_wait3A_767, %dma_wait3A_772] : memref<8x256xi32, #tpu.memory_space<vmem>> -> memref<1x128xi32, #tpu.memory_space<vmem>>
      %dma_wait3A_774 = tpu.memref_squeeze %dma_wait3A_773 : memref<1x128xi32, #tpu.memory_space<vmem>> -> memref<128xi32, #tpu.memory_space<vmem>>
      %dma_wait3A_775 = arith.constant 0 : i32
      %dma_wait3A_776 = tpu.memref_slice %arg7[%dma_wait3A_775] : memref<800768xf32, #tpu.memory_space<vmem_shared>> -> memref<800768xf32, #tpu.memory_space<vmem_shared>>
      tpu.wait_indirect_dma semaphore(%arg12 : memref<!tpu.dma_semaphore, #tpu.memory_space<semaphore_mem>>) src(%dma_wait3A_776 : memref<800768xf32, #tpu.memory_space<vmem_shared>>) dst(%dma_wait3A_771 : memref<128xf32, #tpu.memory_space<vmem>>)
      %dma_wait3A_777 = arith.constant 6 : i32
      %dma_wait3A_778 = arith.constant 6 : i32
      %dma_wait3A_779 = arith.constant 0 : i32
      %dma_wait3A_780 = tpu.memref_slice %arg10[%dma_wait3A_778, %dma_wait3A_779] : memref<8x256xf32, #tpu.memory_space<vmem>> -> memref<1x128xf32, #tpu.memory_space<vmem>>
      %dma_wait3A_781 = tpu.memref_squeeze %dma_wait3A_780 : memref<1x128xf32, #tpu.memory_space<vmem>> -> memref<128xf32, #tpu.memory_space<vmem>>
      %dma_wait3A_782 = arith.constant 0 : i32
      %dma_wait3A_783 = tpu.memref_slice %arg9[%dma_wait3A_777, %dma_wait3A_782] : memref<8x256xi32, #tpu.memory_space<vmem>> -> memref<1x128xi32, #tpu.memory_space<vmem>>
      %dma_wait3A_784 = tpu.memref_squeeze %dma_wait3A_783 : memref<1x128xi32, #tpu.memory_space<vmem>> -> memref<128xi32, #tpu.memory_space<vmem>>
      %dma_wait3A_785 = arith.constant 0 : i32
      %dma_wait3A_786 = tpu.memref_slice %arg7[%dma_wait3A_785] : memref<800768xf32, #tpu.memory_space<vmem_shared>> -> memref<800768xf32, #tpu.memory_space<vmem_shared>>
      tpu.wait_indirect_dma semaphore(%arg12 : memref<!tpu.dma_semaphore, #tpu.memory_space<semaphore_mem>>) src(%dma_wait3A_786 : memref<800768xf32, #tpu.memory_space<vmem_shared>>) dst(%dma_wait3A_781 : memref<128xf32, #tpu.memory_space<vmem>>)
      %dma_wait3A_787 = arith.constant 6 : i32
      %dma_wait3A_788 = arith.constant 6 : i32
      %dma_wait3A_789 = arith.constant 128 : i32
      %dma_wait3A_790 = tpu.memref_slice %arg10[%dma_wait3A_788, %dma_wait3A_789] : memref<8x256xf32, #tpu.memory_space<vmem>> -> memref<1x128xf32, #tpu.memory_space<vmem>>
      %dma_wait3A_791 = tpu.memref_squeeze %dma_wait3A_790 : memref<1x128xf32, #tpu.memory_space<vmem>> -> memref<128xf32, #tpu.memory_space<vmem>>
      %dma_wait3A_792 = arith.constant 128 : i32
      %dma_wait3A_793 = tpu.memref_slice %arg9[%dma_wait3A_787, %dma_wait3A_792] : memref<8x256xi32, #tpu.memory_space<vmem>> -> memref<1x128xi32, #tpu.memory_space<vmem>>
      %dma_wait3A_794 = tpu.memref_squeeze %dma_wait3A_793 : memref<1x128xi32, #tpu.memory_space<vmem>> -> memref<128xi32, #tpu.memory_space<vmem>>
      %dma_wait3A_795 = arith.constant 0 : i32
      %dma_wait3A_796 = tpu.memref_slice %arg7[%dma_wait3A_795] : memref<800768xf32, #tpu.memory_space<vmem_shared>> -> memref<800768xf32, #tpu.memory_space<vmem_shared>>
      tpu.wait_indirect_dma semaphore(%arg12 : memref<!tpu.dma_semaphore, #tpu.memory_space<semaphore_mem>>) src(%dma_wait3A_796 : memref<800768xf32, #tpu.memory_space<vmem_shared>>) dst(%dma_wait3A_791 : memref<128xf32, #tpu.memory_space<vmem>>)
      %dma_wait3A_797 = arith.constant 7 : i32
      %dma_wait3A_798 = arith.constant 7 : i32
      %dma_wait3A_799 = arith.constant 0 : i32
      %dma_wait3A_800 = tpu.memref_slice %arg10[%dma_wait3A_798, %dma_wait3A_799] : memref<8x256xf32, #tpu.memory_space<vmem>> -> memref<1x128xf32, #tpu.memory_space<vmem>>
      %dma_wait3A_801 = tpu.memref_squeeze %dma_wait3A_800 : memref<1x128xf32, #tpu.memory_space<vmem>> -> memref<128xf32, #tpu.memory_space<vmem>>
      %dma_wait3A_802 = arith.constant 0 : i32
      %dma_wait3A_803 = tpu.memref_slice %arg9[%dma_wait3A_797, %dma_wait3A_802] : memref<8x256xi32, #tpu.memory_space<vmem>> -> memref<1x128xi32, #tpu.memory_space<vmem>>
      %dma_wait3A_804 = tpu.memref_squeeze %dma_wait3A_803 : memref<1x128xi32, #tpu.memory_space<vmem>> -> memref<128xi32, #tpu.memory_space<vmem>>
      %dma_wait3A_805 = arith.constant 0 : i32
      %dma_wait3A_806 = tpu.memref_slice %arg7[%dma_wait3A_805] : memref<800768xf32, #tpu.memory_space<vmem_shared>> -> memref<800768xf32, #tpu.memory_space<vmem_shared>>
      tpu.wait_indirect_dma semaphore(%arg12 : memref<!tpu.dma_semaphore, #tpu.memory_space<semaphore_mem>>) src(%dma_wait3A_806 : memref<800768xf32, #tpu.memory_space<vmem_shared>>) dst(%dma_wait3A_801 : memref<128xf32, #tpu.memory_space<vmem>>)
      %dma_wait3A_807 = arith.constant 7 : i32
      %dma_wait3A_808 = arith.constant 7 : i32
      %dma_wait3A_809 = arith.constant 128 : i32
      %dma_wait3A_810 = tpu.memref_slice %arg10[%dma_wait3A_808, %dma_wait3A_809] : memref<8x256xf32, #tpu.memory_space<vmem>> -> memref<1x128xf32, #tpu.memory_space<vmem>>
      %dma_wait3A_811 = tpu.memref_squeeze %dma_wait3A_810 : memref<1x128xf32, #tpu.memory_space<vmem>> -> memref<128xf32, #tpu.memory_space<vmem>>
      %dma_wait3A_812 = arith.constant 128 : i32
      %dma_wait3A_813 = tpu.memref_slice %arg9[%dma_wait3A_807, %dma_wait3A_812] : memref<8x256xi32, #tpu.memory_space<vmem>> -> memref<1x128xi32, #tpu.memory_space<vmem>>
      %dma_wait3A_814 = tpu.memref_squeeze %dma_wait3A_813 : memref<1x128xi32, #tpu.memory_space<vmem>> -> memref<128xi32, #tpu.memory_space<vmem>>
      %dma_wait3A_815 = arith.constant 0 : i32
      %dma_wait3A_816 = tpu.memref_slice %arg7[%dma_wait3A_815] : memref<800768xf32, #tpu.memory_space<vmem_shared>> -> memref<800768xf32, #tpu.memory_space<vmem_shared>>
      tpu.wait_indirect_dma semaphore(%arg12 : memref<!tpu.dma_semaphore, #tpu.memory_space<semaphore_mem>>) src(%dma_wait3A_816 : memref<800768xf32, #tpu.memory_space<vmem_shared>>) dst(%dma_wait3A_811 : memref<128xf32, #tpu.memory_space<vmem>>)
      %mul3A_817 = arith.constant 32 : i32
      %mul3A_818 = arith.muli %add3A_438, %mul3A_817 : i32
      %mul3A_819 = arith.constant 8 : i32
      %mul3A_820 = arith.muli %select_n3A_454, %mul3A_819 : i32
      %add3A_821 = arith.addi %mul3A_818, %mul3A_820 : i32
      %multiple_of3A_822 = tpu.assume_multiple %add3A_821, 8 : i32
      "tpu.region"() ({
        %run_scoped3A = tpu.sem_alloc : memref<!tpu.dma_semaphore, #tpu.memory_space<semaphore_mem>>
        %dma_start3A_823 = tpu.memref_slice %arg5[%multiple_of3A_822, %multiple_of3A] : memref<832x4096xf32, #tpu.memory_space<hbm>> -> memref<8x256xf32, #tpu.memory_space<hbm>>
        %dma_start3A_824 = tpu.memref_slice %arg5[%multiple_of3A_822, %multiple_of3A] : memref<832x4096xf32, #tpu.memory_space<hbm>> -> memref<8x256xf32, #tpu.memory_space<hbm>>
        tpu.enqueue_dma source(%arg10 : memref<8x256xf32, #tpu.memory_space<vmem>>) target(%dma_start3A_824 : memref<8x256xf32, #tpu.memory_space<hbm>>) target_semaphore(%run_scoped3A : memref<!tpu.dma_semaphore, #tpu.memory_space<semaphore_mem>>)
        %dma_wait3A_825 = tpu.memref_slice %arg5[%multiple_of3A_822, %multiple_of3A] : memref<832x4096xf32, #tpu.memory_space<hbm>> -> memref<8x256xf32, #tpu.memory_space<hbm>>
        %dma_wait3A_826 = tpu.memref_slice %arg5[%multiple_of3A_822, %multiple_of3A] : memref<832x4096xf32, #tpu.memory_space<hbm>> -> memref<8x256xf32, #tpu.memory_space<hbm>>
        tpu.wait_dma2 semaphore(%run_scoped3A : memref<!tpu.dma_semaphore, #tpu.memory_space<semaphore_mem>>) src(%arg10 : memref<8x256xf32, #tpu.memory_space<vmem>>) dst(%dma_wait3A_826 : memref<8x256xf32, #tpu.memory_space<hbm>>)
        tpu.yield
      }) : () -> ()
    }
    %scan3A_8 = arith.constant 26 : i32
    return
  }
}

</mosaic_0001>

<sc_bundles>
// kernel: kernel.3.cloned.1.call-start
scs
__scs_entry_jumppad:
0x0: {  	(pc) =	sbr.rel $0x88, $3  }
0x1: {  	(tag) =	ssettag $0x0;
	lr =	simm.s32 $0x1  }
0x2: {  	[smem:$0x3F9F] =	sst lr;
	_ =	strace $0xD0000000  }
0x3: {  	_ = 	snop  }
0x4: {  	_ = 	snop  }
0x5: {  	_ = 	snop  }
0x6: {  	_ = 	snop  }
0x7: {  	_ = 	snop  }
__scs_overlays_trampoline_lowered:
0x8: {  	[smem:$0x3FAE] =	sst s0  }
0x9: {  	[smem:$0x3FAF] =	sst s1  }
0xa: {  	[smem:$0x3FB0] =	sst s2  }
0xb: {  	[smem:$0x3FB1] =	sst s3  }
0xc: {  	[smem:$0x3FB2] =	sst s4  }
0xd: {  	[smem:$0x3FB3] =	sst s5  }
0xe: {  	[smem:$0x3FB4] =	sst s6  }
0xf: {  	[smem:$0x3FB5] =	sst s7  }
0x10: {  	[smem:$0x3FB6] =	sst s8  }
0x11: {  	[smem:$0x3FB7] =	sst s9;
	s0 =	simm.s32 @!p0 $0x0  }
0x12: {  	s1 =	sld [smem:$0x3F9D];
	s0 =	simm.s32 @p0 $0x1  }
0x13: {  	[smem:$0x3FB8] =	sst s0;
	s0 =	simm.s32 @!p1 $0x0  }
0x14: {  	s2 =	sld [smem:$0x3F9C];
	s0 =	simm.s32 @p1 $0x1  }
0x15: {  	[smem:$0x3FB9] =	sst s0;
	s0 =	simm.s32 @!p2 $0x0  }
0x16: {  	s3 =	sld [smem:$0x3FDB];
	s0 =	simm.s32 @p2 $0x1  }
0x17: {  	s4 =	simm.s32 $0x1BF5;
	[smem:$0x3FBB] =	sst s0  }
0x18: {  	s0 =	sld [smem:$0x3F9E];
	_ =	swait.ge [sflag:s4], $0x0  }
0x19: {  	s7 =	sld [smem:$0x3F9F]  }
0x1a: {  	s8 =	sadd.s32 $0xFFFFE003, lr  }
0x1b: {  	s9 =	sadd.s32 $0xFFFFFEF7, lr;
	s5 =	simm.s32 $0xFFFFFFFF;
	p2 =	slt.u32 s8, $0xFFFFF086  }
0x1c: {  	p1 =	slt.u32 s9, $0xF7A;
	s5 =	simm.s32 @!p2 $0x0  }
0x1d: {  	s5 =	simm.s32 @p1 $0x1;
	p0 =	seq.s32 s7, s2  }
0x1e: {  	s7 =	smul.u32 @!p0 $0xF7A, s2;
	p2 =	seq.s32 @!p0 s5, $0x0  }
0x1f: {  	s9 =	smul.u32 $0xF7A, s1;
	s8 =	simm.s32 @!p0 $0x1BF5;
	p2 =	por !p2, p0  }
0x20: {  	[sflag:s8] =	ssyncset.s32 @!p0 $0xFFFFF086;
	s6 =	sadd.s32 @!p0 s3, s7;
	s7 =	simm.s32 @!p0 $0x108  }
0x21: {  	s3 =	sadd.s32 s3, s9;
	s6 =	sadd.s32 @!p0 $0x88, s6;
	s7 =	simm.s32 @p2 $0x1082  }
0x22: {  	[simem:s7], [sflag:s8] =	dma.local @!p0 [hbm:s6], $0xF7A  }
0x23: {  	s9 =	sor.u32 $0xD0000000, s2;
	s6 =	simm.s32 $0x108;
	_ =	swait.ge @!p0 [sflag:s8], $0x0  }
0x24: {  	s3 =	sadd.s32 $0x88, s3;
	s6 =	simm.s32 @!p1 $0x1082;
	[sflag:s4] =	ssyncset.s32 $0xFFFFF086  }
0x25: {  	[simem:s6], [sflag:s4] =	dma.local [hbm:s3], $0xF7A  }
0x26: {  	[smem:$0x3F9F] =	sst s1;
	(tag) =	ssettag s2;
	_ =	strace s9  }
0x27: {  	s1 =	sld [smem:$0x3FAF]  }
0x28: {  	s2 =	sld [smem:$0x3FB0]  }
0x29: {  	s4 =	sld [smem:$0x3FB2]  }
0x2a: {  	p0 =	seq.s32 s5, $0x0;
	s5 =	sld [smem:$0x3FB3]  }
0x2b: {  	s6 =	sld [smem:$0x3FB4]  }
0x2c: {  	s7 =	sld [smem:$0x3FB5]  }
0x2d: {  	s3 =	simm.s32 $0x108;
	s8 =	sld [smem:$0x3FB6]  }
0x2e: {  	s3 =	simm.s32 @!p0 $0x1082;
	s9 =	sld [smem:$0x3FB7]  }
0x2f: {  	lr =	sadd.s32 s0, s3;
	s0 =	sld [smem:$0x3FAE]  }
0x30: {  	s3 =	sld [smem:$0x3FB1]  }
0x31: {  	[smem:$0x3FBA] =	sst s10  }
0x32: {  	s10 =	sld [smem:$0x3FB8];
	_ =	sdelay $0x3  }
0x33: {  	p0 =	seq.s32 s10, $0x1;
	s10 =	sld [smem:$0x3FBA];
	_ =	sdelay $0x3  }
0x34: {  	[smem:$0x3FBA] =	sst s10  }
0x35: {  	s10 =	sld [smem:$0x3FB9];
	_ =	sdelay $0x3  }
0x36: {  	p1 =	seq.s32 s10, $0x1;
	s10 =	sld [smem:$0x3FBA];
	_ =	sdelay $0x3  }
0x37: {  	[smem:$0x3FBA] =	sst s10  }
0x38: {  	s10 =	sld [smem:$0x3FBB]  }
0x39: {  	_ = 	snop;
	(pc) =	sbr.ind lr, $3  }
0x3a: {  	_ = 	snop  }
0x3b: {  	_ = 	snop  }
0x3c: {  	p2 =	seq.s32 s10, $0x1;
	s10 =	sld [smem:$0x3FBA]  }
0x3d: {  	_ =	shalt  }
0x3e: {  	_ =	shalt  }
0x3f: {  	_ =	shalt  }
0x40: {  	_ =	shalt  }
0x41: {  	_ =	shalt  }
0x42: {  	_ =	shalt  }
0x43: {  	_ =	shalt  }
0x44: {  	_ =	shalt  }
0x45: {  	_ =	shalt  }
0x46: {  	_ =	shalt  }
0x47: {  	_ =	shalt  }
0x48: {  	_ =	shalt  }
0x49: {  	_ =	shalt  }
0x4a: {  	_ =	shalt  }
0x4b: {  	_ =	shalt  }
0x4c: {  	_ =	shalt  }
0x4d: {  	_ =	shalt  }
0x4e: {  	_ =	shalt  }
0x4f: {  	_ =	shalt  }
0x50: {  	_ =	shalt  }
0x51: {  	_ =	shalt  }
0x52: {  	_ =	shalt  }
0x53: {  	_ =	shalt  }
0x54: {  	_ =	shalt  }
0x55: {  	_ =	shalt  }
0x56: {  	_ =	shalt  }
0x57: {  	_ =	shalt  }
0x58: {  	_ =	shalt  }
0x59: {  	_ =	shalt  }
0x5a: {  	_ =	shalt  }
0x5b: {  	_ =	shalt  }
0x5c: {  	_ =	shalt  }
0x5d: {  	_ =	shalt  }
0x5e: {  	_ =	shalt  }
0x5f: {  	_ =	shalt  }
0x60: {  	_ =	shalt  }
0x61: {  	_ =	shalt  }
0x62: {  	_ =	shalt  }
0x63: {  	_ =	shalt  }
0x64: {  	_ =	shalt  }
0x65: {  	_ =	shalt  }
0x66: {  	_ =	shalt  }
0x67: {  	_ =	shalt  }
0x68: {  	_ =	shalt  }
0x69: {  	_ =	shalt  }
0x6a: {  	_ =	shalt  }
0x6b: {  	_ =	shalt  }
0x6c: {  	_ =	shalt  }
0x6d: {  	_ =	shalt  }
0x6e: {  	_ =	shalt  }
0x6f: {  	_ =	shalt  }
0x70: {  	_ =	shalt  }
0x71: {  	_ =	shalt  }
0x72: {  	_ =	shalt  }
0x73: {  	_ =	shalt  }
0x74: {  	_ =	shalt  }
0x75: {  	_ =	shalt  }
0x76: {  	_ =	shalt  }
0x77: {  	_ =	shalt  }
0x78: {  	_ =	shalt  }
0x79: {  	_ =	shalt  }
0x7a: {  	_ =	shalt  }
0x7b: {  	_ =	shalt  }
0x7c: {  	_ =	shalt  }
0x7d: {  	_ =	shalt  }
0x7e: {  	_ =	shalt  }
0x7f: {  	_ =	shalt  }
0x80: {  	_ =	shalt  }
0x81: {  	_ =	shalt  }
0x82: {  	_ =	shalt  }
0x83: {  	_ =	shalt  }
0x84: {  	_ =	shalt  }
0x85: {  	_ =	shalt  }
0x86: {  	_ =	shalt  }
0x87: {  	_ =	shalt  }
.Lfunc_end0:
.L_simem_size_0:
called_computation_lowered:
.L_overlay_start_0:
0x88: {  	s2 =	sld [smem:$0x3FD9]  }
0x89: {  	s3 =	sld [smem:$0x3FFE];
	_ =	sdelay $0x1  }
0x8a: {  	s1 =	srdreg.scid  }
0x8b: {  	s0 =	sand.u32 $0x1, s1  }
0x8c: {  	s17 =	sshll.u32 s0, $0xA;
	s2 =	sadd.s32 s3, s2  }
0x8d: {  	s2 =	sadd.s32 s2, s17  }
0x8e: {  	[smem:$0x3FC6] =	sst s2  }
0x8f: {  	_ = 	snop  }
0x90: {  	s2 =	sld [smem:$0x3FC8]  }
0x91: {  	s18 =	sld [smem:$0x3FD0];
	(tm) =	ssettm $0x1  }
0x92: {  	s4 =	sld [smem:$0x3FFB];
	_ =	sdelay $0x3  }
0x93: {  	_ =	strace s4  }
0x94: {  	s4 =	sld [smem:$0x3FFC];
	_ =	sdelay $0x3  }
0x95: {  	_ =	strace s4  }
0x96: {  	s4 =	sld [smem:$0x3FFD];
	_ =	sdelay $0x3  }
0x97: {  	_ =	strace s4  }
0x98: {  	_ =	strace $0x8FFFFFFF  }
0x99: {  	s19 =	sld [smem:$0x3FDB];
	_ =	sdelay $0x1  }
0x9a: {  	s5 =	simm.s32 $_scs_section_size  }
0x9b: {  	s6 =	simm.s32 $_size__tile_overlayer_lowered;
	s7 =	simm.s32 $_tile_overlayer_lowered  }
0x9c: {  	s22 =	simm.s32 $0x1BFF;
	s21 =	sshll.u32 s7, $0x1;
	s4 =	sadd.s32 s5, s19  }
0x9d: {  	s8 =	simm.s32 $0x0;
	s20 =	sshll.u32 s6, $0x1;
	s6 =	sadd.s32 s21, s4  }
0x9e: {  	[timem:s8], [sflag:s22] =	dma.local [hbm:s6], s20  }
0x9f: {  	_ =	swait.ge [sflag:s22], s20  }
0xa0: {  	s5 =	ssub.s32 $0x0, s20;
	[sflag:s22] =	ssyncset.done $0x0  }
0xa1: {  	[sflag:s22] =	ssyncadd.s32 s5;
	_ =	sdelay $0x1  }
0xa2: {  	s23 =	simm.s32 $0x1B8B  }
0xa3: {  	_ =	swait.ge [sflag:s23], $0x1  }
0xa4: {  	[sflag:s23] =	ssyncset.done $0x0  }
0xa5: {  	s25 =	simm.s32 $0x1B8E;
	s24 =	sld [smem:$0x3FFE];
	[sflag:s23] =	ssyncadd.s32 $0xFFFFFFFF  }
0xa6: {  	s26 =	simm.s32 $execute0_lowered;
	[smem:$0x3FD2] =	sst s25  }
0xa7: {  	s6 =	sshll.u32 s26, $0x1;
	_ =	strace $0x80000046;
	[dreg:$0x1] =	wrdreg $0xFFFFFFFF  }
0xa8: {  	s28 =	simm.s32 $_size_execute0_lowered;
	s4 =	sadd.s32 s4, s6;
	[dreg:$0x0] =	wrdreg $0x0  }
0xa9: {  	s6 =	sshll.u32 s28, $0x1;
	[dreg:$0x2] =	wrdreg s4  }
0xaa: {  	[dreg:$0x3] =	wrdreg s6  }
0xab: {  	[dreg:$0x4] =	wrdreg $0xC0  }
0xac: {  	_ =	task [dreg:s8], $0x5FFFF  }
0xad: {  	[dreg:$0x1] =	wrdreg $0xFFFFFFFF  }
0xae: {  	[dreg:$0x0] =	wrdreg $0x60  }
0xaf: {  	[dreg:$0x2] =	wrdreg s24  }
0xb0: {  	[dreg:$0x3] =	wrdreg s2  }
0xb1: {  	[dreg:$0x4] =	wrdreg s18  }
0xb2: {  	[dreg:$0x5] =	wrdreg $0x0  }
0xb3: {  	[dreg:$0x6] =	wrdreg $0xC3800  }
0xb4: {  	[dreg:$0x7] =	wrdreg $0x9  }
0xb5: {  	_ =	task.clear_ibuf [dreg:s8], $0x8FFFF;
	_ =	strace $0x90000046  }
0xb6: {  	s29 =	simm.s32 $0x9;
	_ =	strace $0x80000048  }
0xb7: {  	_ =	swait.ge [sflag:s29], $0x1  }
0xb8: {  	[sflag:s29] =	ssyncadd.s32 $0xFFFFFFFF  }
0xb9: {  	_ =	strace $0x90000048  }
0xba: {  	_ =	sfence  }
0xbb: {  	s30 =	sld [smem:$0x0];
	_ =	sdelay $0x2  }
0xbc: {  	s31 =	sshll.u32 s1, $0xD;
	s1 =	sshrl.u32 s1, $0x2  }
0xbd: {  	s3 =	sand.u32 $0x4000, s31;
	s1 =	sadd.s32 s1, s30  }
0xbe: {  	s0 =	sor.u32 s3, s0;
	s1 =	sshll.u32 s1, $0x11  }
0xbf: {  	s0 =	sor.u32 s1, s0  }
0xc0: {  	s0 =	sadd.s32 $0x8F2B, s0  }
0xc1: {  	[sflag:s0] =	ssyncadd.remote.s32 $0x1  }
0xc2: {  	_ =	sfence.sel $0xFFFF  }
0xc3: {  	[dreg:$0x0] =	wrdreg $0xFFFFFFFF;
	(pc) =	sbr.abs _section_cstart, $3  }
0xc4: {  	[dreg:$0x1] =	wrdreg $0xFFFFFFFF  }
0xc5: {  	_ =	task.clear_ibuf [dreg:s8], $0x2FFFF;
	_ =	strace $0x9FFFFFFF  }
0xc6: {  	(tm) =	ssettm $0x7FFFFFFF  }
0xc7: {  	_ =	shalt  }
tec
execute0_lowered:
.L_overlay_start_1:
0x0: {  	(tag) =	ssettag $0x1  }
0x1: {  	s0 =	rddreg [dreg:$0x0]  }
0x2: {  	s9 =	rddreg [dreg:$0x1]  }
0x3: {  	s3 =	rddreg [dreg:$0x3]  }
0x4: {  	s4 =	rddreg [dreg:$0x4];
	s2 =	simm.s32 $0x0  }
0x5: {  	[smem:$0x7FF] =	sst s2;
	s10 =	sadd.s32 $0x10, s9  }
0x6: {  	s18 =	sadd.s32 $0x20, s9;
	_ =	strace $0x80000047;
	[dreg:$0x6] =	wrdreg s10  }
0x7: {  	s19 =	sadd.s32 $0x30, s9;
	[dreg:$0x9] =	wrdreg s18  }
0x8: {  	s12 =	sadd.s32 $0x40, s9;
	[dreg:$0xa] =	wrdreg s19  }
0x9: {  	s22 =	sadd.s32 $0x50, s9;
	[dreg:$0xb] =	wrdreg s12  }
0xa: {  	s23 =	sadd.s32 $0x60, s9;
	[dreg:$0xf] =	wrdreg s22  }
0xb: {  	s25 =	sadd.s32 $0x400, s0;
	[dreg:$0x10] =	wrdreg s23  }
0xc: {  	s26 =	sadd.s32 $0x410, s0;
	[dreg:$0x15] =	wrdreg s25  }
0xd: {  	s1 =	srdreg.scid;
	s28 =	sadd.s32 $0x420, s0;
	[dreg:$0x16] =	wrdreg s26  }
0xe: {  	s17 =	stileid.u32;
	s29 =	sadd.s32 $0x430, s0;
	[dreg:$0x17] =	wrdreg s28  }
0xf: {  	s1 =	sand.u32 $0x1, s1;
	s30 =	sadd.s32 $0x440, s0;
	[dreg:$0x18] =	wrdreg s29  }
0x10: {  	s5 =	sshll.u32 s17, $0x8;
	s13 =	sadd.s32 $0x450, s0;
	[dreg:$0x19] =	wrdreg s30  }
0x11: {  	s14 =	sadd.s32 $0x460, s0;
	s8 =	smul.u32 $0x4F6C00, s1;
	[dreg:$0x1a] =	wrdreg s13  }
0x12: {  	s5 =	sadd.s32 s5, s0;
	s0 =	sadd.s32 $0x470, s0;
	[dreg:$0x1b] =	wrdreg s14  }
0x13: {  	[dreg:$0x1c] =	wrdreg s0;
	s11 =	sadd.s32 s9, s8  }
0x14: {  	s10 =	sadd.s32 s8, s10;
	[dreg:$0x7] =	wrdreg s11  }
0x15: {  	s20 =	sadd.s32 s8, s19;
	[dreg:$0x8] =	wrdreg s10  }
0x16: {  	s21 =	sadd.s32 s8, s12;
	[dreg:$0xd] =	wrdreg s20  }
0x17: {  	s6 =	ssub.s32 $0x2, s1;
	s24 =	sadd.s32 s8, s23;
	[dreg:$0xe] =	wrdreg s21  }
0x18: {  	s7 =	sshrl.u32 s6, $0x1;
	s9 =	sadd.s32 $0x70, s9;
	[dreg:$0x13] =	wrdreg s24  }
0x19: {  	s7 =	ssub.s32 s6, s7;
	s10 =	sadd.s32 s8, s18;
	[dreg:$0x11] =	wrdreg s9  }
0x1a: {  	s6 =	smul.u32 $0xD, s1;
	s15 =	smax.u32 s7, $0x1;
	[dreg:$0xc] =	wrdreg s10  }
0x1b: {  	s1 =	smul.u32 $0x1A00, s1;
	s10 =	sadd.s32 s8, s22;
	[smem:$0x7DF] =	sst s15  }
0x1c: {  	s8 =	sadd.s32 s8, s9;
	[dreg:$0x12] =	wrdreg s10  }
0x1d: {  	s31 =	sadd.s32 s1, s26;
	[dreg:$0x14] =	wrdreg s8  }
0x1e: {  	s9 =	sadd.s32 s1, s28;
	[dreg:$0x1e] =	wrdreg s31  }
0x1f: {  	s11 =	sadd.s32 s1, s30;
	[dreg:$0x1f] =	wrdreg s9  }
0x20: {  	p0 =	sne.s32 s17, $0x0;
	s12 =	sadd.s32 s1, s13;
	[smem:$0x7DA] =	sst s11  }
0x21: {  	p1 =	seq.s32 s17, $0x0;
	s13 =	sadd.s32 s1, s14;
	[smem:$0x7DB] =	sst s12  }
0x22: {  	s21 =	sshll.u32 s17, $0xB;
	s0 =	sadd.s32 s1, s0;
	[smem:$0x7DC] =	sst s13  }
0x23: {  	s17 =	sadd.s32 $0x18700, s4;
	s14 =	sadd.s32 $0x3800, s5;
	[smem:$0x7DD] =	sst s0  }
0x24: {  	s18 =	sadd.s32 $0x30D80, s4;
	s19 =	sshrl.u32 s17, $0x3;
	[smem:$0x7DE] =	sst s14  }
0x25: {  	s24 =	sadd.s32 $0x49500, s4;
	s20 =	sshrl.u32 s18, $0x3;
	[smem:$0x7E1] =	sst s19  }
0x26: {  	s26 =	sshrl.u32 s24, $0x3;
	[smem:$0x7E2] =	sst s20  }
0x27: {  	s15 =	sadd.s32 $0x18680, s3;
	[smem:$0x7E5] =	sst s26  }
0x28: {  	s17 =	sadd.s32 $0x30D80, s3;
	[smem:$0x7EF] =	sst s15  }
0x29: {  	s18 =	sadd.s32 $0x30E00, s3;
	[smem:$0x7F1] =	sst s17  }
0x2a: {  	s24 =	sadd.s32 $0x7A280, s3;
	[smem:$0x7F2] =	sst s18  }
0x2b: {  	s8 =	sadd.s32 s25, s1;
	[smem:$0x7F7] =	sst s24  }
0x2c: {  	s16 =	sadd.s32 $0x18680, s4;
	s10 =	sadd.s32 s1, s29;
	[dreg:$0x1d] =	wrdreg s8  }
0x2d: {  	s23 =	sadd.s32 $0x49480, s4;
	s0 =	sshrl.u32 s16, $0x3;
	[smem:$0x7D9] =	sst s10  }
0x2e: {  	s30 =	sadd.s32 $0x7A280, s4;
	s25 =	sshrl.u32 s23, $0x3;
	[smem:$0x7E0] =	sst s0  }
0x2f: {  	s7 =	sadd.s32 $0x92A00, s4;
	s1 =	sshrl.u32 s30, $0x3;
	[smem:$0x7E4] =	sst s25  }
0x30: {  	s2 =	sadd.s32 $0x7A300, s4;
	s9 =	sshrl.u32 s7, $0x3;
	[smem:$0x7E8] =	sst s1  }
0x31: {  	s22 =	sadd.s32 $0x30E00, s4;
	s16 =	sadd.s32 $0x18700, s3;
	[smem:$0x7EB] =	sst s9  }
0x32: {  	s28 =	sadd.s32 $0x61B80, s4;
	s19 =	sadd.s32 $0x49480, s3;
	[smem:$0x7F0] =	sst s16  }
0x33: {  	s5 =	sadd.s32 $0x92980, s4;
	s20 =	sadd.s32 $0x49500, s3;
	[smem:$0x7F3] =	sst s19  }
0x34: {  	s29 =	sadd.s32 $0x61C00, s4;
	s23 =	sadd.s32 $0x61C00, s3;
	[smem:$0x7F4] =	sst s20  }
0x35: {  	s11 =	sadd.s32 $0xAB100, s4;
	s26 =	sadd.s32 $0x92980, s3;
	[smem:$0x7F6] =	sst s23  }
0x36: {  	s12 =	sadd.s32 $0xC3780, s4;
	s30 =	sadd.s32 $0xAB100, s3;
	[smem:$0x7F9] =	sst s26  }
0x37: {  	s15 =	simm.s32 $0x80;
	s0 =	sshrl.u32 s22, $0x3;
	[smem:$0x7FC] =	sst s30  }
0x38: {  	s7 =	simm.s32 $0x19E00;
	s31 =	sshrl.u32 s29, $0x3;
	[smem:$0x7E3] =	sst s0  }
0x39: {  	s17 =	simm.s32 $0x2;
	s8 =	sshrl.u32 s5, $0x3;
	[smem:$0x7E7] =	sst s31  }
0x3a: {  	s18 =	simm.s32 $0x3;
	s13 =	sshrl.u32 s11, $0x3;
	[smem:$0x7EA] =	sst s8  }
0x3b: {  	s10 =	sadd.s32 $0xAB080, s4;
	s14 =	sshrl.u32 s12, $0x3;
	[smem:$0x7ED] =	sst s13  }
0x3c: {  	s22 =	sadd.s32 $0x61B80, s3;
	s25 =	sadd.s32 $0x7A300, s3;
	[smem:$0x7EE] =	sst s14  }
0x3d: {  	s29 =	sadd.s32 $0xAB080, s3;
	s19 =	simm.s32 $0x1C01;
	[smem:$0x7F5] =	sst s22  }
0x3e: {  	s1 =	simm.s32 $0x19700;
	s9 =	simm.s32 $0x19600;
	[smem:$0x7F8] =	sst s25  }
0x3f: {  	s11 =	simm.s32 $0x19A80;
	s0 =	sshrl.u32 s28, $0x3;
	[smem:$0x7FB] =	sst s29  }
0x40: {  	s12 =	simm.s32 $0x19680;
	s28 =	sadd.s32 $0x92A00, s3;
	[smem:$0x7E6] =	sst s0  }
0x41: {  	s16 =	simm.s32 $0x19E80;
	s31 =	sadd.s32 $0xC3780, s3;
	[smem:$0x7FA] =	sst s28  }
0x42: {  	s13 =	simm.s32 $0x1;
	s0 =	sshrl.u32 s2, $0x3;
	[smem:$0x7FD] =	sst s31  }
0x43: {  	s14 =	simm.s32 $0x10;
	[smem:$0x7E9] =	sst s0;
	s0 =	sshrl.u32 s10, $0x3  }
0x44: {  	s2 =	simm.s32 $0x0;
	s10 =	simm.s32 $0x19280;
	[smem:$0x7EC] =	sst s0  }
.LBB2_1:
0x45: {  	[smem:$0x7D8] =	sst s2  }
0x46: {  	s2 =	sshrl.u32 @!p0 s3, $0x3;
	s5 =	simm.s32 @!p0 $0x1;
	s22 =	simm.s32 @!p0 $0x10  }
0x47: {  	s23 =	simm.s32 @!p0 $0x80;
	s24 =	simm.s32 @!p0 $0x1C01;
	s0 =	rddreg [dreg:$0x7]  }
0x48: {  	[spmem:s2@s22], [sflag:s24] =	dma.strided @!p0 [hbm:s0@s23], $0x30D0, s5, $0x10   }
0x49: {  	s0 =	sld [smem:$0x7EF];
	_ =	sdelay $0x2  }
0x4a: {  	s2 =	sshrl.u32 @!p0 s0, $0x3;
	s0 =	rddreg [dreg:$0x1d]  }
0x4b: {  	[spmem:s2], [sflag:s24] =	dma.local @!p0 [hbm:s0], $0x10  }
0x4c: {  	s0 =	sld [smem:$0x7F0];
	_ =	sdelay $0x2  }
0x4d: {  	s2 =	sshrl.u32 @!p0 s0, $0x3;
	s0 =	rddreg [dreg:$0x8]  }
0x4e: {  	[spmem:s2@s22], [sflag:s24] =	dma.strided @!p0 [hbm:s0@s23], $0x30D0, s5, $0x10   }
0x4f: {  	s0 =	sld [smem:$0x7F1];
	_ =	sdelay $0x2  }
0x50: {  	s2 =	sshrl.u32 @!p0 s0, $0x3;
	s0 =	rddreg [dreg:$0x1e]  }
0x51: {  	[spmem:s2], [sflag:s24] =	dma.local @!p0 [hbm:s0], $0x10  }
0x52: {  	s0 =	sld [smem:$0x7F2];
	_ =	sdelay $0x2  }
0x53: {  	s2 =	sshrl.u32 @!p0 s0, $0x3;
	s0 =	rddreg [dreg:$0xc]  }
0x54: {  	[spmem:s2@s22], [sflag:s24] =	dma.strided @!p0 [hbm:s0@s23], $0x30D0, s5, $0x10   }
0x55: {  	s0 =	sld [smem:$0x7F3];
	_ =	sdelay $0x2  }
0x56: {  	s2 =	sshrl.u32 @!p0 s0, $0x3;
	s0 =	rddreg [dreg:$0x1f]  }
0x57: {  	[spmem:s2], [sflag:s24] =	dma.local @!p0 [hbm:s0], $0x10  }
0x58: {  	s0 =	sld [smem:$0x7F4];
	_ =	sdelay $0x2  }
0x59: {  	s2 =	sshrl.u32 @!p0 s0, $0x3;
	s0 =	rddreg [dreg:$0xd]  }
0x5a: {  	[spmem:s2@s22], [sflag:s24] =	dma.strided @!p0 [hbm:s0@s23], $0x30D0, s5, $0x10   }
0x5b: {  	s0 =	sld [smem:$0x7F5];
	_ =	sdelay $0x2  }
0x5c: {  	s2 =	sshrl.u32 @!p0 s0, $0x3;
	s0 =	sld [smem:$0x7D9];
	_ =	sdelay $0x2  }
0x5d: {  	[spmem:s2], [sflag:s24] =	dma.local @!p0 [hbm:s0], $0x10  }
0x5e: {  	s0 =	sld [smem:$0x7F6];
	_ =	sdelay $0x2  }
0x5f: {  	s2 =	sshrl.u32 @!p0 s0, $0x3;
	s0 =	rddreg [dreg:$0xe]  }
0x60: {  	[spmem:s2@s22], [sflag:s24] =	dma.strided @!p0 [hbm:s0@s23], $0x30D0, s5, $0x10   }
0x61: {  	s0 =	sld [smem:$0x7F7];
	_ =	sdelay $0x2  }
0x62: {  	s2 =	sshrl.u32 @!p0 s0, $0x3;
	s0 =	sld [smem:$0x7DA];
	_ =	sdelay $0x2  }
0x63: {  	[spmem:s2], [sflag:s24] =	dma.local @!p0 [hbm:s0], $0x10  }
0x64: {  	s0 =	sld [smem:$0x7F8];
	_ =	sdelay $0x2  }
0x65: {  	s2 =	sshrl.u32 @!p0 s0, $0x3;
	s0 =	rddreg [dreg:$0x12]  }
0x66: {  	[spmem:s2@s22], [sflag:s24] =	dma.strided @!p0 [hbm:s0@s23], $0x30D0, s5, $0x10   }
0x67: {  	s0 =	sld [smem:$0x7F9];
	_ =	sdelay $0x2  }
0x68: {  	s2 =	sshrl.u32 @!p0 s0, $0x3;
	s0 =	sld [smem:$0x7DB];
	_ =	sdelay $0x2  }
0x69: {  	[spmem:s2], [sflag:s24] =	dma.local @!p0 [hbm:s0], $0x10  }
0x6a: {  	s0 =	sld [smem:$0x7FA];
	_ =	sdelay $0x2  }
0x6b: {  	s2 =	sshrl.u32 @!p0 s0, $0x3;
	s0 =	rddreg [dreg:$0x13]  }
0x6c: {  	[spmem:s2@s22], [sflag:s24] =	dma.strided @!p0 [hbm:s0@s23], $0x30D0, s5, $0x10   }
0x6d: {  	s0 =	sld [smem:$0x7FB];
	_ =	sdelay $0x2  }
0x6e: {  	s2 =	sshrl.u32 @!p0 s0, $0x3;
	s0 =	sld [smem:$0x7DC];
	_ =	sdelay $0x2  }
0x6f: {  	[spmem:s2], [sflag:s24] =	dma.local @!p0 [hbm:s0], $0x10  }
0x70: {  	s0 =	sld [smem:$0x7FC];
	_ =	sdelay $0x2  }
0x71: {  	s2 =	sshrl.u32 @!p0 s0, $0x3;
	s0 =	rddreg [dreg:$0x14]  }
0x72: {  	[spmem:s2@s22], [sflag:s24] =	dma.strided @!p0 [hbm:s0@s23], $0x30D0, s5, $0x10   }
0x73: {  	s0 =	sld [smem:$0x7FD];
	_ =	sdelay $0x2  }
0x74: {  	s2 =	sshrl.u32 @!p0 s0, $0x3;
	s0 =	sld [smem:$0x7DD];
	_ =	sdelay $0x1  }
0x75: {  	s22 =	simm.s32 $0x0  }
0x76: {  	[spmem:s2], [sflag:s24] =	dma.local @!p0 [hbm:s0], $0x10  }
.LBB2_2:
.Ltmp0:
0x77: {  	(pc) =	sbr.rel @p1 .LBB2_4-.Ltmp0, $3  }
0x78: {  	_ =	sdelay $0x1  }
0x79: {  	s2 =	sshrl.u32 s22, $0x1  }
0x7a: {  	s25 =	sshll.u32 s22, $0x1;
	s26 =	sadd.s32 s6, s2  }
.Ltmp1:
0x7b: {  	(pc) =	sbr.rel .LBB2_5-.Ltmp1, $3  }
0x7c: {  	_ =	sdelay $0x1  }
0x7d: {  	[bflag:$0x0] =	sbarrier.arrive $0xFFFF  }
0x7e: {  	s23 =	sor.u32 $0x1, s25  }
.LBB2_4:
0x7f: {  	_ =	swait.ge [sflag:s13], $0x30D0  }
0x80: {  	[sflag:s13] =	ssyncset.done $0x0  }
0x81: {  	[sflag:s13] =	ssyncadd.s32 $0xFFFFCF30  }
0x82: {  	_ =	swait.ge [sflag:s13], $0x10  }
0x83: {  	[sflag:s13] =	ssyncset.done $0x0  }
0x84: {  	[sflag:s13] =	ssyncadd.s32 $0xFFFFFFF0  }
0x85: {  	_ =	swait.ge [sflag:s13], $0x30D0  }
0x86: {  	[sflag:s13] =	ssyncset.done $0x0  }
0x87: {  	[sflag:s13] =	ssyncadd.s32 $0xFFFFCF30  }
0x88: {  	_ =	swait.ge [sflag:s13], $0x10  }
0x89: {  	[sflag:s13] =	ssyncset.done $0x0  }
0x8a: {  	[sflag:s13] =	ssyncadd.s32 $0xFFFFFFF0  }
0x8b: {  	_ =	swait.ge [sflag:s13], $0x30D0  }
0x8c: {  	[sflag:s13] =	ssyncset.done $0x0  }
0x8d: {  	[sflag:s13] =	ssyncadd.s32 $0xFFFFCF30  }
0x8e: {  	_ =	swait.ge [sflag:s13], $0x10  }
0x8f: {  	[sflag:s13] =	ssyncset.done $0x0  }
0x90: {  	[sflag:s13] =	ssyncadd.s32 $0xFFFFFFF0  }
0x91: {  	_ =	swait.ge [sflag:s13], $0x30D0  }
0x92: {  	[sflag:s13] =	ssyncset.done $0x0  }
0x93: {  	[sflag:s13] =	ssyncadd.s32 $0xFFFFCF30  }
0x94: {  	_ =	swait.ge [sflag:s13], $0x10  }
0x95: {  	[sflag:s13] =	ssyncset.done $0x0  }
0x96: {  	[sflag:s13] =	ssyncadd.s32 $0xFFFFFFF0  }
0x97: {  	_ =	swait.ge [sflag:s13], $0x30D0  }
0x98: {  	[sflag:s13] =	ssyncset.done $0x0  }
0x99: {  	[sflag:s13] =	ssyncadd.s32 $0xFFFFCF30  }
0x9a: {  	_ =	swait.ge [sflag:s13], $0x10  }
0x9b: {  	[sflag:s13] =	ssyncset.done $0x0  }
0x9c: {  	[sflag:s13] =	ssyncadd.s32 $0xFFFFFFF0  }
0x9d: {  	_ =	swait.ge [sflag:s13], $0x30D0  }
0x9e: {  	[sflag:s13] =	ssyncset.done $0x0  }
0x9f: {  	[sflag:s13] =	ssyncadd.s32 $0xFFFFCF30  }
0xa0: {  	_ =	swait.ge [sflag:s13], $0x10  }
0xa1: {  	[sflag:s13] =	ssyncset.done $0x0  }
0xa2: {  	[sflag:s13] =	ssyncadd.s32 $0xFFFFFFF0  }
0xa3: {  	_ =	swait.ge [sflag:s13], $0x30D0  }
0xa4: {  	[sflag:s13] =	ssyncset.done $0x0  }
0xa5: {  	[sflag:s13] =	ssyncadd.s32 $0xFFFFCF30  }
0xa6: {  	_ =	swait.ge [sflag:s13], $0x10  }
0xa7: {  	[sflag:s13] =	ssyncset.done $0x0  }
0xa8: {  	[sflag:s13] =	ssyncadd.s32 $0xFFFFFFF0  }
0xa9: {  	_ =	swait.ge [sflag:s13], $0x30D0  }
0xaa: {  	[sflag:s13] =	ssyncset.done $0x0  }
0xab: {  	s23 =	sor.u32 $0x1, s25;
	[sflag:s13] =	ssyncadd.s32 $0xFFFFCF30  }
0xac: {  	s5 =	smul.u32 $0x30E000, s26;
	s2 =	sand.u32 $0x3, s23;
	_ =	swait.ge [sflag:s13], $0x10  }
0xad: {  	s24 =	smul.u32 $0xC3800, s2;
	[sflag:s13] =	ssyncset.done $0x0  }
0xae: {  	[sflag:s13] =	ssyncadd.s32 $0xFFFFFFF0  }
0xaf: {  	s5 =	sadd.s32 s5, s24;
	[bflag:$0x0] =	sbarrier.arrive $0xFFFF  }
0xb0: {  	s5 =	sshrl.u32 s5, $0x3;
	s0 =	rddreg [dreg:$0x1]  }
0xb1: {  	s28 =	sshrl.u32 s4, $0x3;
	s8 =	sadd.s32 s0, s5  }
0xb2: {  	[spmem:s28@s14], [sflag:s19] =	dma.strided [hbm:s8@s15], $0x30D0, s13, $0x10   }
0xb3: {  	s20 =	sshll.u32 s26, $0x9;
	s2 =	sshll.u32 s2, $0x7;
	s29 =	sld [smem:$0x7E0]  }
0xb4: {  	s2 =	sor.u32 s20, s2;
	s28 =	rddreg [dreg:$0x15]  }
0xb5: {  	s24 =	sadd.s32 s28, s2  }
0xb6: {  	[spmem:s29], [sflag:s19] =	dma.local [hbm:s24], $0x10  }
0xb7: {  	s31 =	sld [smem:$0x7E1]  }
0xb8: {  	s0 =	rddreg [dreg:$0x6]  }
0xb9: {  	s30 =	sadd.s32 s5, s0  }
0xba: {  	[spmem:s31@s14], [sflag:s19] =	dma.strided [hbm:s30@s15], $0x30D0, s13, $0x10   }
0xbb: {  	s20 =	sld [smem:$0x7E2]  }
0xbc: {  	s0 =	rddreg [dreg:$0x16]  }
0xbd: {  	s8 =	sadd.s32 s2, s0  }
0xbe: {  	[spmem:s20], [sflag:s19] =	dma.local [hbm:s8], $0x10  }
0xbf: {  	s29 =	sld [smem:$0x7E3]  }
0xc0: {  	s0 =	rddreg [dreg:$0x9]  }
0xc1: {  	s28 =	sadd.s32 s5, s0  }
0xc2: {  	[spmem:s29@s14], [sflag:s19] =	dma.strided [hbm:s28@s15], $0x30D0, s13, $0x10   }
0xc3: {  	s31 =	sld [smem:$0x7E4]  }
0xc4: {  	s0 =	rddreg [dreg:$0x17]  }
0xc5: {  	s30 =	sadd.s32 s2, s0  }
0xc6: {  	[spmem:s31], [sflag:s19] =	dma.local [hbm:s30], $0x10  }
0xc7: {  	s20 =	sld [smem:$0x7E5]  }
0xc8: {  	s0 =	rddreg [dreg:$0xa]  }
0xc9: {  	s8 =	sadd.s32 s5, s0  }
0xca: {  	[spmem:s20@s14], [sflag:s19] =	dma.strided [hbm:s8@s15], $0x30D0, s13, $0x10   }
0xcb: {  	s29 =	sld [smem:$0x7E6]  }
0xcc: {  	s0 =	rddreg [dreg:$0x18]  }
0xcd: {  	s28 =	sadd.s32 s2, s0  }
0xce: {  	[spmem:s29], [sflag:s19] =	dma.local [hbm:s28], $0x10  }
0xcf: {  	s31 =	sld [smem:$0x7E7]  }
0xd0: {  	s0 =	rddreg [dreg:$0xb]  }
0xd1: {  	s30 =	sadd.s32 s5, s0  }
0xd2: {  	[spmem:s31@s14], [sflag:s19] =	dma.strided [hbm:s30@s15], $0x30D0, s13, $0x10   }
0xd3: {  	s20 =	sld [smem:$0x7E8]  }
0xd4: {  	s0 =	rddreg [dreg:$0x19]  }
0xd5: {  	s8 =	sadd.s32 s2, s0  }
0xd6: {  	[spmem:s20], [sflag:s19] =	dma.local [hbm:s8], $0x10  }
0xd7: {  	s29 =	sld [smem:$0x7E9]  }
0xd8: {  	s0 =	rddreg [dreg:$0xf]  }
0xd9: {  	s28 =	sadd.s32 s5, s0  }
0xda: {  	[spmem:s29@s14], [sflag:s19] =	dma.strided [hbm:s28@s15], $0x30D0, s13, $0x10   }
0xdb: {  	s31 =	sld [smem:$0x7EA]  }
0xdc: {  	s0 =	rddreg [dreg:$0x1a]  }
0xdd: {  	s30 =	sadd.s32 s2, s0  }
0xde: {  	[spmem:s31], [sflag:s19] =	dma.local [hbm:s30], $0x10  }
0xdf: {  	s20 =	sld [smem:$0x7EB]  }
0xe0: {  	s0 =	rddreg [dreg:$0x10]  }
0xe1: {  	s8 =	sadd.s32 s5, s0  }
0xe2: {  	[spmem:s20@s14], [sflag:s19] =	dma.strided [hbm:s8@s15], $0x30D0, s13, $0x10   }
0xe3: {  	s29 =	sld [smem:$0x7EC]  }
0xe4: {  	s0 =	rddreg [dreg:$0x1b]  }
0xe5: {  	s28 =	sadd.s32 s2, s0  }
0xe6: {  	[spmem:s29], [sflag:s19] =	dma.local [hbm:s28], $0x10  }
0xe7: {  	s30 =	sld [smem:$0x7ED]  }
0xe8: {  	s0 =	rddreg [dreg:$0x11]  }
0xe9: {  	s5 =	sadd.s32 s5, s0  }
0xea: {  	[spmem:s30@s14], [sflag:s19] =	dma.strided [hbm:s5@s15], $0x30D0, s13, $0x10   }
0xeb: {  	s31 =	sld [smem:$0x7EE]  }
0xec: {  	s0 =	rddreg [dreg:$0x1c]  }
0xed: {  	s2 =	sadd.s32 s2, s0  }
0xee: {  	[spmem:s31], [sflag:s19] =	dma.local [hbm:s2], $0x10  }
.LBB2_5:
0xef: {  	s28 =	sand.u32 $0x2, s25  }
0xf0: {  	s0 =	sld [smem:$0x7DE];
	p2 =	sne.s32 s28, $0x0  }
0xf1: {  	s2 =	sshll.u32 @!p2 s26, $0x9  }
0xf2: {  	s5 =	simm.s32 @!p2 $0x0;
	s2 =	sand.u32 @!p2 $0x3000, s2  }
0xf3: {  	s24 =	simm.s32 @!p2 $0x18700;
	s2 =	sadd.s32 @!p2 s2, s0;
	s0 =	sshll.u32 s26, $0x7  }
0xf4: {  	[tilespmem:s24], [sflag:$0x3] =	stream.linear.gather @!p2 [hbm4b:s2+s5], $0x800, $0x38;
	[tilespmem:$0x19F00] =	vst v63  }
0xf5: {  	s29 =	simm.s32 $0x0;
	s5 =	simm.s32 @!p2 $0x3;
	s2 =	sand.u32 $0x380, s0  }
0xf6: {  	s8 =	sand.u32 $0x400, s29;
	_ =	swait.ge @!p2 [sflag:s5], $0x800;
	s24 =	sadd.s32 $0x18700, s2  }
0xf7: {  	s30 =	sand.u32 $0x70, s29;
	[sflag:s5] =	ssyncset.done @!p2 $0x0;
	s20 =	sadd.s32 s8, s24  }
0xf8: {  	[sflag:s5] =	ssyncadd.s32 @!p2 $0xFFFFF800;
	s31 =	sadd.s32 s30, s20  }
0xf9: {  	v1 =	vld [tilespmem:s31+$0x0];
	_ =	sdelay $0x3  }
0xfa: {  	s2 =	sor.u32 s30, s8  }
0xfb: {  	s5 =	sadd.s32 $0x18F00, s2;
	[tilespmem:s2+$0x18F00] =	vst v1;
	v2 =	vadd.s32 $0x18700, v1;
	v4 =	vadd.s32 $0x30E00, v1;
	v0 =	vadd.s32 $0xAB100, v1  }
0xfc: {  	s30 =	sor.u32 s29, s29;
	s2 =	simm.s32 $0x10;
	v3 =	vadd.s32 $0x49500, v1;
	v5 =	vadd.s32 $0x92A00, v1;
	[tilespmem:s5+$0x80] =	vst v2;
	v2 =	vadd.s32 $0x61C00, v1  }
.LBB2_6:
0xfd: {  	p2 =	sne.s32 s2, $0xF0  }
0xfe: {  	[tilespmem:s5+$0x100] =	vst v4;
	v1 =	vadd.s32 $0x7A300, v1;
	s29 =	sadd.s32 $0x80, s29;
	s20 =	smov.u32 s2;
	s2 =	sadd.s32 $0x10, s2  }
0xff: {  	s31 =	sor.u32 s29, s20;
	[tilespmem:s5+$0x300] =	vst v5  }
0x100: {  	[tilespmem:s5+$0x280] =	vst v1  }
0x101: {  	s8 =	sor.u32 $0x380, s30;
	s0 =	sand.u32 $0x400, s29;
	s30 =	smov.u32 s31;
	[tilespmem:s5+$0x180] =	vst v3  }
0x102: {  	s20 =	sand.u32 $0x70, s20;
	s31 =	sadd.s32 s0, s24;
	[tilespmem:s5+$0x200] =	vst v2  }
0x103: {  	s0 =	sor.u32 s20, s0;
	s5 =	sadd.s32 s20, s31;
	[tilespmem:s8+$0x18F00] =	vst v0  }
0x104: {  	v1 =	vld [tilespmem:s5+$0x0];
	_ =	sdelay $0x1  }
.Ltmp2:
0x105: {  	(pc) =	sbr.rel @p2 .LBB2_6-.Ltmp2, $3  }
0x106: {  	_ =	sdelay $0x1  }
0x107: {  	s5 =	sadd.s32 $0x18F00, s0;
	[tilespmem:s0+$0x18F00] =	vst v1;
	v2 =	vadd.s32 $0x18700, v1;
	v4 =	vadd.s32 $0x30E00, v1;
	v0 =	vadd.s32 $0xAB100, v1  }
0x108: {  	v3 =	vadd.s32 $0x49500, v1;
	v5 =	vadd.s32 $0x92A00, v1;
	[tilespmem:s5+$0x80] =	vst v2;
	v2 =	vadd.s32 $0x61C00, v1  }
0x109: {  	[tilespmem:s5+$0x100] =	vst v4  }
0x10a: {  	[tilespmem:s5+$0x300] =	vst v5  }
0x10b: {  	[tilespmem:s5+$0x180] =	vst v3  }
0x10c: {  	v1 =	vadd.s32 $0x7A300, v1;
	[tilespmem:s5+$0x200] =	vst v2  }
0x10d: {  	s0 =	sor.u32 $0x380, s30;
	[tilespmem:s5+$0x280] =	vst v1  }
0x10e: {  	s29 =	simm.s32 $0x18F00;
	[tilespmem:s0+$0x18F00] =	vst v0  }
0x10f: {  	[tilespmem:s1], [sflag:$0x2] =	stream.indirect.gather [spmem:s3], $0x1, s29, s15, $0xb8;
	[tilespmem:$0x19F00] =	vst v63  }
0x110: {  	s30 =	simm.s32 $0x19300;
	s2 =	simm.s32 $0x19B00  }
0x111: {  	[tilespmem:s2], [sflag:$0x2] =	stream.indirect.gather [spmem:s3], $0x1, s30, s15, $0xb8;
	[tilespmem:$0x19F00] =	vst v63  }
0x112: {  	s5 =	simm.s32 $0x19780;
	s2 =	simm.s32 $0x18F80  }
0x113: {  	[tilespmem:s5], [sflag:$0x2] =	stream.indirect.gather [spmem:s3], $0x1, s2, s15, $0xb8;
	[tilespmem:$0x19F00] =	vst v63  }
0x114: {  	s8 =	simm.s32 $0x19380;
	s20 =	simm.s32 $0x19B80  }
0x115: {  	[tilespmem:s20], [sflag:$0x2] =	stream.indirect.gather [spmem:s3], $0x1, s8, s15, $0xb8;
	[tilespmem:$0x19F00] =	vst v63  }
0x116: {  	s29 =	simm.s32 $0x19000;
	s30 =	simm.s32 $0x19800  }
0x117: {  	[tilespmem:s30], [sflag:$0x2] =	stream.indirect.gather [spmem:s3], $0x1, s29, s15, $0xb8;
	[tilespmem:$0x19F00] =	vst v63  }
0x118: {  	s2 =	simm.s32 $0x19400;
	s5 =	simm.s32 $0x19C00  }
0x119: {  	[tilespmem:s5], [sflag:$0x2] =	stream.indirect.gather [spmem:s3], $0x1, s2, s15, $0xb8;
	[tilespmem:$0x19F00] =	vst v63  }
0x11a: {  	s8 =	simm.s32 $0x19080;
	s20 =	simm.s32 $0x19880  }
0x11b: {  	[tilespmem:s20], [sflag:$0x2] =	stream.indirect.gather [spmem:s3], $0x1, s8, s15, $0xb8;
	[tilespmem:$0x19F00] =	vst v63  }
0x11c: {  	s29 =	simm.s32 $0x19480;
	s30 =	simm.s32 $0x19C80  }
0x11d: {  	[tilespmem:s30], [sflag:$0x2] =	stream.indirect.gather [spmem:s3], $0x1, s29, s15, $0xb8;
	[tilespmem:$0x19F00] =	vst v63  }
0x11e: {  	s2 =	simm.s32 $0x19100;
	s5 =	simm.s32 $0x19900  }
0x11f: {  	[tilespmem:s5], [sflag:$0x2] =	stream.indirect.gather [spmem:s3], $0x1, s2, s15, $0xb8;
	[tilespmem:$0x19F00] =	vst v63  }
0x120: {  	s8 =	simm.s32 $0x19500;
	s20 =	simm.s32 $0x19D00  }
0x121: {  	[tilespmem:s20], [sflag:$0x2] =	stream.indirect.gather [spmem:s3], $0x1, s8, s15, $0xb8;
	[tilespmem:$0x19F00] =	vst v63  }
0x122: {  	s29 =	simm.s32 $0x19180;
	s30 =	simm.s32 $0x19980  }
0x123: {  	[tilespmem:s30], [sflag:$0x2] =	stream.indirect.gather [spmem:s3], $0x1, s29, s15, $0xb8;
	[tilespmem:$0x19F00] =	vst v63  }
0x124: {  	s2 =	simm.s32 $0x19580;
	s5 =	simm.s32 $0x19D80  }
0x125: {  	[tilespmem:s5], [sflag:$0x2] =	stream.indirect.gather [spmem:s3], $0x1, s2, s15, $0xb8;
	[tilespmem:$0x19F00] =	vst v63  }
0x126: {  	s8 =	simm.s32 $0x19200;
	s20 =	simm.s32 $0x19A00  }
0x127: {  	[tilespmem:s20], [sflag:$0x2] =	stream.indirect.gather [spmem:s3], $0x1, s8, s15, $0xb8;
	[tilespmem:$0x19F00] =	vst v63  }
0x128: {  	_ = 	snop  }
0x129: {  	[tilespmem:s7], [sflag:$0x2] =	stream.indirect.gather [spmem:s3], $0x1, s9, s15, $0xb8;
	[tilespmem:$0x19F00] =	vst v63  }
0x12a: {  	_ = 	snop  }
0x12b: {  	[tilespmem:s11], [sflag:$0x2] =	stream.indirect.gather [spmem:s3], $0x1, s10, s15, $0xb8;
	[tilespmem:$0x19F00] =	vst v63  }
0x12c: {  	_ = 	snop  }
0x12d: {  	[tilespmem:s16], [sflag:$0x2] =	stream.indirect.gather [spmem:s3], $0x1, s12, s15, $0xb8;
	[tilespmem:$0x19F00] =	vst v63  }
0x12e: {  	_ =	swait.ge [sflag:s17], $0x80  }
0x12f: {  	[sflag:s17] =	ssyncset.done $0x0  }
0x130: {  	[sflag:s17] =	ssyncadd.s32 $0xFFFFFF80  }
0x131: {  	_ =	swait.ge [sflag:s17], $0x80  }
0x132: {  	[sflag:s17] =	ssyncset.done $0x0  }
0x133: {  	[sflag:s17] =	ssyncadd.s32 $0xFFFFFF80  }
0x134: {  	_ =	swait.ge [sflag:s17], $0x80  }
0x135: {  	[sflag:s17] =	ssyncset.done $0x0  }
0x136: {  	[sflag:s17] =	ssyncadd.s32 $0xFFFFFF80  }
0x137: {  	_ =	swait.ge [sflag:s17], $0x80  }
0x138: {  	[sflag:s17] =	ssyncset.done $0x0  }
0x139: {  	[sflag:s17] =	ssyncadd.s32 $0xFFFFFF80  }
0x13a: {  	_ =	swait.ge [sflag:s17], $0x80  }
0x13b: {  	[sflag:s17] =	ssyncset.done $0x0  }
0x13c: {  	[sflag:s17] =	ssyncadd.s32 $0xFFFFFF80  }
0x13d: {  	_ =	swait.ge [sflag:s17], $0x80  }
0x13e: {  	[sflag:s17] =	ssyncset.done $0x0  }
0x13f: {  	[sflag:s17] =	ssyncadd.s32 $0xFFFFFF80  }
0x140: {  	_ =	swait.ge [sflag:s17], $0x80  }
0x141: {  	[sflag:s17] =	ssyncset.done $0x0  }
0x142: {  	[sflag:s17] =	ssyncadd.s32 $0xFFFFFF80  }
0x143: {  	_ =	swait.ge [sflag:s17], $0x80  }
0x144: {  	[sflag:s17] =	ssyncset.done $0x0  }
0x145: {  	[sflag:s17] =	ssyncadd.s32 $0xFFFFFF80  }
0x146: {  	_ =	swait.ge [sflag:s17], $0x80  }
0x147: {  	[sflag:s17] =	ssyncset.done $0x0  }
0x148: {  	[sflag:s17] =	ssyncadd.s32 $0xFFFFFF80  }
0x149: {  	_ =	swait.ge [sflag:s17], $0x80  }
0x14a: {  	[sflag:s17] =	ssyncset.done $0x0  }
0x14b: {  	[sflag:s17] =	ssyncadd.s32 $0xFFFFFF80  }
0x14c: {  	_ =	swait.ge [sflag:s17], $0x80  }
0x14d: {  	[sflag:s17] =	ssyncset.done $0x0  }
0x14e: {  	[sflag:s17] =	ssyncadd.s32 $0xFFFFFF80  }
0x14f: {  	_ =	swait.ge [sflag:s17], $0x80  }
0x150: {  	[sflag:s17] =	ssyncset.done $0x0  }
0x151: {  	[sflag:s17] =	ssyncadd.s32 $0xFFFFFF80  }
0x152: {  	_ =	swait.ge [sflag:s17], $0x80  }
0x153: {  	[sflag:s17] =	ssyncset.done $0x0  }
0x154: {  	[sflag:s17] =	ssyncadd.s32 $0xFFFFFF80  }
0x155: {  	_ =	swait.ge [sflag:s17], $0x80  }
0x156: {  	[sflag:s17] =	ssyncset.done $0x0  }
0x157: {  	[sflag:s17] =	ssyncadd.s32 $0xFFFFFF80  }
0x158: {  	_ =	swait.ge [sflag:s17], $0x80  }
0x159: {  	[sflag:s17] =	ssyncset.done $0x0  }
0x15a: {  	[sflag:s17] =	ssyncadd.s32 $0xFFFFFF80  }
0x15b: {  	s26 =	sshll.u32 s26, $0x11;
	s29 =	sshll.u32 s28, $0xF;
	_ =	swait.ge [sflag:s17], $0x80  }
0x15c: {  	s0 =	sor.u32 s29, s26;
	[sflag:s17] =	ssyncset.done $0x0  }
0x15d: {  	s0 =	sor.u32 s21, s0;
	[sflag:s17] =	ssyncadd.s32 $0xFFFFFF80  }
0x15e: {  	s0 =	sshrl.u32 s0, $0x3;
	s31 =	rddreg [dreg:$0x2]  }
.Ltmp3:
0x15f: {  	s30 =	simm.s32 $0x0;
	s0 =	sadd.s32 s31, s0;
	(pc) =	sbr.rel @p1 .LBB2_9-.Ltmp3, $4  }
0x160: {  	[hbm4b:s0+s30] =	stream.linear.scatter [tilespmem:s1], [sflag:$0x3], $0x800, $0x38;
	[tilespmem:$0x19F00] =	vst v63  }
0x161: {  	_ =	swait.ge [sflag:s18], $0x800  }
0x162: {  	[sflag:s18] =	ssyncset.done $0x0  }
0x163: {  	[sflag:s18] =	ssyncadd.s32 $0xFFFFF800  }
.Ltmp4:
0x164: {  	(pc) =	sbr.rel .LBB2_10-.Ltmp4, $2  }
0x165: {  	_ =	sdelay $0x1  }
0x166: {  	[bflag:$0x0] =	sbarrier.arrive $0xFFFF;
	_ =	sdelay $0x1  }
.LBB2_9:
0x167: {  	_ =	swait.ge [sflag:s13], $0x30D0  }
0x168: {  	[sflag:s13] =	ssyncset.done $0x0  }
0x169: {  	[sflag:s13] =	ssyncadd.s32 $0xFFFFCF30  }
0x16a: {  	_ =	swait.ge [sflag:s13], $0x10  }
0x16b: {  	[sflag:s13] =	ssyncset.done $0x0  }
0x16c: {  	[sflag:s13] =	ssyncadd.s32 $0xFFFFFFF0  }
0x16d: {  	_ =	swait.ge [sflag:s13], $0x30D0  }
0x16e: {  	[sflag:s13] =	ssyncset.done $0x0  }
0x16f: {  	[sflag:s13] =	ssyncadd.s32 $0xFFFFCF30  }
0x170: {  	_ =	swait.ge [sflag:s13], $0x10  }
0x171: {  	[sflag:s13] =	ssyncset.done $0x0  }
0x172: {  	[sflag:s13] =	ssyncadd.s32 $0xFFFFFFF0  }
0x173: {  	_ =	swait.ge [sflag:s13], $0x30D0  }
0x174: {  	[sflag:s13] =	ssyncset.done $0x0  }
0x175: {  	[sflag:s13] =	ssyncadd.s32 $0xFFFFCF30  }
0x176: {  	_ =	swait.ge [sflag:s13], $0x10  }
0x177: {  	[sflag:s13] =	ssyncset.done $0x0  }
0x178: {  	[sflag:s13] =	ssyncadd.s32 $0xFFFFFFF0  }
0x179: {  	_ =	swait.ge [sflag:s13], $0x30D0  }
0x17a: {  	[sflag:s13] =	ssyncset.done $0x0  }
0x17b: {  	[sflag:s13] =	ssyncadd.s32 $0xFFFFCF30  }
0x17c: {  	_ =	swait.ge [sflag:s13], $0x10  }
0x17d: {  	[sflag:s13] =	ssyncset.done $0x0  }
0x17e: {  	[sflag:s13] =	ssyncadd.s32 $0xFFFFFFF0  }
0x17f: {  	_ =	swait.ge [sflag:s13], $0x30D0  }
0x180: {  	[sflag:s13] =	ssyncset.done $0x0  }
0x181: {  	[sflag:s13] =	ssyncadd.s32 $0xFFFFCF30  }
0x182: {  	_ =	swait.ge [sflag:s13], $0x10  }
0x183: {  	[sflag:s13] =	ssyncset.done $0x0  }
0x184: {  	[sflag:s13] =	ssyncadd.s32 $0xFFFFFFF0  }
0x185: {  	_ =	swait.ge [sflag:s13], $0x30D0  }
0x186: {  	[sflag:s13] =	ssyncset.done $0x0  }
0x187: {  	[sflag:s13] =	ssyncadd.s32 $0xFFFFCF30  }
0x188: {  	_ =	swait.ge [sflag:s13], $0x10  }
0x189: {  	[sflag:s13] =	ssyncset.done $0x0  }
0x18a: {  	[sflag:s13] =	ssyncadd.s32 $0xFFFFFFF0  }
0x18b: {  	_ =	swait.ge [sflag:s13], $0x30D0  }
0x18c: {  	[sflag:s13] =	ssyncset.done $0x0  }
0x18d: {  	[sflag:s13] =	ssyncadd.s32 $0xFFFFCF30  }
0x18e: {  	_ =	swait.ge [sflag:s13], $0x10  }
0x18f: {  	[sflag:s13] =	ssyncset.done $0x0  }
0x190: {  	[sflag:s13] =	ssyncadd.s32 $0xFFFFFFF0  }
0x191: {  	p2 =	seq.s32 s22, $0x19;
	_ =	swait.ge [sflag:s13], $0x30D0  }
0x192: {  	s0 =	sadd.s32 @!p2 $0x2, s25;
	[sflag:s13] =	ssyncset.done $0x0  }
0x193: {  	s2 =	sshrl.u32 @!p2 s0, $0x2;
	s0 =	sand.u32 @!p2 $0x2, s0;
	[sflag:s13] =	ssyncadd.s32 $0xFFFFCF30  }
0x194: {  	s2 =	sadd.s32 @!p2 s6, s2;
	s8 =	smul.u32 @!p2 $0xC3800, s0;
	_ =	swait.ge [sflag:s13], $0x10  }
0x195: {  	s5 =	smul.u32 @!p2 $0x30E000, s2;
	[sflag:s13] =	ssyncset.done $0x0  }
0x196: {  	s20 =	sshrl.u32 @!p2 s3, $0x3;
	[sflag:s13] =	ssyncadd.s32 $0xFFFFFFF0  }
0x197: {  	s25 =	simm.s32 @!p2 $0x1;
	s5 =	sadd.s32 @!p2 s8, s5;
	[bflag:$0x0] =	sbarrier.arrive $0xFFFF  }
0x198: {  	s28 =	simm.s32 @!p2 $0x10;
	s5 =	sshrl.u32 @!p2 s5, $0x3;
	s8 =	rddreg [dreg:$0x1]  }
0x199: {  	s29 =	simm.s32 @!p2 $0x80;
	s30 =	simm.s32 @!p2 $0x1C01;
	s8 =	sadd.s32 @!p2 s8, s5  }
0x19a: {  	[spmem:s20@s28], [sflag:s30] =	dma.strided @!p2 [hbm:s8@s29], $0x30D0, s25, $0x10   }
0x19b: {  	s8 =	sld [smem:$0x7EF]  }
0x19c: {  	s0 =	sshll.u32 @!p2 s0, $0x7;
	s2 =	sshll.u32 @!p2 s2, $0x9  }
0x19d: {  	s0 =	sor.u32 @!p2 s0, s2;
	s2 =	rddreg [dreg:$0x15]  }
0x19e: {  	s2 =	sadd.s32 @!p2 s2, s0;
	s8 =	sshrl.u32 @!p2 s8, $0x3  }
0x19f: {  	[spmem:s8], [sflag:s30] =	dma.local @!p2 [hbm:s2], $0x10  }
0x1a0: {  	s8 =	sld [smem:$0x7F0];
	_ =	sdelay $0x1  }
0x1a1: {  	s2 =	rddreg [dreg:$0x6]  }
0x1a2: {  	s2 =	sadd.s32 @!p2 s5, s2;
	s8 =	sshrl.u32 @!p2 s8, $0x3  }
0x1a3: {  	[spmem:s8@s28], [sflag:s30] =	dma.strided @!p2 [hbm:s2@s29], $0x30D0, s25, $0x10   }
0x1a4: {  	s8 =	sld [smem:$0x7F1];
	_ =	sdelay $0x1  }
0x1a5: {  	s2 =	rddreg [dreg:$0x16]  }
0x1a6: {  	s2 =	sadd.s32 @!p2 s0, s2;
	s8 =	sshrl.u32 @!p2 s8, $0x3  }
0x1a7: {  	[spmem:s8], [sflag:s30] =	dma.local @!p2 [hbm:s2], $0x10  }
0x1a8: {  	s8 =	sld [smem:$0x7F2];
	_ =	sdelay $0x1  }
0x1a9: {  	s2 =	rddreg [dreg:$0x9]  }
0x1aa: {  	s2 =	sadd.s32 @!p2 s5, s2;
	s8 =	sshrl.u32 @!p2 s8, $0x3  }
0x1ab: {  	[spmem:s8@s28], [sflag:s30] =	dma.strided @!p2 [hbm:s2@s29], $0x30D0, s25, $0x10   }
0x1ac: {  	s8 =	sld [smem:$0x7F3];
	_ =	sdelay $0x1  }
0x1ad: {  	s2 =	rddreg [dreg:$0x17]  }
0x1ae: {  	s2 =	sadd.s32 @!p2 s0, s2;
	s8 =	sshrl.u32 @!p2 s8, $0x3  }
0x1af: {  	[spmem:s8], [sflag:s30] =	dma.local @!p2 [hbm:s2], $0x10  }
0x1b0: {  	s8 =	sld [smem:$0x7F4];
	_ =	sdelay $0x1  }
0x1b1: {  	s2 =	rddreg [dreg:$0xa]  }
0x1b2: {  	s2 =	sadd.s32 @!p2 s5, s2;
	s8 =	sshrl.u32 @!p2 s8, $0x3  }
0x1b3: {  	[spmem:s8@s28], [sflag:s30] =	dma.strided @!p2 [hbm:s2@s29], $0x30D0, s25, $0x10   }
0x1b4: {  	s8 =	sld [smem:$0x7F5];
	_ =	sdelay $0x1  }
0x1b5: {  	s2 =	rddreg [dreg:$0x18]  }
0x1b6: {  	s2 =	sadd.s32 @!p2 s0, s2;
	s8 =	sshrl.u32 @!p2 s8, $0x3  }
0x1b7: {  	[spmem:s8], [sflag:s30] =	dma.local @!p2 [hbm:s2], $0x10  }
0x1b8: {  	s8 =	sld [smem:$0x7F6];
	_ =	sdelay $0x1  }
0x1b9: {  	s2 =	rddreg [dreg:$0xb]  }
0x1ba: {  	s2 =	sadd.s32 @!p2 s5, s2;
	s8 =	sshrl.u32 @!p2 s8, $0x3  }
0x1bb: {  	[spmem:s8@s28], [sflag:s30] =	dma.strided @!p2 [hbm:s2@s29], $0x30D0, s25, $0x10   }
0x1bc: {  	s8 =	sld [smem:$0x7F7];
	_ =	sdelay $0x1  }
0x1bd: {  	s2 =	rddreg [dreg:$0x19]  }
0x1be: {  	s2 =	sadd.s32 @!p2 s0, s2;
	s8 =	sshrl.u32 @!p2 s8, $0x3  }
0x1bf: {  	[spmem:s8], [sflag:s30] =	dma.local @!p2 [hbm:s2], $0x10  }
0x1c0: {  	s8 =	sld [smem:$0x7F8];
	_ =	sdelay $0x1  }
0x1c1: {  	s2 =	rddreg [dreg:$0xf]  }
0x1c2: {  	s2 =	sadd.s32 @!p2 s5, s2;
	s8 =	sshrl.u32 @!p2 s8, $0x3  }
0x1c3: {  	[spmem:s8@s28], [sflag:s30] =	dma.strided @!p2 [hbm:s2@s29], $0x30D0, s25, $0x10   }
0x1c4: {  	s8 =	sld [smem:$0x7F9];
	_ =	sdelay $0x1  }
0x1c5: {  	s2 =	rddreg [dreg:$0x1a]  }
0x1c6: {  	s2 =	sadd.s32 @!p2 s0, s2;
	s8 =	sshrl.u32 @!p2 s8, $0x3  }
0x1c7: {  	[spmem:s8], [sflag:s30] =	dma.local @!p2 [hbm:s2], $0x10  }
0x1c8: {  	s8 =	sld [smem:$0x7FA];
	_ =	sdelay $0x1  }
0x1c9: {  	s2 =	rddreg [dreg:$0x10]  }
0x1ca: {  	s2 =	sadd.s32 @!p2 s5, s2;
	s8 =	sshrl.u32 @!p2 s8, $0x3  }
0x1cb: {  	[spmem:s8@s28], [sflag:s30] =	dma.strided @!p2 [hbm:s2@s29], $0x30D0, s25, $0x10   }
0x1cc: {  	s8 =	sld [smem:$0x7FB];
	_ =	sdelay $0x1  }
0x1cd: {  	s2 =	rddreg [dreg:$0x1b]  }
0x1ce: {  	s2 =	sadd.s32 @!p2 s0, s2;
	s8 =	sshrl.u32 @!p2 s8, $0x3  }
0x1cf: {  	[spmem:s8], [sflag:s30] =	dma.local @!p2 [hbm:s2], $0x10  }
0x1d0: {  	s2 =	rddreg [dreg:$0x11]  }
0x1d1: {  	s2 =	sadd.s32 @!p2 s5, s2;
	s5 =	sld [smem:$0x7FC];
	_ =	sdelay $0x2  }
0x1d2: {  	s5 =	sshrl.u32 @!p2 s5, $0x3  }
0x1d3: {  	[spmem:s5@s28], [sflag:s30] =	dma.strided @!p2 [hbm:s2@s29], $0x30D0, s25, $0x10   }
0x1d4: {  	s2 =	rddreg [dreg:$0x1c]  }
0x1d5: {  	s0 =	sadd.s32 @!p2 s0, s2;
	s2 =	sld [smem:$0x7FD];
	_ =	sdelay $0x2  }
0x1d6: {  	s2 =	sshrl.u32 @!p2 s2, $0x3  }
0x1d7: {  	[spmem:s2], [sflag:s30] =	dma.local @!p2 [hbm:s0], $0x10  }
.LBB2_10:
0x1d8: {  	s25 =	simm.s32 $0x0  }
0x1d9: {  	s0 =	sand.u32 $0x400, s25  }
0x1da: {  	s2 =	sand.u32 $0x70, s25;
	s5 =	sadd.s32 s0, s24  }
0x1db: {  	s5 =	sadd.s32 s2, s5  }
0x1dc: {  	v1 =	vld [tilespmem:s5+$0x0];
	_ =	sdelay $0x3  }
0x1dd: {  	s0 =	sor.u32 s2, s0  }
0x1de: {  	s5 =	sadd.s32 $0x18F00, s0;
	[tilespmem:s0+$0x18F00] =	vst v1;
	v2 =	vadd.s32 $0x18700, v1;
	v4 =	vadd.s32 $0x30E00, v1;
	v0 =	vadd.s32 $0xAB100, v1  }
0x1df: {  	s28 =	sor.u32 s25, s25;
	s2 =	simm.s32 $0x10;
	v3 =	vadd.s32 $0x49500, v1;
	v5 =	vadd.s32 $0x92A00, v1;
	[tilespmem:s5+$0x80] =	vst v2;
	v2 =	vadd.s32 $0x61C00, v1  }
.LBB2_11:
0x1e0: {  	p2 =	sne.s32 s2, $0xF0  }
0x1e1: {  	[tilespmem:s5+$0x100] =	vst v4;
	v1 =	vadd.s32 $0x7A300, v1;
	s25 =	sadd.s32 $0x80, s25;
	s0 =	smov.u32 s2;
	s2 =	sadd.s32 $0x10, s2  }
0x1e2: {  	s8 =	sor.u32 s25, s0;
	[tilespmem:s5+$0x300] =	vst v5  }
0x1e3: {  	[tilespmem:s5+$0x280] =	vst v1  }
0x1e4: {  	s29 =	sor.u32 $0x380, s28;
	s20 =	sand.u32 $0x400, s25;
	s28 =	smov.u32 s8;
	[tilespmem:s5+$0x180] =	vst v3  }
0x1e5: {  	s0 =	sand.u32 $0x70, s0;
	s8 =	sadd.s32 s20, s24;
	[tilespmem:s5+$0x200] =	vst v2  }
0x1e6: {  	s5 =	sadd.s32 s0, s8;
	s0 =	sor.u32 s0, s20;
	[tilespmem:s29+$0x18F00] =	vst v0  }
0x1e7: {  	v1 =	vld [tilespmem:s5+$0x0];
	_ =	sdelay $0x1  }
.Ltmp5:
0x1e8: {  	(pc) =	sbr.rel @p2 .LBB2_11-.Ltmp5, $3  }
0x1e9: {  	_ =	sdelay $0x1  }
0x1ea: {  	s5 =	sadd.s32 $0x18F00, s0;
	[tilespmem:s0+$0x18F00] =	vst v1;
	v2 =	vadd.s32 $0x18700, v1;
	v4 =	vadd.s32 $0x30E00, v1;
	v0 =	vadd.s32 $0xAB100, v1  }
0x1eb: {  	v3 =	vadd.s32 $0x49500, v1;
	v5 =	vadd.s32 $0x92A00, v1;
	[tilespmem:s5+$0x80] =	vst v2;
	v2 =	vadd.s32 $0x61C00, v1  }
0x1ec: {  	[tilespmem:s5+$0x100] =	vst v4  }
0x1ed: {  	[tilespmem:s5+$0x300] =	vst v5  }
0x1ee: {  	[tilespmem:s5+$0x180] =	vst v3  }
0x1ef: {  	v1 =	vadd.s32 $0x7A300, v1;
	[tilespmem:s5+$0x200] =	vst v2  }
0x1f0: {  	s0 =	sor.u32 $0x380, s28;
	[tilespmem:s5+$0x280] =	vst v1  }
0x1f1: {  	s5 =	simm.s32 $0x18F00;
	[tilespmem:s0+$0x18F00] =	vst v0  }
0x1f2: {  	[tilespmem:s1], [sflag:$0x2] =	stream.indirect.gather [spmem:s4], $0x1, s5, s15, $0xb8;
	[tilespmem:$0x19F00] =	vst v63  }
0x1f3: {  	s8 =	simm.s32 $0x19300;
	s2 =	simm.s32 $0x19B00  }
0x1f4: {  	[tilespmem:s2], [sflag:$0x2] =	stream.indirect.gather [spmem:s4], $0x1, s8, s15, $0xb8;
	[tilespmem:$0x19F00] =	vst v63  }
0x1f5: {  	s20 =	simm.s32 $0x18F80;
	s24 =	simm.s32 $0x19780  }
0x1f6: {  	[tilespmem:s24], [sflag:$0x2] =	stream.indirect.gather [spmem:s4], $0x1, s20, s15, $0xb8;
	[tilespmem:$0x19F00] =	vst v63  }
0x1f7: {  	s25 =	simm.s32 $0x19380;
	s28 =	simm.s32 $0x19B80  }
0x1f8: {  	[tilespmem:s28], [sflag:$0x2] =	stream.indirect.gather [spmem:s4], $0x1, s25, s15, $0xb8;
	[tilespmem:$0x19F00] =	vst v63  }
0x1f9: {  	s29 =	simm.s32 $0x19000;
	s30 =	simm.s32 $0x19800  }
0x1fa: {  	[tilespmem:s30], [sflag:$0x2] =	stream.indirect.gather [spmem:s4], $0x1, s29, s15, $0xb8;
	[tilespmem:$0x19F00] =	vst v63  }
0x1fb: {  	s5 =	simm.s32 $0x19400;
	s8 =	simm.s32 $0x19C00  }
0x1fc: {  	[tilespmem:s8], [sflag:$0x2] =	stream.indirect.gather [spmem:s4], $0x1, s5, s15, $0xb8;
	[tilespmem:$0x19F00] =	vst v63  }
0x1fd: {  	s20 =	simm.s32 $0x19080;
	s24 =	simm.s32 $0x19880  }
0x1fe: {  	[tilespmem:s24], [sflag:$0x2] =	stream.indirect.gather [spmem:s4], $0x1, s20, s15, $0xb8;
	[tilespmem:$0x19F00] =	vst v63  }
0x1ff: {  	s25 =	simm.s32 $0x19480;
	s28 =	simm.s32 $0x19C80  }
0x200: {  	[tilespmem:s28], [sflag:$0x2] =	stream.indirect.gather [spmem:s4], $0x1, s25, s15, $0xb8;
	[tilespmem:$0x19F00] =	vst v63  }
0x201: {  	s29 =	simm.s32 $0x19100;
	s30 =	simm.s32 $0x19900  }
0x202: {  	[tilespmem:s30], [sflag:$0x2] =	stream.indirect.gather [spmem:s4], $0x1, s29, s15, $0xb8;
	[tilespmem:$0x19F00] =	vst v63  }
0x203: {  	s2 =	simm.s32 $0x19500;
	s5 =	simm.s32 $0x19D00  }
0x204: {  	[tilespmem:s5], [sflag:$0x2] =	stream.indirect.gather [spmem:s4], $0x1, s2, s15, $0xb8;
	[tilespmem:$0x19F00] =	vst v63  }
0x205: {  	s8 =	simm.s32 $0x19180;
	s20 =	simm.s32 $0x19980  }
0x206: {  	[tilespmem:s20], [sflag:$0x2] =	stream.indirect.gather [spmem:s4], $0x1, s8, s15, $0xb8;
	[tilespmem:$0x19F00] =	vst v63  }
0x207: {  	s24 =	simm.s32 $0x19580;
	s25 =	simm.s32 $0x19D80  }
0x208: {  	[tilespmem:s25], [sflag:$0x2] =	stream.indirect.gather [spmem:s4], $0x1, s24, s15, $0xb8;
	[tilespmem:$0x19F00] =	vst v63  }
0x209: {  	s28 =	simm.s32 $0x19200;
	s29 =	simm.s32 $0x19A00  }
0x20a: {  	[tilespmem:s29], [sflag:$0x2] =	stream.indirect.gather [spmem:s4], $0x1, s28, s15, $0xb8;
	[tilespmem:$0x19F00] =	vst v63  }
0x20b: {  	_ = 	snop  }
0x20c: {  	[tilespmem:s7], [sflag:$0x2] =	stream.indirect.gather [spmem:s4], $0x1, s9, s15, $0xb8;
	[tilespmem:$0x19F00] =	vst v63  }
0x20d: {  	_ = 	snop  }
0x20e: {  	[tilespmem:s11], [sflag:$0x2] =	stream.indirect.gather [spmem:s4], $0x1, s10, s15, $0xb8;
	[tilespmem:$0x19F00] =	vst v63  }
0x20f: {  	_ = 	snop  }
0x210: {  	[tilespmem:s16], [sflag:$0x2] =	stream.indirect.gather [spmem:s4], $0x1, s12, s15, $0xb8;
	[tilespmem:$0x19F00] =	vst v63  }
0x211: {  	_ =	swait.ge [sflag:s17], $0x80  }
0x212: {  	[sflag:s17] =	ssyncset.done $0x0  }
0x213: {  	[sflag:s17] =	ssyncadd.s32 $0xFFFFFF80  }
0x214: {  	_ =	swait.ge [sflag:s17], $0x80  }
0x215: {  	[sflag:s17] =	ssyncset.done $0x0  }
0x216: {  	[sflag:s17] =	ssyncadd.s32 $0xFFFFFF80  }
0x217: {  	_ =	swait.ge [sflag:s17], $0x80  }
0x218: {  	[sflag:s17] =	ssyncset.done $0x0  }
0x219: {  	[sflag:s17] =	ssyncadd.s32 $0xFFFFFF80  }
0x21a: {  	_ =	swait.ge [sflag:s17], $0x80  }
0x21b: {  	[sflag:s17] =	ssyncset.done $0x0  }
0x21c: {  	[sflag:s17] =	ssyncadd.s32 $0xFFFFFF80  }
0x21d: {  	_ =	swait.ge [sflag:s17], $0x80  }
0x21e: {  	[sflag:s17] =	ssyncset.done $0x0  }
0x21f: {  	[sflag:s17] =	ssyncadd.s32 $0xFFFFFF80  }
0x220: {  	_ =	swait.ge [sflag:s17], $0x80  }
0x221: {  	[sflag:s17] =	ssyncset.done $0x0  }
0x222: {  	[sflag:s17] =	ssyncadd.s32 $0xFFFFFF80  }
0x223: {  	_ =	swait.ge [sflag:s17], $0x80  }
0x224: {  	[sflag:s17] =	ssyncset.done $0x0  }
0x225: {  	[sflag:s17] =	ssyncadd.s32 $0xFFFFFF80  }
0x226: {  	_ =	swait.ge [sflag:s17], $0x80  }
0x227: {  	[sflag:s17] =	ssyncset.done $0x0  }
0x228: {  	[sflag:s17] =	ssyncadd.s32 $0xFFFFFF80  }
0x229: {  	_ =	swait.ge [sflag:s17], $0x80  }
0x22a: {  	[sflag:s17] =	ssyncset.done $0x0  }
0x22b: {  	[sflag:s17] =	ssyncadd.s32 $0xFFFFFF80  }
0x22c: {  	_ =	swait.ge [sflag:s17], $0x80  }
0x22d: {  	[sflag:s17] =	ssyncset.done $0x0  }
0x22e: {  	[sflag:s17] =	ssyncadd.s32 $0xFFFFFF80  }
0x22f: {  	_ =	swait.ge [sflag:s17], $0x80  }
0x230: {  	[sflag:s17] =	ssyncset.done $0x0  }
0x231: {  	[sflag:s17] =	ssyncadd.s32 $0xFFFFFF80  }
0x232: {  	_ =	swait.ge [sflag:s17], $0x80  }
0x233: {  	[sflag:s17] =	ssyncset.done $0x0  }
0x234: {  	[sflag:s17] =	ssyncadd.s32 $0xFFFFFF80  }
0x235: {  	_ =	swait.ge [sflag:s17], $0x80  }
0x236: {  	[sflag:s17] =	ssyncset.done $0x0  }
0x237: {  	[sflag:s17] =	ssyncadd.s32 $0xFFFFFF80  }
0x238: {  	_ =	swait.ge [sflag:s17], $0x80  }
0x239: {  	[sflag:s17] =	ssyncset.done $0x0  }
0x23a: {  	s30 =	sshll.u32 s23, $0xF;
	[sflag:s17] =	ssyncadd.s32 $0xFFFFFF80  }
0x23b: {  	s0 =	sand.u32 $0x18000, s30;
	_ =	swait.ge [sflag:s17], $0x80  }
0x23c: {  	s0 =	sor.u32 s0, s21;
	[sflag:s17] =	ssyncset.done $0x0  }
0x23d: {  	s0 =	sor.u32 s26, s0;
	[sflag:s17] =	ssyncadd.s32 $0xFFFFFF80  }
0x23e: {  	s22 =	sadd.s32 $0x1, s22;
	s0 =	sshrl.u32 s0, $0x3;
	_ =	swait.ge [sflag:s17], $0x80  }
0x23f: {  	p2 =	sne.s32 s22, $0x1A;
	s0 =	sadd.s32 s31, s0;
	[sflag:s17] =	ssyncset.done $0x0  }
.Ltmp6:
0x240: {  	s31 =	simm.s32 $0x0;
	[sflag:s17] =	ssyncadd.s32 $0xFFFFFF80;
	(pc) =	sbr.rel @p2 .LBB2_2-.Ltmp6, $4  }
0x241: {  	[hbm4b:s0+s31] =	stream.linear.scatter [tilespmem:s1], [sflag:$0x3], $0x800, $0x38;
	[tilespmem:$0x19F00] =	vst v63  }
0x242: {  	_ =	swait.ge [sflag:s18], $0x800  }
0x243: {  	[sflag:s18] =	ssyncset.done $0x0  }
0x244: {  	[sflag:s18] =	ssyncadd.s32 $0xFFFFF800  }
0x245: {  	s2 =	sld [smem:$0x7D8]  }
0x246: {  	s0 =	sld [smem:$0x7DF];
	_ =	sdelay $0x1  }
0x247: {  	s2 =	sadd.s32 $0x1, s2  }
0x248: {  	p2 =	sne.s32 s2, s0  }
.Ltmp7:
0x249: {  	_ = 	snop;
	(pc) =	sbr.rel @p2 .LBB2_1-.Ltmp7, $1  }
0x24a: {  	_ =	sdelay $0x3  }
0x24b: {  	_ =	sfence.sel $0x180000  }
0x24c: {  	[bflag:$0x0] =	sbarrier.arrive $0xFFFF  }
0x24d: {  	_ =	strace $0x90000047  }
0x24e: {  	[bflag:$0x2] =	sbarrier.arrive $0xFFFF  }
0x24f: {  	s0 =	rddreg [dreg:$0x5]  }
0x250: {  	s0 =	sadd.s32 @!p0 $0x100000, s0  }
0x251: {  	[sflag:s0] =	ssyncadd.tile.s32 @!p0 $0x1;
	_ =	shalt  }
.Lfunc_end2:
_tile_overlayer_lowered:
.L_overlay_start_2:
0x252: {  	(tag) =	ssettag $0x2  }
0x253: {  	s0 =	rddreg [dreg:$0x0];
	s2 =	stileid.u32  }
0x254: {  	s1 =	rddreg [dreg:$0x1];
	p0 =	sne.s32 s2, $0x0  }
0x255: {  	s3 =	rddreg [dreg:$0x2];
	[bflag:$0x3] =	sbarrier.arrive $0xFFFF;
	s2 =	simm.s32 @!p0 $0x1C03  }
0x256: {  	[timem:s3], [sflag:s2] =	dma.local @!p0 [hbm:s0], s1  }
0x257: {  	s0 =	simm.s32 @!p0 $0x3  }
0x258: {  	_ =	swait.ge @!p0 [sflag:s0], s1  }
0x259: {  	s1 =	ssub.s32 @!p0 $0x0, s1;
	[sflag:s0] =	ssyncset.done @!p0 $0x0  }
0x25a: {  	[sflag:s0] =	ssyncadd.s32 @!p0 s1  }
0x25b: {  	[bflag:$0x3] =	sbarrier.arrive $0xFFFF  }
0x25c: {  	_ =	shalt  }

</sc_bundles>
